<compile_context>
chip_gen: v7x
topology: tpu7x:2x2x1
jax: 0.10.2.dev20260603
libtpu: 0.0.44.dev20260713+nightly
codegen_flags: <defaults>
</compile_context>

<pallas_src>
import functools

import jax
import jax.numpy as jnp
from jax import lax
from jax.experimental import pallas as pl
from jax.experimental.pallas import tpu as pltpu
from jax.experimental.pallas import tpu_sc as plsc

N = 1600000
V = 50000
D_OUT = 64
VX = 0.2
VY = 0.2
X_OFFSET = VX / 2 + 0.0
Y_OFFSET = VY / 2 + (-40.0)

NC = 2
NS = 16
NW = NC * NS
C = N // NW
P = 10000
M = N // 16
BS_ITERS = 17

_mesh = plsc.VectorSubcoreMesh(core_axis_name="c", subcore_axis_name="s")


def _splat0(vec):
    return vec.at[jnp.zeros((16,), jnp.int32)].get(mode="promise_in_bounds")


@functools.partial(
    pl.kernel,
    out_type=jax.ShapeDtypeStruct((V * D_OUT,), jnp.float32),
    mesh=_mesh,
    scratch_types=[
        pltpu.VMEM((P + 16,), jnp.float32),
        pltpu.VMEM((P + 16,), jnp.float32),
        pltpu.VMEM((P + 16,), jnp.float32),
        pltpu.VMEM((P + 16,), jnp.float32),
        pltpu.VMEM((P + 16,), jnp.int32),
        pltpu.VMEM((P + 16,), jnp.int32),
        pltpu.VMEM((P + 32,), jnp.int32),
        pltpu.VMEM((9, 64), jnp.float32),
        pltpu.VMEM((16,), jnp.int32),
        pltpu.VMEM((16,), jnp.int32),
        pltpu.VMEM((16,), jnp.int32),
        pltpu.VMEM((16 * 64,), jnp.float32),
        pltpu.VMEM((16 * 64,), jnp.float32),
        pltpu.SemaphoreType.DMA,
        pltpu.SemaphoreType.DMA,
    ],
    compiler_params=pltpu.CompilerParams(use_tc_tiling_on_sc=False,
                                         needs_layout_passes=False),
)
def _pfnet_kernel(p0_hbm, p1_hbm, p2_hbm, p3_hbm, g2_hbm, g3_hbm,
                  ids_hbm, wt_hbm, out_hbm,
                  p0_b, p1_b, p2_b, p3_b, g2_b, g3_b, ids_b, wt_b,
                  lo_b, hi_b, bs_b, stage_b, zero_b, zsem, sem):
    w = lax.axis_index("c") * NS + lax.axis_index("s")

    pltpu.sync_copy(wt_hbm, wt_b)

    @pl.when(w > 0)
    def _():
        pltpu.sync_copy(ids_hbm.at[pl.ds(pl.multiple_of(w * C - 16, 16), 16)],
                        lo_b)

    @pl.when(w == 0)
    def _():
        lo_b[...] = jnp.full((16,), -1, jnp.int32)

    pltpu.sync_copy(
        ids_hbm.at[pl.ds(pl.multiple_of((w + 1) * C - 16, 16), 16)], hi_b)

    own_lo = lo_b[...][15] + 1
    own_hi = jnp.where(w == NW - 1, V, hi_b[...][15] + 1)

    for t in range(64):
        zero_b[pl.ds(16 * t, 16)] = jnp.zeros((16,), jnp.float32)

    nz = own_hi - own_lo
    ntile = lax.div(nz, 16)
    tail = nz - ntile * 16

    def ztile(t, _):
        dst = pl.multiple_of((own_lo + 16 * t) * 64, 64)
        pltpu.async_copy(zero_b, out_hbm.at[pl.ds(dst, 16 * 64)], zsem)
        return 0

    lax.fori_loop(0, ntile, ztile, 0)

    def zrow(j, _):
        dst = pl.multiple_of((own_lo + ntile * 16 + j) * 64, 64)
        pltpu.async_copy(zero_b.at[pl.ds(0, 64)],
                         out_hbm.at[pl.ds(dst, 64)], zsem)
        return 0

    lax.fori_loop(0, tail, zrow, 0)

    def zdrain_t(t, _):
        pltpu.make_async_copy(
            zero_b, out_hbm.at[pl.ds(pl.multiple_of(own_lo * 64, 64),
                                     16 * 64)], zsem).wait()
        return 0

    lax.fori_loop(0, ntile, zdrain_t, 0)

    def zdrain_r(j, _):
        pltpu.make_async_copy(
            zero_b.at[pl.ds(0, 64)],
            out_hbm.at[pl.ds(pl.multiple_of(own_lo * 64, 64), 64)],
            zsem).wait()
        return 0

    lax.fori_loop(0, tail, zdrain_r, 0)

    def bpos(x):
        def bs_body(_, s):
            lo, hi = s
            mid = lax.div(lo + hi, 2)
            pltpu.sync_copy(
                ids_hbm.at[pl.ds(pl.multiple_of(16 * mid, 16), 16)], bs_b)
            ge = bs_b[...][0] >= x
            lo2 = jnp.where(jnp.logical_and(lo < hi, jnp.logical_not(ge)),
                            mid + 1, lo)
            hi2 = jnp.where(jnp.logical_and(lo < hi, ge), mid, hi)
            return lo2, hi2

        jstar, _ = lax.fori_loop(0, BS_ITERS, bs_body,
                                 (jnp.int32(0), jnp.int32(M)))
        jm1 = jnp.maximum(jstar - 1, 0)
        pltpu.sync_copy(
            ids_hbm.at[pl.ds(pl.multiple_of(16 * jm1, 16), 16)], bs_b)
        nlt = plsc.all_reduce_population_count(bs_b[...] < x)[0]
        return jnp.where(jstar == 0, 0, jm1 * 16 + nlt)

    start = bpos(own_lo)
    end = bpos(own_hi)

    def wrowv(j):
        return [wt_b[j, pl.ds(c * 16, 16)] for c in range(4)]

    w0, w1, w2, w3, w4, w5, w6, w7, w8 = [wrowv(j) for j in range(9)]
    r0 = [w0[c] + w4[c] + w7[c] for c in range(4)]
    r1 = [w1[c] + w5[c] + w8[c] for c in range(4)]
    r2 = [w2[c] + w6[c] for c in range(4)]
    r3 = w3
    r4 = [-VX * w7[c] for c in range(4)]
    r5 = [-VY * w8[c] for c in range(4)]
    bias = [-X_OFFSET * w7[c] - Y_OFFSET * w8[c] for c in range(4)]

    def piece_body(_, st):
        q = st[0]
        ofs = jnp.minimum(q - lax.rem(q, 16), N - P)
        ofs = pl.multiple_of(ofs, 16)
        for src, dst in ((p0_hbm, p0_b), (p1_hbm, p1_b), (p2_hbm, p2_b),
                         (p3_hbm, p3_b), (g2_hbm, g2_b), (g3_hbm, g3_b)):
            pltpu.sync_copy(src.at[pl.ds(ofs, P)], dst.at[pl.ds(0, P)])
        pltpu.sync_copy(ids_hbm.at[pl.ds(ofs, P)], ids_b.at[pl.ds(0, P)])
        qhi = jnp.minimum(ofs + P, end)
        pp = jnp.maximum(qhi - q, 0)
        base = q - ofs

        def it_body(k, s):
            (cur, sc, cntv, sxv, syv, szv, a0, a1, a2, a3) = s
            i = base + k
            vid = ids_b[pl.ds(i, 16)][0]
            p0v = _splat0(p0_b[pl.ds(i, 16)])
            p1v = _splat0(p1_b[pl.ds(i, 16)])
            p2v = _splat0(p2_b[pl.ds(i, 16)])
            p3v = _splat0(p3_b[pl.ds(i, 16)])
            g2v = _splat0(g2_b[pl.ds(i, 16)]).astype(jnp.float32)
            g3v = _splat0(g3_b[pl.ds(i, 16)]).astype(jnp.float32)
            A = [(bias[c] + p0v * r0[c]) + (p1v * r1[c] + p2v * r2[c])
                 + ((p3v * r3[c] + g3v * r4[c]) + g2v * r5[c])
                 for c in range(4)]

            is_new = vid != cur
            do_close = jnp.logical_and(is_new, cur >= 0)
            slot = lax.rem(sc, 16)

            @pl.when(do_close)
            def _():
                @pl.when(jnp.logical_and(slot == 0, sc > 0))
                def _():
                    def dr(j, _):
                        pltpu.make_async_copy(
                            stage_b.at[pl.ds(0, 64)],
                            out_hbm.at[pl.ds(0, 64)], sem).wait()
                        return 0

                    lax.fori_loop(0, 16, dr, 0)

                acc = (a0, a1, a2, a3)
                sbase = slot * 64
                for c in range(4):
                    m = ((sxv * w4[c] + syv * w5[c]) + szv * w6[c]) / cntv
                    stage_b[pl.ds(sbase + 16 * c, 16)] = jnp.maximum(
                        acc[c] - m, 0.0)
                pltpu.async_copy(
                    stage_b.at[pl.ds(pl.multiple_of(sbase, 64), 64)],
                    out_hbm.at[pl.ds(pl.multiple_of(cur * 64, 64), 64)],
                    sem)

            sc2 = jnp.where(do_close, sc + 1, sc)
            onev = jnp.ones((16,), jnp.float32)
            cntv2 = jnp.where(is_new, onev, cntv + onev)
            sxv2 = jnp.where(is_new, p0v, sxv + p0v)
            syv2 = jnp.where(is_new, p1v, syv + p1v)
            szv2 = jnp.where(is_new, p2v, szv + p2v)
            a0n = jnp.where(is_new, A[0], jnp.maximum(a0, A[0]))
            a1n = jnp.where(is_new, A[1], jnp.maximum(a1, A[1]))
            a2n = jnp.where(is_new, A[2], jnp.maximum(a2, A[2]))
            a3n = jnp.where(is_new, A[3], jnp.maximum(a3, A[3]))
            return (vid, sc2, cntv2, sxv2, syv2, szv2, a0n, a1n, a2n, a3n)

        inner = lax.fori_loop(0, pp, it_body, st[1:])
        return (q + pp,) + inner

    zrow16 = jnp.zeros((16,), jnp.float32)
    npieces = lax.div(end - start, P - 16) + 2
    init = (start, jnp.int32(-1), jnp.int32(0),
            jnp.ones((16,), jnp.float32), zrow16, zrow16, zrow16,
            zrow16, zrow16, zrow16, zrow16)
    fin = lax.fori_loop(0, npieces, piece_body, init)
    (_, cur_f, sc_f, cntv_f, sxv_f, syv_f, szv_f, a0f, a1f, a2f, a3f) = fin

    @pl.when(end > start)
    def _():
        slot = lax.rem(sc_f, 16)

        @pl.when(jnp.logical_and(slot == 0, sc_f > 0))
        def _():
            def dr(j, _):
                pltpu.make_async_copy(stage_b.at[pl.ds(0, 64)],
                                      out_hbm.at[pl.ds(0, 64)], sem).wait()
                return 0

            lax.fori_loop(0, 16, dr, 0)

        sbase = slot * 64
        for c in range(4):
            acc = (a0f, a1f, a2f, a3f)[c]
            m = ((sxv_f * w4[c] + syv_f * w5[c]) + szv_f * w6[c]) / cntv_f
            stage_b[pl.ds(sbase + 16 * c, 16)] = jnp.maximum(acc - m, 0.0)
        pltpu.async_copy(
            stage_b.at[pl.ds(pl.multiple_of(sbase, 64), 64)],
            out_hbm.at[pl.ds(pl.multiple_of(cur_f * 64, 64), 64)], sem)

        out_cnt = lax.rem(sc_f, 16) + 1

        def dr2(j, _):
            pltpu.make_async_copy(stage_b.at[pl.ds(0, 64)],
                                  out_hbm.at[pl.ds(0, 64)], sem).wait()
            return 0

        lax.fori_loop(0, out_cnt, dr2, 0)


def kernel(points, unq_inv, grid_ind, W):
    wt = jnp.transpose(W)
    out = _pfnet_kernel(points[:, 0], points[:, 1], points[:, 2],
                        points[:, 3], grid_ind[:, 2], grid_ind[:, 3],
                        unq_inv, wt)
    return out.reshape(V, D_OUT)

# --- scband reference (transcript-rebuilt; emitter-appended) ---
"""Pipeline reference for scband-dynamic-pfnet-60009283060228 (READ-ONLY COPY).

The authoritative reference and input builder live on the scoring server;
editing this copy changes nothing except your own understanding.
"""

import jax, jax.numpy as jnp
import numpy as np

N = 1600000
V = 50000
D_IN = 9
D_OUT = 64
VX = 0.2
VY = 0.2
X_OFFSET = VX / 2 + 0.0
Y_OFFSET = VY / 2 + (-40.0)


def setup_inputs(seed: int = 0) -> dict:
    key = jax.random.key(seed)
    k1, k2, k3, k4 = jax.random.split(key, 4)
    points = jax.random.normal(k1, (N, 4), dtype=jnp.float32)
    unq_inv = jnp.sort(jax.random.randint(k2, (N,), 0, V, dtype=jnp.int32))
    grid_ind = jax.random.randint(k3, (N, 4), 0, 350, dtype=jnp.int32)
    # PFNLayer linear weight: nn.Linear(in_channels=9, out_channels=64, bias=False)
    W = jax.random.normal(k4, (D_OUT, D_IN), dtype=jnp.float32) * 0.1
    return {"points": points, "unq_inv": unq_inv, "grid_ind": grid_ind, "W": W}


def _get_cluster(xyz, unq_inv):
    # torch_scatter.scatter_mean(points, unq_inv, dim=0)
    sums = jax.ops.segment_sum(xyz, unq_inv, num_segments=V)
    cnts = jax.ops.segment_sum(jnp.ones((xyz.shape[0], 1), dtype=xyz.dtype), unq_inv, num_segments=V)
    mean = sums / jnp.maximum(cnts, 1.0)
    return xyz - mean[unq_inv]


def reference(points, unq_inv, grid_ind, W):
    dtype = points.dtype
    # feature_deco: voxel_shape='cuboid', xyz_cluster=True, xy_center=True
    features = [points]
    center1 = grid_ind[:, 3:].astype(dtype) * VX + X_OFFSET
    center2 = grid_ind[:, 2:3].astype(dtype) * VY + Y_OFFSET
    xyz = points[:, :3]
    features.append(_get_cluster(xyz, unq_inv))
    x_center, y_center = center1, center2
    features.append(xyz[:, 0:1] - x_center)
    features.append(xyz[:, 1:2] - y_center)
    feats = jnp.concatenate(features, axis=-1)  # [N, 9]
    # PFNLayer.forward_dynamic (last_layer=True, no norm in dynamic path)
    x = feats @ W.T
    x = jax.nn.relu(x)
    x_max = jax.ops.segment_max(x, unq_inv, num_segments=V)
    # torch_scatter.scatter_max leaves empty segments at fill value; map -inf -> 0
    x_max = jnp.where(jnp.isneginf(x_max), 0.0, x_max)
    return x_max

if __name__ == "__main__":
    import jax
    _d = setup_inputs()
    print(jax.jit(kernel)(*tuple(_d.values())))

</pallas_src>

<mosaic_0001>
#map = affine_map<(d0, d1) -> (0)>
#map1 = affine_map<(d0, d1) -> (0, 0)>
module attributes {stable_mosaic.version = 14 : i64} {
  func.func @_pfnet_kernel(%arg0: i32, %arg1: i32, %arg2: memref<1600000xf32, #tpu.memory_space<hbm>>, %arg3: memref<1600000xf32, #tpu.memory_space<hbm>>, %arg4: memref<1600000xf32, #tpu.memory_space<hbm>>, %arg5: memref<1600000xf32, #tpu.memory_space<hbm>>, %arg6: memref<1600000xi32, #tpu.memory_space<hbm>>, %arg7: memref<1600000xi32, #tpu.memory_space<hbm>>, %arg8: memref<1600000xi32, #tpu.memory_space<hbm>>, %arg9: memref<9x64xf32, #tpu.memory_space<hbm>>, %arg10: memref<3200000xf32, #tpu.memory_space<hbm>>, %arg11: memref<10016xf32, #tpu.memory_space<vmem>>, %arg12: memref<10016xf32, #tpu.memory_space<vmem>>, %arg13: memref<10016xf32, #tpu.memory_space<vmem>>, %arg14: memref<10016xf32, #tpu.memory_space<vmem>>, %arg15: memref<10016xi32, #tpu.memory_space<vmem>>, %arg16: memref<10016xi32, #tpu.memory_space<vmem>>, %arg17: memref<10032xi32, #tpu.memory_space<vmem>>, %arg18: memref<9x64xf32, #tpu.memory_space<vmem>>, %arg19: memref<16xi32, #tpu.memory_space<vmem>>, %arg20: memref<16xi32, #tpu.memory_space<vmem>>, %arg21: memref<16xi32, #tpu.memory_space<vmem>>, %arg22: memref<1024xf32, #tpu.memory_space<vmem>>, %arg23: memref<1024xf32, #tpu.memory_space<vmem>>, %arg24: memref<!tpu.dma_semaphore, #tpu.memory_space<semaphore_mem>>, %arg25: memref<!tpu.dma_semaphore, #tpu.memory_space<semaphore_mem>>) attributes {dimension_semantics = [#tpu.dimension_semantics<core_parallel>, #tpu.dimension_semantics<subcore_parallel>], iteration_bounds = array<i64: 2, 16>, scalar_prefetch = 0 : i64, scratch_operands = 15 : i64, tpu.core_type = #tpu.core_type<sc_vector_subcore>, window_params = [{transform_indices = #map}, {transform_indices = #map}, {transform_indices = #map}, {transform_indices = #map}, {transform_indices = #map}, {transform_indices = #map}, {transform_indices = #map}, {transform_indices = #map1}, {transform_indices = #map}]} {
    %mul3A = arith.constant 16 : i32
    %mul3A_0 = arith.muli %arg0, %mul3A : i32
    %add3A = arith.addi %mul3A_0, %arg1 : i32
    "tpu.region"() ({
      %run_scoped3A = tpu.sem_alloc : memref<!tpu.dma_semaphore, #tpu.memory_space<semaphore_mem>>
      tpu.enqueue_dma source(%arg9 : memref<9x64xf32, #tpu.memory_space<hbm>>) target(%arg18 : memref<9x64xf32, #tpu.memory_space<vmem>>) target_semaphore(%run_scoped3A : memref<!tpu.dma_semaphore, #tpu.memory_space<semaphore_mem>>)
      tpu.wait_dma2 semaphore(%run_scoped3A : memref<!tpu.dma_semaphore, #tpu.memory_space<semaphore_mem>>) src(%arg9 : memref<9x64xf32, #tpu.memory_space<hbm>>) dst(%arg18 : memref<9x64xf32, #tpu.memory_space<vmem>>)
      tpu.yield
    }) : () -> ()
    %gt3A = arith.constant 0 : i32
    %gt3A_1 = arith.cmpi sgt, %add3A, %gt3A : i32
    %convert_element_type3A = arith.extui %gt3A_1 : i1 to i32
    %cond3A = arith.constant 0 : i32
    %cond3A_2 = arith.cmpi ne, %convert_element_type3A, %cond3A : i32
    scf.if %cond3A_2 {
      %mul3A_625 = arith.constant 50000 : i32
      %mul3A_626 = arith.muli %add3A, %mul3A_625 : i32
      %sub3A_627 = arith.constant 16 : i32
      %sub3A_628 = arith.subi %mul3A_626, %sub3A_627 : i32
      %multiple_of3A_629 = tpu.assume_multiple %sub3A_628, 16 : i32
      "tpu.region"() ({
        %run_scoped3A = tpu.sem_alloc : memref<!tpu.dma_semaphore, #tpu.memory_space<semaphore_mem>>
        %dma_start3A = tpu.memref_slice %arg8[%multiple_of3A_629] : memref<1600000xi32, #tpu.memory_space<hbm>> -> memref<16xi32, #tpu.memory_space<hbm>>
        %dma_start3A_630 = tpu.memref_slice %arg8[%multiple_of3A_629] : memref<1600000xi32, #tpu.memory_space<hbm>> -> memref<16xi32, #tpu.memory_space<hbm>>
        tpu.enqueue_dma source(%dma_start3A_630 : memref<16xi32, #tpu.memory_space<hbm>>) target(%arg19 : memref<16xi32, #tpu.memory_space<vmem>>) target_semaphore(%run_scoped3A : memref<!tpu.dma_semaphore, #tpu.memory_space<semaphore_mem>>)
        %dma_wait3A = tpu.memref_slice %arg8[%multiple_of3A_629] : memref<1600000xi32, #tpu.memory_space<hbm>> -> memref<16xi32, #tpu.memory_space<hbm>>
        %dma_wait3A_631 = tpu.memref_slice %arg8[%multiple_of3A_629] : memref<1600000xi32, #tpu.memory_space<hbm>> -> memref<16xi32, #tpu.memory_space<hbm>>
        tpu.wait_dma2 semaphore(%run_scoped3A : memref<!tpu.dma_semaphore, #tpu.memory_space<semaphore_mem>>) src(%dma_wait3A_631 : memref<16xi32, #tpu.memory_space<hbm>>) dst(%arg19 : memref<16xi32, #tpu.memory_space<vmem>>)
        tpu.yield
      }) : () -> ()
    } else {
    }
    %eq3A = arith.constant 0 : i32
    %eq3A_3 = arith.cmpi eq, %add3A, %eq3A : i32
    %convert_element_type3A_4 = arith.extui %eq3A_3 : i1 to i32
    %cond3A_5 = arith.constant 0 : i32
    %cond3A_6 = arith.cmpi ne, %convert_element_type3A_4, %cond3A_5 : i32
    scf.if %cond3A_6 {
      %broadcast_in_dim3A_625 = arith.constant -1 : i32
      %broadcast_in_dim3A_626 = vector.broadcast %broadcast_in_dim3A_625 : i32 to vector<16xi32>
      %swap3A_627 = arith.constant 0 : index
      %swap3A_628 = tpu.vector_load %arg19[%swap3A_627] {strides = array<i32>} : memref<16xi32, #tpu.memory_space<vmem>>, vector<16xi32>,
      tpu.vector_store %arg19[%swap3A_627], %broadcast_in_dim3A_626 {strides = array<i32>} : memref<16xi32, #tpu.memory_space<vmem>>, vector<16xi32>,
    } else {
    }
    %add3A_7 = arith.constant 1 : i32
    %add3A_8 = arith.addi %add3A, %add3A_7 : i32
    %mul3A_9 = arith.constant 50000 : i32
    %mul3A_10 = arith.muli %add3A_8, %mul3A_9 : i32
    %sub3A = arith.constant 16 : i32
    %sub3A_11 = arith.subi %mul3A_10, %sub3A : i32
    %multiple_of3A = tpu.assume_multiple %sub3A_11, 16 : i32
    "tpu.region"() ({
      %run_scoped3A = tpu.sem_alloc : memref<!tpu.dma_semaphore, #tpu.memory_space<semaphore_mem>>
      %dma_start3A = tpu.memref_slice %arg8[%multiple_of3A] : memref<1600000xi32, #tpu.memory_space<hbm>> -> memref<16xi32, #tpu.memory_space<hbm>>
      %dma_start3A_625 = tpu.memref_slice %arg8[%multiple_of3A] : memref<1600000xi32, #tpu.memory_space<hbm>> -> memref<16xi32, #tpu.memory_space<hbm>>
      tpu.enqueue_dma source(%dma_start3A_625 : memref<16xi32, #tpu.memory_space<hbm>>) target(%arg20 : memref<16xi32, #tpu.memory_space<vmem>>) target_semaphore(%run_scoped3A : memref<!tpu.dma_semaphore, #tpu.memory_space<semaphore_mem>>)
      %dma_wait3A = tpu.memref_slice %arg8[%multiple_of3A] : memref<1600000xi32, #tpu.memory_space<hbm>> -> memref<16xi32, #tpu.memory_space<hbm>>
      %dma_wait3A_626 = tpu.memref_slice %arg8[%multiple_of3A] : memref<1600000xi32, #tpu.memory_space<hbm>> -> memref<16xi32, #tpu.memory_space<hbm>>
      tpu.wait_dma2 semaphore(%run_scoped3A : memref<!tpu.dma_semaphore, #tpu.memory_space<semaphore_mem>>) src(%dma_wait3A_626 : memref<16xi32, #tpu.memory_space<hbm>>) dst(%arg20 : memref<16xi32, #tpu.memory_space<vmem>>)
      tpu.yield
    }) : () -> ()
    %get3A = arith.constant 0 : index
    %get3A_12 = tpu.vector_load %arg19[%get3A] {strides = array<i32>} : memref<16xi32, #tpu.memory_space<vmem>>, vector<16xi32>,
    %slice3A = vector.extract_strided_slice %get3A_12 {offsets = [15], sizes = [1], strides = [1]} : vector<16xi32> to vector<1xi32>
    %squeeze3A = vector.extract %slice3A[0] : i32 from vector<1xi32>
    %add3A_13 = arith.constant 1 : i32
    %add3A_14 = arith.addi %squeeze3A, %add3A_13 : i32
    %eq3A_15 = arith.constant 31 : i32
    %eq3A_16 = arith.cmpi eq, %add3A, %eq3A_15 : i32
    %get3A_17 = arith.constant 0 : index
    %get3A_18 = tpu.vector_load %arg20[%get3A_17] {strides = array<i32>} : memref<16xi32, #tpu.memory_space<vmem>>, vector<16xi32>,
    %slice3A_19 = vector.extract_strided_slice %get3A_18 {offsets = [15], sizes = [1], strides = [1]} : vector<16xi32> to vector<1xi32>
    %squeeze3A_20 = vector.extract %slice3A_19[0] : i32 from vector<1xi32>
    %add3A_21 = arith.constant 1 : i32
    %add3A_22 = arith.addi %squeeze3A_20, %add3A_21 : i32
    %jit3A = arith.constant 50000 : i32
    %select_n3A = arith.select %eq3A_16, %jit3A, %add3A_22 : i32
    %broadcast_in_dim3A = arith.constant 0.000000e+00 : f32
    %broadcast_in_dim3A_23 = vector.broadcast %broadcast_in_dim3A : f32 to vector<16xf32>
    %swap3A = arith.constant 0 : index
    %swap3A_24 = tpu.vector_load %arg23[%swap3A] {strides = array<i32>} : memref<1024xf32, #tpu.memory_space<vmem>>, vector<16xf32>,
    tpu.vector_store %arg23[%swap3A], %broadcast_in_dim3A_23 {strides = array<i32>} : memref<1024xf32, #tpu.memory_space<vmem>>, vector<16xf32>,
    %broadcast_in_dim3A_25 = arith.constant 0.000000e+00 : f32
    %broadcast_in_dim3A_26 = vector.broadcast %broadcast_in_dim3A_25 : f32 to vector<16xf32>
    %swap3A_27 = arith.constant 16 : index
    %swap3A_28 = tpu.vector_load %arg23[%swap3A_27] {strides = array<i32>} : memref<1024xf32, #tpu.memory_space<vmem>>, vector<16xf32>,
    tpu.vector_store %arg23[%swap3A_27], %broadcast_in_dim3A_26 {strides = array<i32>} : memref<1024xf32, #tpu.memory_space<vmem>>, vector<16xf32>,
    %broadcast_in_dim3A_29 = arith.constant 0.000000e+00 : f32
    %broadcast_in_dim3A_30 = vector.broadcast %broadcast_in_dim3A_29 : f32 to vector<16xf32>
    %swap3A_31 = arith.constant 32 : index
    %swap3A_32 = tpu.vector_load %arg23[%swap3A_31] {strides = array<i32>} : memref<1024xf32, #tpu.memory_space<vmem>>, vector<16xf32>,
    tpu.vector_store %arg23[%swap3A_31], %broadcast_in_dim3A_30 {strides = array<i32>} : memref<1024xf32, #tpu.memory_space<vmem>>, vector<16xf32>,
    %broadcast_in_dim3A_33 = arith.constant 0.000000e+00 : f32
    %broadcast_in_dim3A_34 = vector.broadcast %broadcast_in_dim3A_33 : f32 to vector<16xf32>
    %swap3A_35 = arith.constant 48 : index
    %swap3A_36 = tpu.vector_load %arg23[%swap3A_35] {strides = array<i32>} : memref<1024xf32, #tpu.memory_space<vmem>>, vector<16xf32>,
    tpu.vector_store %arg23[%swap3A_35], %broadcast_in_dim3A_34 {strides = array<i32>} : memref<1024xf32, #tpu.memory_space<vmem>>, vector<16xf32>,
    %broadcast_in_dim3A_37 = arith.constant 0.000000e+00 : f32
    %broadcast_in_dim3A_38 = vector.broadcast %broadcast_in_dim3A_37 : f32 to vector<16xf32>
    %swap3A_39 = arith.constant 64 : index
    %swap3A_40 = tpu.vector_load %arg23[%swap3A_39] {strides = array<i32>} : memref<1024xf32, #tpu.memory_space<vmem>>, vector<16xf32>,
    tpu.vector_store %arg23[%swap3A_39], %broadcast_in_dim3A_38 {strides = array<i32>} : memref<1024xf32, #tpu.memory_space<vmem>>, vector<16xf32>,
    %broadcast_in_dim3A_41 = arith.constant 0.000000e+00 : f32
    %broadcast_in_dim3A_42 = vector.broadcast %broadcast_in_dim3A_41 : f32 to vector<16xf32>
    %swap3A_43 = arith.constant 80 : index
    %swap3A_44 = tpu.vector_load %arg23[%swap3A_43] {strides = array<i32>} : memref<1024xf32, #tpu.memory_space<vmem>>, vector<16xf32>,
    tpu.vector_store %arg23[%swap3A_43], %broadcast_in_dim3A_42 {strides = array<i32>} : memref<1024xf32, #tpu.memory_space<vmem>>, vector<16xf32>,
    %broadcast_in_dim3A_45 = arith.constant 0.000000e+00 : f32
    %broadcast_in_dim3A_46 = vector.broadcast %broadcast_in_dim3A_45 : f32 to vector<16xf32>
    %swap3A_47 = arith.constant 96 : index
    %swap3A_48 = tpu.vector_load %arg23[%swap3A_47] {strides = array<i32>} : memref<1024xf32, #tpu.memory_space<vmem>>, vector<16xf32>,
    tpu.vector_store %arg23[%swap3A_47], %broadcast_in_dim3A_46 {strides = array<i32>} : memref<1024xf32, #tpu.memory_space<vmem>>, vector<16xf32>,
    %broadcast_in_dim3A_49 = arith.constant 0.000000e+00 : f32
    %broadcast_in_dim3A_50 = vector.broadcast %broadcast_in_dim3A_49 : f32 to vector<16xf32>
    %swap3A_51 = arith.constant 112 : index
    %swap3A_52 = tpu.vector_load %arg23[%swap3A_51] {strides = array<i32>} : memref<1024xf32, #tpu.memory_space<vmem>>, vector<16xf32>,
    tpu.vector_store %arg23[%swap3A_51], %broadcast_in_dim3A_50 {strides = array<i32>} : memref<1024xf32, #tpu.memory_space<vmem>>, vector<16xf32>,
    %broadcast_in_dim3A_53 = arith.constant 0.000000e+00 : f32
    %broadcast_in_dim3A_54 = vector.broadcast %broadcast_in_dim3A_53 : f32 to vector<16xf32>
    %swap3A_55 = arith.constant 128 : index
    %swap3A_56 = tpu.vector_load %arg23[%swap3A_55] {strides = array<i32>} : memref<1024xf32, #tpu.memory_space<vmem>>, vector<16xf32>,
    tpu.vector_store %arg23[%swap3A_55], %broadcast_in_dim3A_54 {strides = array<i32>} : memref<1024xf32, #tpu.memory_space<vmem>>, vector<16xf32>,
    %broadcast_in_dim3A_57 = arith.constant 0.000000e+00 : f32
    %broadcast_in_dim3A_58 = vector.broadcast %broadcast_in_dim3A_57 : f32 to vector<16xf32>
    %swap3A_59 = arith.constant 144 : index
    %swap3A_60 = tpu.vector_load %arg23[%swap3A_59] {strides = array<i32>} : memref<1024xf32, #tpu.memory_space<vmem>>, vector<16xf32>,
    tpu.vector_store %arg23[%swap3A_59], %broadcast_in_dim3A_58 {strides = array<i32>} : memref<1024xf32, #tpu.memory_space<vmem>>, vector<16xf32>,
    %broadcast_in_dim3A_61 = arith.constant 0.000000e+00 : f32
    %broadcast_in_dim3A_62 = vector.broadcast %broadcast_in_dim3A_61 : f32 to vector<16xf32>
    %swap3A_63 = arith.constant 160 : index
    %swap3A_64 = tpu.vector_load %arg23[%swap3A_63] {strides = array<i32>} : memref<1024xf32, #tpu.memory_space<vmem>>, vector<16xf32>,
    tpu.vector_store %arg23[%swap3A_63], %broadcast_in_dim3A_62 {strides = array<i32>} : memref<1024xf32, #tpu.memory_space<vmem>>, vector<16xf32>,
    %broadcast_in_dim3A_65 = arith.constant 0.000000e+00 : f32
    %broadcast_in_dim3A_66 = vector.broadcast %broadcast_in_dim3A_65 : f32 to vector<16xf32>
    %swap3A_67 = arith.constant 176 : index
    %swap3A_68 = tpu.vector_load %arg23[%swap3A_67] {strides = array<i32>} : memref<1024xf32, #tpu.memory_space<vmem>>, vector<16xf32>,
    tpu.vector_store %arg23[%swap3A_67], %broadcast_in_dim3A_66 {strides = array<i32>} : memref<1024xf32, #tpu.memory_space<vmem>>, vector<16xf32>,
    %broadcast_in_dim3A_69 = arith.constant 0.000000e+00 : f32
    %broadcast_in_dim3A_70 = vector.broadcast %broadcast_in_dim3A_69 : f32 to vector<16xf32>
    %swap3A_71 = arith.constant 192 : index
    %swap3A_72 = tpu.vector_load %arg23[%swap3A_71] {strides = array<i32>} : memref<1024xf32, #tpu.memory_space<vmem>>, vector<16xf32>,
    tpu.vector_store %arg23[%swap3A_71], %broadcast_in_dim3A_70 {strides = array<i32>} : memref<1024xf32, #tpu.memory_space<vmem>>, vector<16xf32>,
    %broadcast_in_dim3A_73 = arith.constant 0.000000e+00 : f32
    %broadcast_in_dim3A_74 = vector.broadcast %broadcast_in_dim3A_73 : f32 to vector<16xf32>
    %swap3A_75 = arith.constant 208 : index
    %swap3A_76 = tpu.vector_load %arg23[%swap3A_75] {strides = array<i32>} : memref<1024xf32, #tpu.memory_space<vmem>>, vector<16xf32>,
    tpu.vector_store %arg23[%swap3A_75], %broadcast_in_dim3A_74 {strides = array<i32>} : memref<1024xf32, #tpu.memory_space<vmem>>, vector<16xf32>,
    %broadcast_in_dim3A_77 = arith.constant 0.000000e+00 : f32
    %broadcast_in_dim3A_78 = vector.broadcast %broadcast_in_dim3A_77 : f32 to vector<16xf32>
    %swap3A_79 = arith.constant 224 : index
    %swap3A_80 = tpu.vector_load %arg23[%swap3A_79] {strides = array<i32>} : memref<1024xf32, #tpu.memory_space<vmem>>, vector<16xf32>,
    tpu.vector_store %arg23[%swap3A_79], %broadcast_in_dim3A_78 {strides = array<i32>} : memref<1024xf32, #tpu.memory_space<vmem>>, vector<16xf32>,
    %broadcast_in_dim3A_81 = arith.constant 0.000000e+00 : f32
    %broadcast_in_dim3A_82 = vector.broadcast %broadcast_in_dim3A_81 : f32 to vector<16xf32>
    %swap3A_83 = arith.constant 240 : index
    %swap3A_84 = tpu.vector_load %arg23[%swap3A_83] {strides = array<i32>} : memref<1024xf32, #tpu.memory_space<vmem>>, vector<16xf32>,
    tpu.vector_store %arg23[%swap3A_83], %broadcast_in_dim3A_82 {strides = array<i32>} : memref<1024xf32, #tpu.memory_space<vmem>>, vector<16xf32>,
    %broadcast_in_dim3A_85 = arith.constant 0.000000e+00 : f32
    %broadcast_in_dim3A_86 = vector.broadcast %broadcast_in_dim3A_85 : f32 to vector<16xf32>
    %swap3A_87 = arith.constant 256 : index
    %swap3A_88 = tpu.vector_load %arg23[%swap3A_87] {strides = array<i32>} : memref<1024xf32, #tpu.memory_space<vmem>>, vector<16xf32>,
    tpu.vector_store %arg23[%swap3A_87], %broadcast_in_dim3A_86 {strides = array<i32>} : memref<1024xf32, #tpu.memory_space<vmem>>, vector<16xf32>,
    %broadcast_in_dim3A_89 = arith.constant 0.000000e+00 : f32
    %broadcast_in_dim3A_90 = vector.broadcast %broadcast_in_dim3A_89 : f32 to vector<16xf32>
    %swap3A_91 = arith.constant 272 : index
    %swap3A_92 = tpu.vector_load %arg23[%swap3A_91] {strides = array<i32>} : memref<1024xf32, #tpu.memory_space<vmem>>, vector<16xf32>,
    tpu.vector_store %arg23[%swap3A_91], %broadcast_in_dim3A_90 {strides = array<i32>} : memref<1024xf32, #tpu.memory_space<vmem>>, vector<16xf32>,
    %broadcast_in_dim3A_93 = arith.constant 0.000000e+00 : f32
    %broadcast_in_dim3A_94 = vector.broadcast %broadcast_in_dim3A_93 : f32 to vector<16xf32>
    %swap3A_95 = arith.constant 288 : index
    %swap3A_96 = tpu.vector_load %arg23[%swap3A_95] {strides = array<i32>} : memref<1024xf32, #tpu.memory_space<vmem>>, vector<16xf32>,
    tpu.vector_store %arg23[%swap3A_95], %broadcast_in_dim3A_94 {strides = array<i32>} : memref<1024xf32, #tpu.memory_space<vmem>>, vector<16xf32>,
    %broadcast_in_dim3A_97 = arith.constant 0.000000e+00 : f32
    %broadcast_in_dim3A_98 = vector.broadcast %broadcast_in_dim3A_97 : f32 to vector<16xf32>
    %swap3A_99 = arith.constant 304 : index
    %swap3A_100 = tpu.vector_load %arg23[%swap3A_99] {strides = array<i32>} : memref<1024xf32, #tpu.memory_space<vmem>>, vector<16xf32>,
    tpu.vector_store %arg23[%swap3A_99], %broadcast_in_dim3A_98 {strides = array<i32>} : memref<1024xf32, #tpu.memory_space<vmem>>, vector<16xf32>,
    %broadcast_in_dim3A_101 = arith.constant 0.000000e+00 : f32
    %broadcast_in_dim3A_102 = vector.broadcast %broadcast_in_dim3A_101 : f32 to vector<16xf32>
    %swap3A_103 = arith.constant 320 : index
    %swap3A_104 = tpu.vector_load %arg23[%swap3A_103] {strides = array<i32>} : memref<1024xf32, #tpu.memory_space<vmem>>, vector<16xf32>,
    tpu.vector_store %arg23[%swap3A_103], %broadcast_in_dim3A_102 {strides = array<i32>} : memref<1024xf32, #tpu.memory_space<vmem>>, vector<16xf32>,
    %broadcast_in_dim3A_105 = arith.constant 0.000000e+00 : f32
    %broadcast_in_dim3A_106 = vector.broadcast %broadcast_in_dim3A_105 : f32 to vector<16xf32>
    %swap3A_107 = arith.constant 336 : index
    %swap3A_108 = tpu.vector_load %arg23[%swap3A_107] {strides = array<i32>} : memref<1024xf32, #tpu.memory_space<vmem>>, vector<16xf32>,
    tpu.vector_store %arg23[%swap3A_107], %broadcast_in_dim3A_106 {strides = array<i32>} : memref<1024xf32, #tpu.memory_space<vmem>>, vector<16xf32>,
    %broadcast_in_dim3A_109 = arith.constant 0.000000e+00 : f32
    %broadcast_in_dim3A_110 = vector.broadcast %broadcast_in_dim3A_109 : f32 to vector<16xf32>
    %swap3A_111 = arith.constant 352 : index
    %swap3A_112 = tpu.vector_load %arg23[%swap3A_111] {strides = array<i32>} : memref<1024xf32, #tpu.memory_space<vmem>>, vector<16xf32>,
    tpu.vector_store %arg23[%swap3A_111], %broadcast_in_dim3A_110 {strides = array<i32>} : memref<1024xf32, #tpu.memory_space<vmem>>, vector<16xf32>,
    %broadcast_in_dim3A_113 = arith.constant 0.000000e+00 : f32
    %broadcast_in_dim3A_114 = vector.broadcast %broadcast_in_dim3A_113 : f32 to vector<16xf32>
    %swap3A_115 = arith.constant 368 : index
    %swap3A_116 = tpu.vector_load %arg23[%swap3A_115] {strides = array<i32>} : memref<1024xf32, #tpu.memory_space<vmem>>, vector<16xf32>,
    tpu.vector_store %arg23[%swap3A_115], %broadcast_in_dim3A_114 {strides = array<i32>} : memref<1024xf32, #tpu.memory_space<vmem>>, vector<16xf32>,
    %broadcast_in_dim3A_117 = arith.constant 0.000000e+00 : f32
    %broadcast_in_dim3A_118 = vector.broadcast %broadcast_in_dim3A_117 : f32 to vector<16xf32>
    %swap3A_119 = arith.constant 384 : index
    %swap3A_120 = tpu.vector_load %arg23[%swap3A_119] {strides = array<i32>} : memref<1024xf32, #tpu.memory_space<vmem>>, vector<16xf32>,
    tpu.vector_store %arg23[%swap3A_119], %broadcast_in_dim3A_118 {strides = array<i32>} : memref<1024xf32, #tpu.memory_space<vmem>>, vector<16xf32>,
    %broadcast_in_dim3A_121 = arith.constant 0.000000e+00 : f32
    %broadcast_in_dim3A_122 = vector.broadcast %broadcast_in_dim3A_121 : f32 to vector<16xf32>
    %swap3A_123 = arith.constant 400 : index
    %swap3A_124 = tpu.vector_load %arg23[%swap3A_123] {strides = array<i32>} : memref<1024xf32, #tpu.memory_space<vmem>>, vector<16xf32>,
    tpu.vector_store %arg23[%swap3A_123], %broadcast_in_dim3A_122 {strides = array<i32>} : memref<1024xf32, #tpu.memory_space<vmem>>, vector<16xf32>,
    %broadcast_in_dim3A_125 = arith.constant 0.000000e+00 : f32
    %broadcast_in_dim3A_126 = vector.broadcast %broadcast_in_dim3A_125 : f32 to vector<16xf32>
    %swap3A_127 = arith.constant 416 : index
    %swap3A_128 = tpu.vector_load %arg23[%swap3A_127] {strides = array<i32>} : memref<1024xf32, #tpu.memory_space<vmem>>, vector<16xf32>,
    tpu.vector_store %arg23[%swap3A_127], %broadcast_in_dim3A_126 {strides = array<i32>} : memref<1024xf32, #tpu.memory_space<vmem>>, vector<16xf32>,
    %broadcast_in_dim3A_129 = arith.constant 0.000000e+00 : f32
    %broadcast_in_dim3A_130 = vector.broadcast %broadcast_in_dim3A_129 : f32 to vector<16xf32>
    %swap3A_131 = arith.constant 432 : index
    %swap3A_132 = tpu.vector_load %arg23[%swap3A_131] {strides = array<i32>} : memref<1024xf32, #tpu.memory_space<vmem>>, vector<16xf32>,
    tpu.vector_store %arg23[%swap3A_131], %broadcast_in_dim3A_130 {strides = array<i32>} : memref<1024xf32, #tpu.memory_space<vmem>>, vector<16xf32>,
    %broadcast_in_dim3A_133 = arith.constant 0.000000e+00 : f32
    %broadcast_in_dim3A_134 = vector.broadcast %broadcast_in_dim3A_133 : f32 to vector<16xf32>
    %swap3A_135 = arith.constant 448 : index
    %swap3A_136 = tpu.vector_load %arg23[%swap3A_135] {strides = array<i32>} : memref<1024xf32, #tpu.memory_space<vmem>>, vector<16xf32>,
    tpu.vector_store %arg23[%swap3A_135], %broadcast_in_dim3A_134 {strides = array<i32>} : memref<1024xf32, #tpu.memory_space<vmem>>, vector<16xf32>,
    %broadcast_in_dim3A_137 = arith.constant 0.000000e+00 : f32
    %broadcast_in_dim3A_138 = vector.broadcast %broadcast_in_dim3A_137 : f32 to vector<16xf32>
    %swap3A_139 = arith.constant 464 : index
    %swap3A_140 = tpu.vector_load %arg23[%swap3A_139] {strides = array<i32>} : memref<1024xf32, #tpu.memory_space<vmem>>, vector<16xf32>,
    tpu.vector_store %arg23[%swap3A_139], %broadcast_in_dim3A_138 {strides = array<i32>} : memref<1024xf32, #tpu.memory_space<vmem>>, vector<16xf32>,
    %broadcast_in_dim3A_141 = arith.constant 0.000000e+00 : f32
    %broadcast_in_dim3A_142 = vector.broadcast %broadcast_in_dim3A_141 : f32 to vector<16xf32>
    %swap3A_143 = arith.constant 480 : index
    %swap3A_144 = tpu.vector_load %arg23[%swap3A_143] {strides = array<i32>} : memref<1024xf32, #tpu.memory_space<vmem>>, vector<16xf32>,
    tpu.vector_store %arg23[%swap3A_143], %broadcast_in_dim3A_142 {strides = array<i32>} : memref<1024xf32, #tpu.memory_space<vmem>>, vector<16xf32>,
    %broadcast_in_dim3A_145 = arith.constant 0.000000e+00 : f32
    %broadcast_in_dim3A_146 = vector.broadcast %broadcast_in_dim3A_145 : f32 to vector<16xf32>
    %swap3A_147 = arith.constant 496 : index
    %swap3A_148 = tpu.vector_load %arg23[%swap3A_147] {strides = array<i32>} : memref<1024xf32, #tpu.memory_space<vmem>>, vector<16xf32>,
    tpu.vector_store %arg23[%swap3A_147], %broadcast_in_dim3A_146 {strides = array<i32>} : memref<1024xf32, #tpu.memory_space<vmem>>, vector<16xf32>,
    %broadcast_in_dim3A_149 = arith.constant 0.000000e+00 : f32
    %broadcast_in_dim3A_150 = vector.broadcast %broadcast_in_dim3A_149 : f32 to vector<16xf32>
    %swap3A_151 = arith.constant 512 : index
    %swap3A_152 = tpu.vector_load %arg23[%swap3A_151] {strides = array<i32>} : memref<1024xf32, #tpu.memory_space<vmem>>, vector<16xf32>,
    tpu.vector_store %arg23[%swap3A_151], %broadcast_in_dim3A_150 {strides = array<i32>} : memref<1024xf32, #tpu.memory_space<vmem>>, vector<16xf32>,
    %broadcast_in_dim3A_153 = arith.constant 0.000000e+00 : f32
    %broadcast_in_dim3A_154 = vector.broadcast %broadcast_in_dim3A_153 : f32 to vector<16xf32>
    %swap3A_155 = arith.constant 528 : index
    %swap3A_156 = tpu.vector_load %arg23[%swap3A_155] {strides = array<i32>} : memref<1024xf32, #tpu.memory_space<vmem>>, vector<16xf32>,
    tpu.vector_store %arg23[%swap3A_155], %broadcast_in_dim3A_154 {strides = array<i32>} : memref<1024xf32, #tpu.memory_space<vmem>>, vector<16xf32>,
    %broadcast_in_dim3A_157 = arith.constant 0.000000e+00 : f32
    %broadcast_in_dim3A_158 = vector.broadcast %broadcast_in_dim3A_157 : f32 to vector<16xf32>
    %swap3A_159 = arith.constant 544 : index
    %swap3A_160 = tpu.vector_load %arg23[%swap3A_159] {strides = array<i32>} : memref<1024xf32, #tpu.memory_space<vmem>>, vector<16xf32>,
    tpu.vector_store %arg23[%swap3A_159], %broadcast_in_dim3A_158 {strides = array<i32>} : memref<1024xf32, #tpu.memory_space<vmem>>, vector<16xf32>,
    %broadcast_in_dim3A_161 = arith.constant 0.000000e+00 : f32
    %broadcast_in_dim3A_162 = vector.broadcast %broadcast_in_dim3A_161 : f32 to vector<16xf32>
    %swap3A_163 = arith.constant 560 : index
    %swap3A_164 = tpu.vector_load %arg23[%swap3A_163] {strides = array<i32>} : memref<1024xf32, #tpu.memory_space<vmem>>, vector<16xf32>,
    tpu.vector_store %arg23[%swap3A_163], %broadcast_in_dim3A_162 {strides = array<i32>} : memref<1024xf32, #tpu.memory_space<vmem>>, vector<16xf32>,
    %broadcast_in_dim3A_165 = arith.constant 0.000000e+00 : f32
    %broadcast_in_dim3A_166 = vector.broadcast %broadcast_in_dim3A_165 : f32 to vector<16xf32>
    %swap3A_167 = arith.constant 576 : index
    %swap3A_168 = tpu.vector_load %arg23[%swap3A_167] {strides = array<i32>} : memref<1024xf32, #tpu.memory_space<vmem>>, vector<16xf32>,
    tpu.vector_store %arg23[%swap3A_167], %broadcast_in_dim3A_166 {strides = array<i32>} : memref<1024xf32, #tpu.memory_space<vmem>>, vector<16xf32>,
    %broadcast_in_dim3A_169 = arith.constant 0.000000e+00 : f32
    %broadcast_in_dim3A_170 = vector.broadcast %broadcast_in_dim3A_169 : f32 to vector<16xf32>
    %swap3A_171 = arith.constant 592 : index
    %swap3A_172 = tpu.vector_load %arg23[%swap3A_171] {strides = array<i32>} : memref<1024xf32, #tpu.memory_space<vmem>>, vector<16xf32>,
    tpu.vector_store %arg23[%swap3A_171], %broadcast_in_dim3A_170 {strides = array<i32>} : memref<1024xf32, #tpu.memory_space<vmem>>, vector<16xf32>,
    %broadcast_in_dim3A_173 = arith.constant 0.000000e+00 : f32
    %broadcast_in_dim3A_174 = vector.broadcast %broadcast_in_dim3A_173 : f32 to vector<16xf32>
    %swap3A_175 = arith.constant 608 : index
    %swap3A_176 = tpu.vector_load %arg23[%swap3A_175] {strides = array<i32>} : memref<1024xf32, #tpu.memory_space<vmem>>, vector<16xf32>,
    tpu.vector_store %arg23[%swap3A_175], %broadcast_in_dim3A_174 {strides = array<i32>} : memref<1024xf32, #tpu.memory_space<vmem>>, vector<16xf32>,
    %broadcast_in_dim3A_177 = arith.constant 0.000000e+00 : f32
    %broadcast_in_dim3A_178 = vector.broadcast %broadcast_in_dim3A_177 : f32 to vector<16xf32>
    %swap3A_179 = arith.constant 624 : index
    %swap3A_180 = tpu.vector_load %arg23[%swap3A_179] {strides = array<i32>} : memref<1024xf32, #tpu.memory_space<vmem>>, vector<16xf32>,
    tpu.vector_store %arg23[%swap3A_179], %broadcast_in_dim3A_178 {strides = array<i32>} : memref<1024xf32, #tpu.memory_space<vmem>>, vector<16xf32>,
    %broadcast_in_dim3A_181 = arith.constant 0.000000e+00 : f32
    %broadcast_in_dim3A_182 = vector.broadcast %broadcast_in_dim3A_181 : f32 to vector<16xf32>
    %swap3A_183 = arith.constant 640 : index
    %swap3A_184 = tpu.vector_load %arg23[%swap3A_183] {strides = array<i32>} : memref<1024xf32, #tpu.memory_space<vmem>>, vector<16xf32>,
    tpu.vector_store %arg23[%swap3A_183], %broadcast_in_dim3A_182 {strides = array<i32>} : memref<1024xf32, #tpu.memory_space<vmem>>, vector<16xf32>,
    %broadcast_in_dim3A_185 = arith.constant 0.000000e+00 : f32
    %broadcast_in_dim3A_186 = vector.broadcast %broadcast_in_dim3A_185 : f32 to vector<16xf32>
    %swap3A_187 = arith.constant 656 : index
    %swap3A_188 = tpu.vector_load %arg23[%swap3A_187] {strides = array<i32>} : memref<1024xf32, #tpu.memory_space<vmem>>, vector<16xf32>,
    tpu.vector_store %arg23[%swap3A_187], %broadcast_in_dim3A_186 {strides = array<i32>} : memref<1024xf32, #tpu.memory_space<vmem>>, vector<16xf32>,
    %broadcast_in_dim3A_189 = arith.constant 0.000000e+00 : f32
    %broadcast_in_dim3A_190 = vector.broadcast %broadcast_in_dim3A_189 : f32 to vector<16xf32>
    %swap3A_191 = arith.constant 672 : index
    %swap3A_192 = tpu.vector_load %arg23[%swap3A_191] {strides = array<i32>} : memref<1024xf32, #tpu.memory_space<vmem>>, vector<16xf32>,
    tpu.vector_store %arg23[%swap3A_191], %broadcast_in_dim3A_190 {strides = array<i32>} : memref<1024xf32, #tpu.memory_space<vmem>>, vector<16xf32>,
    %broadcast_in_dim3A_193 = arith.constant 0.000000e+00 : f32
    %broadcast_in_dim3A_194 = vector.broadcast %broadcast_in_dim3A_193 : f32 to vector<16xf32>
    %swap3A_195 = arith.constant 688 : index
    %swap3A_196 = tpu.vector_load %arg23[%swap3A_195] {strides = array<i32>} : memref<1024xf32, #tpu.memory_space<vmem>>, vector<16xf32>,
    tpu.vector_store %arg23[%swap3A_195], %broadcast_in_dim3A_194 {strides = array<i32>} : memref<1024xf32, #tpu.memory_space<vmem>>, vector<16xf32>,
    %broadcast_in_dim3A_197 = arith.constant 0.000000e+00 : f32
    %broadcast_in_dim3A_198 = vector.broadcast %broadcast_in_dim3A_197 : f32 to vector<16xf32>
    %swap3A_199 = arith.constant 704 : index
    %swap3A_200 = tpu.vector_load %arg23[%swap3A_199] {strides = array<i32>} : memref<1024xf32, #tpu.memory_space<vmem>>, vector<16xf32>,
    tpu.vector_store %arg23[%swap3A_199], %broadcast_in_dim3A_198 {strides = array<i32>} : memref<1024xf32, #tpu.memory_space<vmem>>, vector<16xf32>,
    %broadcast_in_dim3A_201 = arith.constant 0.000000e+00 : f32
    %broadcast_in_dim3A_202 = vector.broadcast %broadcast_in_dim3A_201 : f32 to vector<16xf32>
    %swap3A_203 = arith.constant 720 : index
    %swap3A_204 = tpu.vector_load %arg23[%swap3A_203] {strides = array<i32>} : memref<1024xf32, #tpu.memory_space<vmem>>, vector<16xf32>,
    tpu.vector_store %arg23[%swap3A_203], %broadcast_in_dim3A_202 {strides = array<i32>} : memref<1024xf32, #tpu.memory_space<vmem>>, vector<16xf32>,
    %broadcast_in_dim3A_205 = arith.constant 0.000000e+00 : f32
    %broadcast_in_dim3A_206 = vector.broadcast %broadcast_in_dim3A_205 : f32 to vector<16xf32>
    %swap3A_207 = arith.constant 736 : index
    %swap3A_208 = tpu.vector_load %arg23[%swap3A_207] {strides = array<i32>} : memref<1024xf32, #tpu.memory_space<vmem>>, vector<16xf32>,
    tpu.vector_store %arg23[%swap3A_207], %broadcast_in_dim3A_206 {strides = array<i32>} : memref<1024xf32, #tpu.memory_space<vmem>>, vector<16xf32>,
    %broadcast_in_dim3A_209 = arith.constant 0.000000e+00 : f32
    %broadcast_in_dim3A_210 = vector.broadcast %broadcast_in_dim3A_209 : f32 to vector<16xf32>
    %swap3A_211 = arith.constant 752 : index
    %swap3A_212 = tpu.vector_load %arg23[%swap3A_211] {strides = array<i32>} : memref<1024xf32, #tpu.memory_space<vmem>>, vector<16xf32>,
    tpu.vector_store %arg23[%swap3A_211], %broadcast_in_dim3A_210 {strides = array<i32>} : memref<1024xf32, #tpu.memory_space<vmem>>, vector<16xf32>,
    %broadcast_in_dim3A_213 = arith.constant 0.000000e+00 : f32
    %broadcast_in_dim3A_214 = vector.broadcast %broadcast_in_dim3A_213 : f32 to vector<16xf32>
    %swap3A_215 = arith.constant 768 : index
    %swap3A_216 = tpu.vector_load %arg23[%swap3A_215] {strides = array<i32>} : memref<1024xf32, #tpu.memory_space<vmem>>, vector<16xf32>,
    tpu.vector_store %arg23[%swap3A_215], %broadcast_in_dim3A_214 {strides = array<i32>} : memref<1024xf32, #tpu.memory_space<vmem>>, vector<16xf32>,
    %broadcast_in_dim3A_217 = arith.constant 0.000000e+00 : f32
    %broadcast_in_dim3A_218 = vector.broadcast %broadcast_in_dim3A_217 : f32 to vector<16xf32>
    %swap3A_219 = arith.constant 784 : index
    %swap3A_220 = tpu.vector_load %arg23[%swap3A_219] {strides = array<i32>} : memref<1024xf32, #tpu.memory_space<vmem>>, vector<16xf32>,
    tpu.vector_store %arg23[%swap3A_219], %broadcast_in_dim3A_218 {strides = array<i32>} : memref<1024xf32, #tpu.memory_space<vmem>>, vector<16xf32>,
    %broadcast_in_dim3A_221 = arith.constant 0.000000e+00 : f32
    %broadcast_in_dim3A_222 = vector.broadcast %broadcast_in_dim3A_221 : f32 to vector<16xf32>
    %swap3A_223 = arith.constant 800 : index
    %swap3A_224 = tpu.vector_load %arg23[%swap3A_223] {strides = array<i32>} : memref<1024xf32, #tpu.memory_space<vmem>>, vector<16xf32>,
    tpu.vector_store %arg23[%swap3A_223], %broadcast_in_dim3A_222 {strides = array<i32>} : memref<1024xf32, #tpu.memory_space<vmem>>, vector<16xf32>,
    %broadcast_in_dim3A_225 = arith.constant 0.000000e+00 : f32
    %broadcast_in_dim3A_226 = vector.broadcast %broadcast_in_dim3A_225 : f32 to vector<16xf32>
    %swap3A_227 = arith.constant 816 : index
    %swap3A_228 = tpu.vector_load %arg23[%swap3A_227] {strides = array<i32>} : memref<1024xf32, #tpu.memory_space<vmem>>, vector<16xf32>,
    tpu.vector_store %arg23[%swap3A_227], %broadcast_in_dim3A_226 {strides = array<i32>} : memref<1024xf32, #tpu.memory_space<vmem>>, vector<16xf32>,
    %broadcast_in_dim3A_229 = arith.constant 0.000000e+00 : f32
    %broadcast_in_dim3A_230 = vector.broadcast %broadcast_in_dim3A_229 : f32 to vector<16xf32>
    %swap3A_231 = arith.constant 832 : index
    %swap3A_232 = tpu.vector_load %arg23[%swap3A_231] {strides = array<i32>} : memref<1024xf32, #tpu.memory_space<vmem>>, vector<16xf32>,
    tpu.vector_store %arg23[%swap3A_231], %broadcast_in_dim3A_230 {strides = array<i32>} : memref<1024xf32, #tpu.memory_space<vmem>>, vector<16xf32>,
    %broadcast_in_dim3A_233 = arith.constant 0.000000e+00 : f32
    %broadcast_in_dim3A_234 = vector.broadcast %broadcast_in_dim3A_233 : f32 to vector<16xf32>
    %swap3A_235 = arith.constant 848 : index
    %swap3A_236 = tpu.vector_load %arg23[%swap3A_235] {strides = array<i32>} : memref<1024xf32, #tpu.memory_space<vmem>>, vector<16xf32>,
    tpu.vector_store %arg23[%swap3A_235], %broadcast_in_dim3A_234 {strides = array<i32>} : memref<1024xf32, #tpu.memory_space<vmem>>, vector<16xf32>,
    %broadcast_in_dim3A_237 = arith.constant 0.000000e+00 : f32
    %broadcast_in_dim3A_238 = vector.broadcast %broadcast_in_dim3A_237 : f32 to vector<16xf32>
    %swap3A_239 = arith.constant 864 : index
    %swap3A_240 = tpu.vector_load %arg23[%swap3A_239] {strides = array<i32>} : memref<1024xf32, #tpu.memory_space<vmem>>, vector<16xf32>,
    tpu.vector_store %arg23[%swap3A_239], %broadcast_in_dim3A_238 {strides = array<i32>} : memref<1024xf32, #tpu.memory_space<vmem>>, vector<16xf32>,
    %broadcast_in_dim3A_241 = arith.constant 0.000000e+00 : f32
    %broadcast_in_dim3A_242 = vector.broadcast %broadcast_in_dim3A_241 : f32 to vector<16xf32>
    %swap3A_243 = arith.constant 880 : index
    %swap3A_244 = tpu.vector_load %arg23[%swap3A_243] {strides = array<i32>} : memref<1024xf32, #tpu.memory_space<vmem>>, vector<16xf32>,
    tpu.vector_store %arg23[%swap3A_243], %broadcast_in_dim3A_242 {strides = array<i32>} : memref<1024xf32, #tpu.memory_space<vmem>>, vector<16xf32>,
    %broadcast_in_dim3A_245 = arith.constant 0.000000e+00 : f32
    %broadcast_in_dim3A_246 = vector.broadcast %broadcast_in_dim3A_245 : f32 to vector<16xf32>
    %swap3A_247 = arith.constant 896 : index
    %swap3A_248 = tpu.vector_load %arg23[%swap3A_247] {strides = array<i32>} : memref<1024xf32, #tpu.memory_space<vmem>>, vector<16xf32>,
    tpu.vector_store %arg23[%swap3A_247], %broadcast_in_dim3A_246 {strides = array<i32>} : memref<1024xf32, #tpu.memory_space<vmem>>, vector<16xf32>,
    %broadcast_in_dim3A_249 = arith.constant 0.000000e+00 : f32
    %broadcast_in_dim3A_250 = vector.broadcast %broadcast_in_dim3A_249 : f32 to vector<16xf32>
    %swap3A_251 = arith.constant 912 : index
    %swap3A_252 = tpu.vector_load %arg23[%swap3A_251] {strides = array<i32>} : memref<1024xf32, #tpu.memory_space<vmem>>, vector<16xf32>,
    tpu.vector_store %arg23[%swap3A_251], %broadcast_in_dim3A_250 {strides = array<i32>} : memref<1024xf32, #tpu.memory_space<vmem>>, vector<16xf32>,
    %broadcast_in_dim3A_253 = arith.constant 0.000000e+00 : f32
    %broadcast_in_dim3A_254 = vector.broadcast %broadcast_in_dim3A_253 : f32 to vector<16xf32>
    %swap3A_255 = arith.constant 928 : index
    %swap3A_256 = tpu.vector_load %arg23[%swap3A_255] {strides = array<i32>} : memref<1024xf32, #tpu.memory_space<vmem>>, vector<16xf32>,
    tpu.vector_store %arg23[%swap3A_255], %broadcast_in_dim3A_254 {strides = array<i32>} : memref<1024xf32, #tpu.memory_space<vmem>>, vector<16xf32>,
    %broadcast_in_dim3A_257 = arith.constant 0.000000e+00 : f32
    %broadcast_in_dim3A_258 = vector.broadcast %broadcast_in_dim3A_257 : f32 to vector<16xf32>
    %swap3A_259 = arith.constant 944 : index
    %swap3A_260 = tpu.vector_load %arg23[%swap3A_259] {strides = array<i32>} : memref<1024xf32, #tpu.memory_space<vmem>>, vector<16xf32>,
    tpu.vector_store %arg23[%swap3A_259], %broadcast_in_dim3A_258 {strides = array<i32>} : memref<1024xf32, #tpu.memory_space<vmem>>, vector<16xf32>,
    %broadcast_in_dim3A_261 = arith.constant 0.000000e+00 : f32
    %broadcast_in_dim3A_262 = vector.broadcast %broadcast_in_dim3A_261 : f32 to vector<16xf32>
    %swap3A_263 = arith.constant 960 : index
    %swap3A_264 = tpu.vector_load %arg23[%swap3A_263] {strides = array<i32>} : memref<1024xf32, #tpu.memory_space<vmem>>, vector<16xf32>,
    tpu.vector_store %arg23[%swap3A_263], %broadcast_in_dim3A_262 {strides = array<i32>} : memref<1024xf32, #tpu.memory_space<vmem>>, vector<16xf32>,
    %broadcast_in_dim3A_265 = arith.constant 0.000000e+00 : f32
    %broadcast_in_dim3A_266 = vector.broadcast %broadcast_in_dim3A_265 : f32 to vector<16xf32>
    %swap3A_267 = arith.constant 976 : index
    %swap3A_268 = tpu.vector_load %arg23[%swap3A_267] {strides = array<i32>} : memref<1024xf32, #tpu.memory_space<vmem>>, vector<16xf32>,
    tpu.vector_store %arg23[%swap3A_267], %broadcast_in_dim3A_266 {strides = array<i32>} : memref<1024xf32, #tpu.memory_space<vmem>>, vector<16xf32>,
    %broadcast_in_dim3A_269 = arith.constant 0.000000e+00 : f32
    %broadcast_in_dim3A_270 = vector.broadcast %broadcast_in_dim3A_269 : f32 to vector<16xf32>
    %swap3A_271 = arith.constant 992 : index
    %swap3A_272 = tpu.vector_load %arg23[%swap3A_271] {strides = array<i32>} : memref<1024xf32, #tpu.memory_space<vmem>>, vector<16xf32>,
    tpu.vector_store %arg23[%swap3A_271], %broadcast_in_dim3A_270 {strides = array<i32>} : memref<1024xf32, #tpu.memory_space<vmem>>, vector<16xf32>,
    %broadcast_in_dim3A_273 = arith.constant 0.000000e+00 : f32
    %broadcast_in_dim3A_274 = vector.broadcast %broadcast_in_dim3A_273 : f32 to vector<16xf32>
    %swap3A_275 = arith.constant 1008 : index
    %swap3A_276 = tpu.vector_load %arg23[%swap3A_275] {strides = array<i32>} : memref<1024xf32, #tpu.memory_space<vmem>>, vector<16xf32>,
    tpu.vector_store %arg23[%swap3A_275], %broadcast_in_dim3A_274 {strides = array<i32>} : memref<1024xf32, #tpu.memory_space<vmem>>, vector<16xf32>,
    %sub3A_277 = arith.subi %select_n3A, %add3A_14 : i32
    %div3A = arith.constant 16 : i32
    %div3A_278 = arith.divsi %sub3A_277, %div3A : i32
    %mul3A_279 = arith.constant 16 : i32
    %mul3A_280 = arith.muli %div3A_278, %mul3A_279 : i32
    %sub3A_281 = arith.subi %sub3A_277, %mul3A_280 : i32
    %while3A = arith.constant 0 : i32
    %while3A_282 = arith.constant 0 : i32
    %while3A_283 = arith.subi %div3A_278, %while3A : i32
    %while3A_284 = arith.addi %while3A, %while3A_283 : i32
    %while3A_285 = arith.constant 1 : i32
    %while3A_286 = arith.divsi %while3A_283, %while3A_285 : i32
    %while3A_287 = arith.muli %while3A_286, %while3A_285 : i32
    %while3A_288 = arith.addi %while3A, %while3A_287 : i32
    %while3A_289 = arith.constant 1 : i32
    %while3A_290 = scf.for %while3A_625 = %while3A to %while3A_288 step %while3A_289 iter_args(%while3A_626 = %while3A_282) -> (i32)  : i32 {
      %mul3A_627 = arith.constant 16 : i32
      %mul3A_628 = arith.muli %mul3A_627, %while3A_625 : i32
      %add3A_629 = arith.addi %add3A_14, %mul3A_628 : i32
      %mul3A_630 = arith.constant 64 : i32
      %mul3A_631 = arith.muli %add3A_629, %mul3A_630 : i32
      %multiple_of3A_632 = tpu.assume_multiple %mul3A_631, 64 : i32
      %dma_start3A = tpu.memref_slice %arg10[%multiple_of3A_632] : memref<3200000xf32, #tpu.memory_space<hbm>> -> memref<1024xf32, #tpu.memory_space<hbm>>
      %dma_start3A_633 = tpu.memref_slice %arg10[%multiple_of3A_632] : memref<3200000xf32, #tpu.memory_space<hbm>> -> memref<1024xf32, #tpu.memory_space<hbm>>
      tpu.enqueue_dma source(%arg23 : memref<1024xf32, #tpu.memory_space<vmem>>) target(%dma_start3A_633 : memref<1024xf32, #tpu.memory_space<hbm>>) target_semaphore(%arg24 : memref<!tpu.dma_semaphore, #tpu.memory_space<semaphore_mem>>)
      %while3A_634 = arith.constant 0 : i32
      scf.yield %while3A_634 : i32
    }
    %while3A_291 = arith.constant 1 : i32
    %while3A_292 = scf.for %while3A_625 = %while3A_288 to %while3A_284 step %while3A_291 iter_args(%while3A_626 = %while3A_290) -> (i32)  : i32 {
      %mul3A_627 = arith.constant 16 : i32
      %mul3A_628 = arith.muli %mul3A_627, %while3A_625 : i32
      %add3A_629 = arith.addi %add3A_14, %mul3A_628 : i32
      %mul3A_630 = arith.constant 64 : i32
      %mul3A_631 = arith.muli %add3A_629, %mul3A_630 : i32
      %multiple_of3A_632 = tpu.assume_multiple %mul3A_631, 64 : i32
      %dma_start3A = tpu.memref_slice %arg10[%multiple_of3A_632] : memref<3200000xf32, #tpu.memory_space<hbm>> -> memref<1024xf32, #tpu.memory_space<hbm>>
      %dma_start3A_633 = tpu.memref_slice %arg10[%multiple_of3A_632] : memref<3200000xf32, #tpu.memory_space<hbm>> -> memref<1024xf32, #tpu.memory_space<hbm>>
      tpu.enqueue_dma source(%arg23 : memref<1024xf32, #tpu.memory_space<vmem>>) target(%dma_start3A_633 : memref<1024xf32, #tpu.memory_space<hbm>>) target_semaphore(%arg24 : memref<!tpu.dma_semaphore, #tpu.memory_space<semaphore_mem>>)
      %while3A_634 = arith.constant 0 : i32
      scf.yield %while3A_634 : i32
    }
    %while3A_293 = arith.constant 0 : i32
    %while3A_294 = arith.constant 0 : i32
    %while3A_295 = arith.subi %sub3A_281, %while3A_293 : i32
    %while3A_296 = arith.addi %while3A_293, %while3A_295 : i32
    %while3A_297 = arith.constant 1 : i32
    %while3A_298 = arith.divsi %while3A_295, %while3A_297 : i32
    %while3A_299 = arith.muli %while3A_298, %while3A_297 : i32
    %while3A_300 = arith.addi %while3A_293, %while3A_299 : i32
    %while3A_301 = arith.constant 1 : i32
    %while3A_302 = scf.for %while3A_625 = %while3A_293 to %while3A_300 step %while3A_301 iter_args(%while3A_626 = %while3A_294) -> (i32)  : i32 {
      %mul3A_627 = arith.constant 16 : i32
      %mul3A_628 = arith.muli %div3A_278, %mul3A_627 : i32
      %add3A_629 = arith.addi %add3A_14, %mul3A_628 : i32
      %add3A_630 = arith.addi %add3A_629, %while3A_625 : i32
      %mul3A_631 = arith.constant 64 : i32
      %mul3A_632 = arith.muli %add3A_630, %mul3A_631 : i32
      %multiple_of3A_633 = tpu.assume_multiple %mul3A_632, 64 : i32
      %dma_start3A = arith.constant 0 : i32
      %dma_start3A_634 = tpu.memref_slice %arg23[%dma_start3A] : memref<1024xf32, #tpu.memory_space<vmem>> -> memref<64xf32, #tpu.memory_space<vmem>>
      %dma_start3A_635 = tpu.memref_slice %arg10[%multiple_of3A_633] : memref<3200000xf32, #tpu.memory_space<hbm>> -> memref<64xf32, #tpu.memory_space<hbm>>
      %dma_start3A_636 = tpu.memref_slice %arg10[%multiple_of3A_633] : memref<3200000xf32, #tpu.memory_space<hbm>> -> memref<64xf32, #tpu.memory_space<hbm>>
      %dma_start3A_637 = arith.constant 0 : i32
      %dma_start3A_638 = tpu.memref_slice %arg23[%dma_start3A_637] : memref<1024xf32, #tpu.memory_space<vmem>> -> memref<64xf32, #tpu.memory_space<vmem>>
      tpu.enqueue_dma source(%dma_start3A_638 : memref<64xf32, #tpu.memory_space<vmem>>) target(%dma_start3A_636 : memref<64xf32, #tpu.memory_space<hbm>>) target_semaphore(%arg24 : memref<!tpu.dma_semaphore, #tpu.memory_space<semaphore_mem>>)
      %while3A_639 = arith.constant 0 : i32
      scf.yield %while3A_639 : i32
    }
    %while3A_303 = arith.constant 1 : i32
    %while3A_304 = scf.for %while3A_625 = %while3A_300 to %while3A_296 step %while3A_303 iter_args(%while3A_626 = %while3A_302) -> (i32)  : i32 {
      %mul3A_627 = arith.constant 16 : i32
      %mul3A_628 = arith.muli %div3A_278, %mul3A_627 : i32
      %add3A_629 = arith.addi %add3A_14, %mul3A_628 : i32
      %add3A_630 = arith.addi %add3A_629, %while3A_625 : i32
      %mul3A_631 = arith.constant 64 : i32
      %mul3A_632 = arith.muli %add3A_630, %mul3A_631 : i32
      %multiple_of3A_633 = tpu.assume_multiple %mul3A_632, 64 : i32
      %dma_start3A = arith.constant 0 : i32
      %dma_start3A_634 = tpu.memref_slice %arg23[%dma_start3A] : memref<1024xf32, #tpu.memory_space<vmem>> -> memref<64xf32, #tpu.memory_space<vmem>>
      %dma_start3A_635 = tpu.memref_slice %arg10[%multiple_of3A_633] : memref<3200000xf32, #tpu.memory_space<hbm>> -> memref<64xf32, #tpu.memory_space<hbm>>
      %dma_start3A_636 = tpu.memref_slice %arg10[%multiple_of3A_633] : memref<3200000xf32, #tpu.memory_space<hbm>> -> memref<64xf32, #tpu.memory_space<hbm>>
      %dma_start3A_637 = arith.constant 0 : i32
      %dma_start3A_638 = tpu.memref_slice %arg23[%dma_start3A_637] : memref<1024xf32, #tpu.memory_space<vmem>> -> memref<64xf32, #tpu.memory_space<vmem>>
      tpu.enqueue_dma source(%dma_start3A_638 : memref<64xf32, #tpu.memory_space<vmem>>) target(%dma_start3A_636 : memref<64xf32, #tpu.memory_space<hbm>>) target_semaphore(%arg24 : memref<!tpu.dma_semaphore, #tpu.memory_space<semaphore_mem>>)
      %while3A_639 = arith.constant 0 : i32
      scf.yield %while3A_639 : i32
    }
    %while3A_305 = arith.constant 0 : i32
    %while3A_306 = arith.constant 0 : i32
    %while3A_307 = arith.subi %div3A_278, %while3A_305 : i32
    %while3A_308 = arith.addi %while3A_305, %while3A_307 : i32
    %while3A_309 = arith.constant 1 : i32
    %while3A_310 = arith.divsi %while3A_307, %while3A_309 : i32
    %while3A_311 = arith.muli %while3A_310, %while3A_309 : i32
    %while3A_312 = arith.addi %while3A_305, %while3A_311 : i32
    %while3A_313 = arith.constant 1 : i32
    %while3A_314 = scf.for %while3A_625 = %while3A_305 to %while3A_312 step %while3A_313 iter_args(%while3A_626 = %while3A_306) -> (i32)  : i32 {
      %mul3A_627 = arith.constant 64 : i32
      %mul3A_628 = arith.muli %add3A_14, %mul3A_627 : i32
      %multiple_of3A_629 = tpu.assume_multiple %mul3A_628, 64 : i32
      %dma_wait3A = tpu.memref_slice %arg10[%multiple_of3A_629] : memref<3200000xf32, #tpu.memory_space<hbm>> -> memref<1024xf32, #tpu.memory_space<hbm>>
      %dma_wait3A_630 = tpu.memref_slice %arg10[%multiple_of3A_629] : memref<3200000xf32, #tpu.memory_space<hbm>> -> memref<1024xf32, #tpu.memory_space<hbm>>
      tpu.wait_dma2 semaphore(%arg24 : memref<!tpu.dma_semaphore, #tpu.memory_space<semaphore_mem>>) src(%arg23 : memref<1024xf32, #tpu.memory_space<vmem>>) dst(%dma_wait3A_630 : memref<1024xf32, #tpu.memory_space<hbm>>)
      %while3A_631 = arith.constant 0 : i32
      scf.yield %while3A_631 : i32
    }
    %while3A_315 = arith.constant 1 : i32
    %while3A_316 = scf.for %while3A_625 = %while3A_312 to %while3A_308 step %while3A_315 iter_args(%while3A_626 = %while3A_314) -> (i32)  : i32 {
      %mul3A_627 = arith.constant 64 : i32
      %mul3A_628 = arith.muli %add3A_14, %mul3A_627 : i32
      %multiple_of3A_629 = tpu.assume_multiple %mul3A_628, 64 : i32
      %dma_wait3A = tpu.memref_slice %arg10[%multiple_of3A_629] : memref<3200000xf32, #tpu.memory_space<hbm>> -> memref<1024xf32, #tpu.memory_space<hbm>>
      %dma_wait3A_630 = tpu.memref_slice %arg10[%multiple_of3A_629] : memref<3200000xf32, #tpu.memory_space<hbm>> -> memref<1024xf32, #tpu.memory_space<hbm>>
      tpu.wait_dma2 semaphore(%arg24 : memref<!tpu.dma_semaphore, #tpu.memory_space<semaphore_mem>>) src(%arg23 : memref<1024xf32, #tpu.memory_space<vmem>>) dst(%dma_wait3A_630 : memref<1024xf32, #tpu.memory_space<hbm>>)
      %while3A_631 = arith.constant 0 : i32
      scf.yield %while3A_631 : i32
    }
    %while3A_317 = arith.constant 0 : i32
    %while3A_318 = arith.constant 0 : i32
    %while3A_319 = arith.subi %sub3A_281, %while3A_317 : i32
    %while3A_320 = arith.addi %while3A_317, %while3A_319 : i32
    %while3A_321 = arith.constant 1 : i32
    %while3A_322 = arith.divsi %while3A_319, %while3A_321 : i32
    %while3A_323 = arith.muli %while3A_322, %while3A_321 : i32
    %while3A_324 = arith.addi %while3A_317, %while3A_323 : i32
    %while3A_325 = arith.constant 1 : i32
    %while3A_326 = scf.for %while3A_625 = %while3A_317 to %while3A_324 step %while3A_325 iter_args(%while3A_626 = %while3A_318) -> (i32)  : i32 {
      %mul3A_627 = arith.constant 64 : i32
      %mul3A_628 = arith.muli %add3A_14, %mul3A_627 : i32
      %multiple_of3A_629 = tpu.assume_multiple %mul3A_628, 64 : i32
      %dma_wait3A = arith.constant 0 : i32
      %dma_wait3A_630 = tpu.memref_slice %arg23[%dma_wait3A] : memref<1024xf32, #tpu.memory_space<vmem>> -> memref<64xf32, #tpu.memory_space<vmem>>
      %dma_wait3A_631 = tpu.memref_slice %arg10[%multiple_of3A_629] : memref<3200000xf32, #tpu.memory_space<hbm>> -> memref<64xf32, #tpu.memory_space<hbm>>
      %dma_wait3A_632 = tpu.memref_slice %arg10[%multiple_of3A_629] : memref<3200000xf32, #tpu.memory_space<hbm>> -> memref<64xf32, #tpu.memory_space<hbm>>
      %dma_wait3A_633 = arith.constant 0 : i32
      %dma_wait3A_634 = tpu.memref_slice %arg23[%dma_wait3A_633] : memref<1024xf32, #tpu.memory_space<vmem>> -> memref<64xf32, #tpu.memory_space<vmem>>
      tpu.wait_dma2 semaphore(%arg24 : memref<!tpu.dma_semaphore, #tpu.memory_space<semaphore_mem>>) src(%dma_wait3A_634 : memref<64xf32, #tpu.memory_space<vmem>>) dst(%dma_wait3A_632 : memref<64xf32, #tpu.memory_space<hbm>>)
      %while3A_635 = arith.constant 0 : i32
      scf.yield %while3A_635 : i32
    }
    %while3A_327 = arith.constant 1 : i32
    %while3A_328 = scf.for %while3A_625 = %while3A_324 to %while3A_320 step %while3A_327 iter_args(%while3A_626 = %while3A_326) -> (i32)  : i32 {
      %mul3A_627 = arith.constant 64 : i32
      %mul3A_628 = arith.muli %add3A_14, %mul3A_627 : i32
      %multiple_of3A_629 = tpu.assume_multiple %mul3A_628, 64 : i32
      %dma_wait3A = arith.constant 0 : i32
      %dma_wait3A_630 = tpu.memref_slice %arg23[%dma_wait3A] : memref<1024xf32, #tpu.memory_space<vmem>> -> memref<64xf32, #tpu.memory_space<vmem>>
      %dma_wait3A_631 = tpu.memref_slice %arg10[%multiple_of3A_629] : memref<3200000xf32, #tpu.memory_space<hbm>> -> memref<64xf32, #tpu.memory_space<hbm>>
      %dma_wait3A_632 = tpu.memref_slice %arg10[%multiple_of3A_629] : memref<3200000xf32, #tpu.memory_space<hbm>> -> memref<64xf32, #tpu.memory_space<hbm>>
      %dma_wait3A_633 = arith.constant 0 : i32
      %dma_wait3A_634 = tpu.memref_slice %arg23[%dma_wait3A_633] : memref<1024xf32, #tpu.memory_space<vmem>> -> memref<64xf32, #tpu.memory_space<vmem>>
      tpu.wait_dma2 semaphore(%arg24 : memref<!tpu.dma_semaphore, #tpu.memory_space<semaphore_mem>>) src(%dma_wait3A_634 : memref<64xf32, #tpu.memory_space<vmem>>) dst(%dma_wait3A_632 : memref<64xf32, #tpu.memory_space<hbm>>)
      %while3A_635 = arith.constant 0 : i32
      scf.yield %while3A_635 : i32
    }
    %scan3A = arith.constant 0 : i32
    %scan3A_329 = arith.constant 100000 : i32
    %scan3A_330 = arith.constant 0 : i32
    %scan3A_331 = arith.constant 17 : i32
    %scan3A_332 = arith.addi %scan3A_330, %scan3A_331 : i32
    %scan3A_333 = arith.constant 1 : i32
    %scan3A_334:2 = scf.for %scan3A_625 = %scan3A_330 to %scan3A_332 step %scan3A_333 iter_args(%scan3A_626 = %scan3A, %scan3A_627 = %scan3A_329) -> (i32, i32)  : i32 {
      %add3A_628 = arith.addi %scan3A_626, %scan3A_627 : i32
      %div3A_629 = arith.constant 2 : i32
      %div3A_630 = arith.divsi %add3A_628, %div3A_629 : i32
      %mul3A_631 = arith.constant 16 : i32
      %mul3A_632 = arith.muli %mul3A_631, %div3A_630 : i32
      %multiple_of3A_633 = tpu.assume_multiple %mul3A_632, 16 : i32
      "tpu.region"() ({
        %run_scoped3A = tpu.sem_alloc : memref<!tpu.dma_semaphore, #tpu.memory_space<semaphore_mem>>
        %dma_start3A = tpu.memref_slice %arg8[%multiple_of3A_633] : memref<1600000xi32, #tpu.memory_space<hbm>> -> memref<16xi32, #tpu.memory_space<hbm>>
        %dma_start3A_646 = tpu.memref_slice %arg8[%multiple_of3A_633] : memref<1600000xi32, #tpu.memory_space<hbm>> -> memref<16xi32, #tpu.memory_space<hbm>>
        tpu.enqueue_dma source(%dma_start3A_646 : memref<16xi32, #tpu.memory_space<hbm>>) target(%arg21 : memref<16xi32, #tpu.memory_space<vmem>>) target_semaphore(%run_scoped3A : memref<!tpu.dma_semaphore, #tpu.memory_space<semaphore_mem>>)
        %dma_wait3A = tpu.memref_slice %arg8[%multiple_of3A_633] : memref<1600000xi32, #tpu.memory_space<hbm>> -> memref<16xi32, #tpu.memory_space<hbm>>
        %dma_wait3A_647 = tpu.memref_slice %arg8[%multiple_of3A_633] : memref<1600000xi32, #tpu.memory_space<hbm>> -> memref<16xi32, #tpu.memory_space<hbm>>
        tpu.wait_dma2 semaphore(%run_scoped3A : memref<!tpu.dma_semaphore, #tpu.memory_space<semaphore_mem>>) src(%dma_wait3A_647 : memref<16xi32, #tpu.memory_space<hbm>>) dst(%arg21 : memref<16xi32, #tpu.memory_space<vmem>>)
        tpu.yield
      }) : () -> ()
      %get3A_634 = arith.constant 0 : index
      %get3A_635 = tpu.vector_load %arg21[%get3A_634] {strides = array<i32>} : memref<16xi32, #tpu.memory_space<vmem>>, vector<16xi32>,
      %slice3A_636 = vector.extract_strided_slice %get3A_635 {offsets = [0], sizes = [1], strides = [1]} : vector<16xi32> to vector<1xi32>
      %squeeze3A_637 = vector.extract %slice3A_636[0] : i32 from vector<1xi32>
      %ge3A = arith.cmpi sge, %squeeze3A_637, %add3A_14 : i32
      %lt3A_638 = arith.cmpi slt, %scan3A_626, %scan3A_627 : i32
      %not3A = arith.constant true
      %not3A_639 = arith.xori %ge3A, %not3A : i1
      %and3A = arith.andi %lt3A_638, %not3A_639 : i1
      %add3A_640 = arith.constant 1 : i32
      %add3A_641 = arith.addi %div3A_630, %add3A_640 : i32
      %select_n3A_642 = arith.select %and3A, %add3A_641, %scan3A_626 : i32
      %lt3A_643 = arith.cmpi slt, %scan3A_626, %scan3A_627 : i32
      %and3A_644 = arith.andi %lt3A_643, %ge3A : i1
      %select_n3A_645 = arith.select %and3A_644, %div3A_630, %scan3A_627 : i32
      scf.yield %select_n3A_642, %select_n3A_645 : i32, i32
    }
    %scan3A_335 = arith.constant 17 : i32
    %sub3A_336 = arith.constant 1 : i32
    %sub3A_337 = arith.subi %scan3A_334#0, %sub3A_336 : i32
    %max3A = arith.constant 0 : i32
    %max3A_338 = arith.maxsi %sub3A_337, %max3A : i32
    %mul3A_339 = arith.constant 16 : i32
    %mul3A_340 = arith.muli %mul3A_339, %max3A_338 : i32
    %multiple_of3A_341 = tpu.assume_multiple %mul3A_340, 16 : i32
    "tpu.region"() ({
      %run_scoped3A = tpu.sem_alloc : memref<!tpu.dma_semaphore, #tpu.memory_space<semaphore_mem>>
      %dma_start3A = tpu.memref_slice %arg8[%multiple_of3A_341] : memref<1600000xi32, #tpu.memory_space<hbm>> -> memref<16xi32, #tpu.memory_space<hbm>>
      %dma_start3A_625 = tpu.memref_slice %arg8[%multiple_of3A_341] : memref<1600000xi32, #tpu.memory_space<hbm>> -> memref<16xi32, #tpu.memory_space<hbm>>
      tpu.enqueue_dma source(%dma_start3A_625 : memref<16xi32, #tpu.memory_space<hbm>>) target(%arg21 : memref<16xi32, #tpu.memory_space<vmem>>) target_semaphore(%run_scoped3A : memref<!tpu.dma_semaphore, #tpu.memory_space<semaphore_mem>>)
      %dma_wait3A = tpu.memref_slice %arg8[%multiple_of3A_341] : memref<1600000xi32, #tpu.memory_space<hbm>> -> memref<16xi32, #tpu.memory_space<hbm>>
      %dma_wait3A_626 = tpu.memref_slice %arg8[%multiple_of3A_341] : memref<1600000xi32, #tpu.memory_space<hbm>> -> memref<16xi32, #tpu.memory_space<hbm>>
      tpu.wait_dma2 semaphore(%run_scoped3A : memref<!tpu.dma_semaphore, #tpu.memory_space<semaphore_mem>>) src(%dma_wait3A_626 : memref<16xi32, #tpu.memory_space<hbm>>) dst(%arg21 : memref<16xi32, #tpu.memory_space<vmem>>)
      tpu.yield
    }) : () -> ()
    %get3A_342 = arith.constant 0 : index
    %get3A_343 = tpu.vector_load %arg21[%get3A_342] {strides = array<i32>} : memref<16xi32, #tpu.memory_space<vmem>>, vector<16xi32>,
    %lt3A = vector.broadcast %add3A_14 : i32 to vector<16xi32>
    %lt3A_344 = arith.cmpi slt, %get3A_343, %lt3A : vector<16xi32>
    %all_reduce_population_count3A = tpu.all_reduce %lt3A_344 {dim = 0 : i64, kind = #tpu.reduction_kind<sum>} : vector<16xi1> -> vector<16xi32>
    %slice3A_345 = vector.extract_strided_slice %all_reduce_population_count3A {offsets = [0], sizes = [1], strides = [1]} : vector<16xi32> to vector<1xi32>
    %squeeze3A_346 = vector.extract %slice3A_345[0] : i32 from vector<1xi32>
    %eq3A_347 = arith.constant 0 : i32
    %eq3A_348 = arith.cmpi eq, %scan3A_334#0, %eq3A_347 : i32
    %mul3A_349 = arith.constant 16 : i32
    %mul3A_350 = arith.muli %max3A_338, %mul3A_349 : i32
    %add3A_351 = arith.addi %mul3A_350, %squeeze3A_346 : i32
    %jit3A_352 = arith.constant 0 : i32
    %select_n3A_353 = arith.select %eq3A_348, %jit3A_352, %add3A_351 : i32
    %scan3A_354 = arith.constant 0 : i32
    %scan3A_355 = arith.constant 100000 : i32
    %scan3A_356 = arith.constant 0 : i32
    %scan3A_357 = arith.constant 17 : i32
    %scan3A_358 = arith.addi %scan3A_356, %scan3A_357 : i32
    %scan3A_359 = arith.constant 1 : i32
    %scan3A_360:2 = scf.for %scan3A_625 = %scan3A_356 to %scan3A_358 step %scan3A_359 iter_args(%scan3A_626 = %scan3A_354, %scan3A_627 = %scan3A_355) -> (i32, i32)  : i32 {
      %add3A_628 = arith.addi %scan3A_626, %scan3A_627 : i32
      %div3A_629 = arith.constant 2 : i32
      %div3A_630 = arith.divsi %add3A_628, %div3A_629 : i32
      %mul3A_631 = arith.constant 16 : i32
      %mul3A_632 = arith.muli %mul3A_631, %div3A_630 : i32
      %multiple_of3A_633 = tpu.assume_multiple %mul3A_632, 16 : i32
      "tpu.region"() ({
        %run_scoped3A = tpu.sem_alloc : memref<!tpu.dma_semaphore, #tpu.memory_space<semaphore_mem>>
        %dma_start3A = tpu.memref_slice %arg8[%multiple_of3A_633] : memref<1600000xi32, #tpu.memory_space<hbm>> -> memref<16xi32, #tpu.memory_space<hbm>>
        %dma_start3A_646 = tpu.memref_slice %arg8[%multiple_of3A_633] : memref<1600000xi32, #tpu.memory_space<hbm>> -> memref<16xi32, #tpu.memory_space<hbm>>
        tpu.enqueue_dma source(%dma_start3A_646 : memref<16xi32, #tpu.memory_space<hbm>>) target(%arg21 : memref<16xi32, #tpu.memory_space<vmem>>) target_semaphore(%run_scoped3A : memref<!tpu.dma_semaphore, #tpu.memory_space<semaphore_mem>>)
        %dma_wait3A = tpu.memref_slice %arg8[%multiple_of3A_633] : memref<1600000xi32, #tpu.memory_space<hbm>> -> memref<16xi32, #tpu.memory_space<hbm>>
        %dma_wait3A_647 = tpu.memref_slice %arg8[%multiple_of3A_633] : memref<1600000xi32, #tpu.memory_space<hbm>> -> memref<16xi32, #tpu.memory_space<hbm>>
        tpu.wait_dma2 semaphore(%run_scoped3A : memref<!tpu.dma_semaphore, #tpu.memory_space<semaphore_mem>>) src(%dma_wait3A_647 : memref<16xi32, #tpu.memory_space<hbm>>) dst(%arg21 : memref<16xi32, #tpu.memory_space<vmem>>)
        tpu.yield
      }) : () -> ()
      %get3A_634 = arith.constant 0 : index
      %get3A_635 = tpu.vector_load %arg21[%get3A_634] {strides = array<i32>} : memref<16xi32, #tpu.memory_space<vmem>>, vector<16xi32>,
      %slice3A_636 = vector.extract_strided_slice %get3A_635 {offsets = [0], sizes = [1], strides = [1]} : vector<16xi32> to vector<1xi32>
      %squeeze3A_637 = vector.extract %slice3A_636[0] : i32 from vector<1xi32>
      %ge3A = arith.cmpi sge, %squeeze3A_637, %select_n3A : i32
      %lt3A_638 = arith.cmpi slt, %scan3A_626, %scan3A_627 : i32
      %not3A = arith.constant true
      %not3A_639 = arith.xori %ge3A, %not3A : i1
      %and3A = arith.andi %lt3A_638, %not3A_639 : i1
      %add3A_640 = arith.constant 1 : i32
      %add3A_641 = arith.addi %div3A_630, %add3A_640 : i32
      %select_n3A_642 = arith.select %and3A, %add3A_641, %scan3A_626 : i32
      %lt3A_643 = arith.cmpi slt, %scan3A_626, %scan3A_627 : i32
      %and3A_644 = arith.andi %lt3A_643, %ge3A : i1
      %select_n3A_645 = arith.select %and3A_644, %div3A_630, %scan3A_627 : i32
      scf.yield %select_n3A_642, %select_n3A_645 : i32, i32
    }
    %scan3A_361 = arith.constant 17 : i32
    %sub3A_362 = arith.constant 1 : i32
    %sub3A_363 = arith.subi %scan3A_360#0, %sub3A_362 : i32
    %max3A_364 = arith.constant 0 : i32
    %max3A_365 = arith.maxsi %sub3A_363, %max3A_364 : i32
    %mul3A_366 = arith.constant 16 : i32
    %mul3A_367 = arith.muli %mul3A_366, %max3A_365 : i32
    %multiple_of3A_368 = tpu.assume_multiple %mul3A_367, 16 : i32
    "tpu.region"() ({
      %run_scoped3A = tpu.sem_alloc : memref<!tpu.dma_semaphore, #tpu.memory_space<semaphore_mem>>
      %dma_start3A = tpu.memref_slice %arg8[%multiple_of3A_368] : memref<1600000xi32, #tpu.memory_space<hbm>> -> memref<16xi32, #tpu.memory_space<hbm>>
      %dma_start3A_625 = tpu.memref_slice %arg8[%multiple_of3A_368] : memref<1600000xi32, #tpu.memory_space<hbm>> -> memref<16xi32, #tpu.memory_space<hbm>>
      tpu.enqueue_dma source(%dma_start3A_625 : memref<16xi32, #tpu.memory_space<hbm>>) target(%arg21 : memref<16xi32, #tpu.memory_space<vmem>>) target_semaphore(%run_scoped3A : memref<!tpu.dma_semaphore, #tpu.memory_space<semaphore_mem>>)
      %dma_wait3A = tpu.memref_slice %arg8[%multiple_of3A_368] : memref<1600000xi32, #tpu.memory_space<hbm>> -> memref<16xi32, #tpu.memory_space<hbm>>
      %dma_wait3A_626 = tpu.memref_slice %arg8[%multiple_of3A_368] : memref<1600000xi32, #tpu.memory_space<hbm>> -> memref<16xi32, #tpu.memory_space<hbm>>
      tpu.wait_dma2 semaphore(%run_scoped3A : memref<!tpu.dma_semaphore, #tpu.memory_space<semaphore_mem>>) src(%dma_wait3A_626 : memref<16xi32, #tpu.memory_space<hbm>>) dst(%arg21 : memref<16xi32, #tpu.memory_space<vmem>>)
      tpu.yield
    }) : () -> ()
    %get3A_369 = arith.constant 0 : index
    %get3A_370 = tpu.vector_load %arg21[%get3A_369] {strides = array<i32>} : memref<16xi32, #tpu.memory_space<vmem>>, vector<16xi32>,
    %lt3A_371 = vector.broadcast %select_n3A : i32 to vector<16xi32>
    %lt3A_372 = arith.cmpi slt, %get3A_370, %lt3A_371 : vector<16xi32>
    %all_reduce_population_count3A_373 = tpu.all_reduce %lt3A_372 {dim = 0 : i64, kind = #tpu.reduction_kind<sum>} : vector<16xi1> -> vector<16xi32>
    %slice3A_374 = vector.extract_strided_slice %all_reduce_population_count3A_373 {offsets = [0], sizes = [1], strides = [1]} : vector<16xi32> to vector<1xi32>
    %squeeze3A_375 = vector.extract %slice3A_374[0] : i32 from vector<1xi32>
    %eq3A_376 = arith.constant 0 : i32
    %eq3A_377 = arith.cmpi eq, %scan3A_360#0, %eq3A_376 : i32
    %mul3A_378 = arith.constant 16 : i32
    %mul3A_379 = arith.muli %max3A_365, %mul3A_378 : i32
    %add3A_380 = arith.addi %mul3A_379, %squeeze3A_375 : i32
    %jit3A_381 = arith.constant 0 : i32
    %select_n3A_382 = arith.select %eq3A_377, %jit3A_381, %add3A_380 : i32
    %get3A_383 = arith.constant 0 : i32
    %get3A_384 = arith.index_cast %get3A_383 : i32 to index
    %get3A_385 = arith.constant 0 : index
    %get3A_386 = tpu.vector_load %arg18[%get3A_384, %get3A_385] {strides = array<i32>} : memref<9x64xf32, #tpu.memory_space<vmem>>, vector<16xf32>,
    %get3A_387 = arith.constant 0 : i32
    %get3A_388 = arith.index_cast %get3A_387 : i32 to index
    %get3A_389 = arith.constant 16 : index
    %get3A_390 = tpu.vector_load %arg18[%get3A_388, %get3A_389] {strides = array<i32>} : memref<9x64xf32, #tpu.memory_space<vmem>>, vector<16xf32>,
    %get3A_391 = arith.constant 0 : i32
    %get3A_392 = arith.index_cast %get3A_391 : i32 to index
    %get3A_393 = arith.constant 32 : index
    %get3A_394 = tpu.vector_load %arg18[%get3A_392, %get3A_393] {strides = array<i32>} : memref<9x64xf32, #tpu.memory_space<vmem>>, vector<16xf32>,
    %get3A_395 = arith.constant 0 : i32
    %get3A_396 = arith.index_cast %get3A_395 : i32 to index
    %get3A_397 = arith.constant 48 : index
    %get3A_398 = tpu.vector_load %arg18[%get3A_396, %get3A_397] {strides = array<i32>} : memref<9x64xf32, #tpu.memory_space<vmem>>, vector<16xf32>,
    %get3A_399 = arith.constant 1 : i32
    %get3A_400 = arith.index_cast %get3A_399 : i32 to index
    %get3A_401 = arith.constant 0 : index
    %get3A_402 = tpu.vector_load %arg18[%get3A_400, %get3A_401] {strides = array<i32>} : memref<9x64xf32, #tpu.memory_space<vmem>>, vector<16xf32>,
    %get3A_403 = arith.constant 1 : i32
    %get3A_404 = arith.index_cast %get3A_403 : i32 to index
    %get3A_405 = arith.constant 16 : index
    %get3A_406 = tpu.vector_load %arg18[%get3A_404, %get3A_405] {strides = array<i32>} : memref<9x64xf32, #tpu.memory_space<vmem>>, vector<16xf32>,
    %get3A_407 = arith.constant 1 : i32
    %get3A_408 = arith.index_cast %get3A_407 : i32 to index
    %get3A_409 = arith.constant 32 : index
    %get3A_410 = tpu.vector_load %arg18[%get3A_408, %get3A_409] {strides = array<i32>} : memref<9x64xf32, #tpu.memory_space<vmem>>, vector<16xf32>,
    %get3A_411 = arith.constant 1 : i32
    %get3A_412 = arith.index_cast %get3A_411 : i32 to index
    %get3A_413 = arith.constant 48 : index
    %get3A_414 = tpu.vector_load %arg18[%get3A_412, %get3A_413] {strides = array<i32>} : memref<9x64xf32, #tpu.memory_space<vmem>>, vector<16xf32>,
    %get3A_415 = arith.constant 2 : i32
    %get3A_416 = arith.index_cast %get3A_415 : i32 to index
    %get3A_417 = arith.constant 0 : index
    %get3A_418 = tpu.vector_load %arg18[%get3A_416, %get3A_417] {strides = array<i32>} : memref<9x64xf32, #tpu.memory_space<vmem>>, vector<16xf32>,
    %get3A_419 = arith.constant 2 : i32
    %get3A_420 = arith.index_cast %get3A_419 : i32 to index
    %get3A_421 = arith.constant 16 : index
    %get3A_422 = tpu.vector_load %arg18[%get3A_420, %get3A_421] {strides = array<i32>} : memref<9x64xf32, #tpu.memory_space<vmem>>, vector<16xf32>,
    %get3A_423 = arith.constant 2 : i32
    %get3A_424 = arith.index_cast %get3A_423 : i32 to index
    %get3A_425 = arith.constant 32 : index
    %get3A_426 = tpu.vector_load %arg18[%get3A_424, %get3A_425] {strides = array<i32>} : memref<9x64xf32, #tpu.memory_space<vmem>>, vector<16xf32>,
    %get3A_427 = arith.constant 2 : i32
    %get3A_428 = arith.index_cast %get3A_427 : i32 to index
    %get3A_429 = arith.constant 48 : index
    %get3A_430 = tpu.vector_load %arg18[%get3A_428, %get3A_429] {strides = array<i32>} : memref<9x64xf32, #tpu.memory_space<vmem>>, vector<16xf32>,
    %get3A_431 = arith.constant 3 : i32
    %get3A_432 = arith.index_cast %get3A_431 : i32 to index
    %get3A_433 = arith.constant 0 : index
    %get3A_434 = tpu.vector_load %arg18[%get3A_432, %get3A_433] {strides = array<i32>} : memref<9x64xf32, #tpu.memory_space<vmem>>, vector<16xf32>,
    %get3A_435 = arith.constant 3 : i32
    %get3A_436 = arith.index_cast %get3A_435 : i32 to index
    %get3A_437 = arith.constant 16 : index
    %get3A_438 = tpu.vector_load %arg18[%get3A_436, %get3A_437] {strides = array<i32>} : memref<9x64xf32, #tpu.memory_space<vmem>>, vector<16xf32>,
    %get3A_439 = arith.constant 3 : i32
    %get3A_440 = arith.index_cast %get3A_439 : i32 to index
    %get3A_441 = arith.constant 32 : index
    %get3A_442 = tpu.vector_load %arg18[%get3A_440, %get3A_441] {strides = array<i32>} : memref<9x64xf32, #tpu.memory_space<vmem>>, vector<16xf32>,
    %get3A_443 = arith.constant 3 : i32
    %get3A_444 = arith.index_cast %get3A_443 : i32 to index
    %get3A_445 = arith.constant 48 : index
    %get3A_446 = tpu.vector_load %arg18[%get3A_444, %get3A_445] {strides = array<i32>} : memref<9x64xf32, #tpu.memory_space<vmem>>, vector<16xf32>,
    %get3A_447 = arith.constant 4 : i32
    %get3A_448 = arith.index_cast %get3A_447 : i32 to index
    %get3A_449 = arith.constant 0 : index
    %get3A_450 = tpu.vector_load %arg18[%get3A_448, %get3A_449] {strides = array<i32>} : memref<9x64xf32, #tpu.memory_space<vmem>>, vector<16xf32>,
    %get3A_451 = arith.constant 4 : i32
    %get3A_452 = arith.index_cast %get3A_451 : i32 to index
    %get3A_453 = arith.constant 16 : index
    %get3A_454 = tpu.vector_load %arg18[%get3A_452, %get3A_453] {strides = array<i32>} : memref<9x64xf32, #tpu.memory_space<vmem>>, vector<16xf32>,
    %get3A_455 = arith.constant 4 : i32
    %get3A_456 = arith.index_cast %get3A_455 : i32 to index
    %get3A_457 = arith.constant 32 : index
    %get3A_458 = tpu.vector_load %arg18[%get3A_456, %get3A_457] {strides = array<i32>} : memref<9x64xf32, #tpu.memory_space<vmem>>, vector<16xf32>,
    %get3A_459 = arith.constant 4 : i32
    %get3A_460 = arith.index_cast %get3A_459 : i32 to index
    %get3A_461 = arith.constant 48 : index
    %get3A_462 = tpu.vector_load %arg18[%get3A_460, %get3A_461] {strides = array<i32>} : memref<9x64xf32, #tpu.memory_space<vmem>>, vector<16xf32>,
    %get3A_463 = arith.constant 5 : i32
    %get3A_464 = arith.index_cast %get3A_463 : i32 to index
    %get3A_465 = arith.constant 0 : index
    %get3A_466 = tpu.vector_load %arg18[%get3A_464, %get3A_465] {strides = array<i32>} : memref<9x64xf32, #tpu.memory_space<vmem>>, vector<16xf32>,
    %get3A_467 = arith.constant 5 : i32
    %get3A_468 = arith.index_cast %get3A_467 : i32 to index
    %get3A_469 = arith.constant 16 : index
    %get3A_470 = tpu.vector_load %arg18[%get3A_468, %get3A_469] {strides = array<i32>} : memref<9x64xf32, #tpu.memory_space<vmem>>, vector<16xf32>,
    %get3A_471 = arith.constant 5 : i32
    %get3A_472 = arith.index_cast %get3A_471 : i32 to index
    %get3A_473 = arith.constant 32 : index
    %get3A_474 = tpu.vector_load %arg18[%get3A_472, %get3A_473] {strides = array<i32>} : memref<9x64xf32, #tpu.memory_space<vmem>>, vector<16xf32>,
    %get3A_475 = arith.constant 5 : i32
    %get3A_476 = arith.index_cast %get3A_475 : i32 to index
    %get3A_477 = arith.constant 48 : index
    %get3A_478 = tpu.vector_load %arg18[%get3A_476, %get3A_477] {strides = array<i32>} : memref<9x64xf32, #tpu.memory_space<vmem>>, vector<16xf32>,
    %get3A_479 = arith.constant 6 : i32
    %get3A_480 = arith.index_cast %get3A_479 : i32 to index
    %get3A_481 = arith.constant 0 : index
    %get3A_482 = tpu.vector_load %arg18[%get3A_480, %get3A_481] {strides = array<i32>} : memref<9x64xf32, #tpu.memory_space<vmem>>, vector<16xf32>,
    %get3A_483 = arith.constant 6 : i32
    %get3A_484 = arith.index_cast %get3A_483 : i32 to index
    %get3A_485 = arith.constant 16 : index
    %get3A_486 = tpu.vector_load %arg18[%get3A_484, %get3A_485] {strides = array<i32>} : memref<9x64xf32, #tpu.memory_space<vmem>>, vector<16xf32>,
    %get3A_487 = arith.constant 6 : i32
    %get3A_488 = arith.index_cast %get3A_487 : i32 to index
    %get3A_489 = arith.constant 32 : index
    %get3A_490 = tpu.vector_load %arg18[%get3A_488, %get3A_489] {strides = array<i32>} : memref<9x64xf32, #tpu.memory_space<vmem>>, vector<16xf32>,
    %get3A_491 = arith.constant 6 : i32
    %get3A_492 = arith.index_cast %get3A_491 : i32 to index
    %get3A_493 = arith.constant 48 : index
    %get3A_494 = tpu.vector_load %arg18[%get3A_492, %get3A_493] {strides = array<i32>} : memref<9x64xf32, #tpu.memory_space<vmem>>, vector<16xf32>,
    %get3A_495 = arith.constant 7 : i32
    %get3A_496 = arith.index_cast %get3A_495 : i32 to index
    %get3A_497 = arith.constant 0 : index
    %get3A_498 = tpu.vector_load %arg18[%get3A_496, %get3A_497] {strides = array<i32>} : memref<9x64xf32, #tpu.memory_space<vmem>>, vector<16xf32>,
    %get3A_499 = arith.constant 7 : i32
    %get3A_500 = arith.index_cast %get3A_499 : i32 to index
    %get3A_501 = arith.constant 16 : index
    %get3A_502 = tpu.vector_load %arg18[%get3A_500, %get3A_501] {strides = array<i32>} : memref<9x64xf32, #tpu.memory_space<vmem>>, vector<16xf32>,
    %get3A_503 = arith.constant 7 : i32
    %get3A_504 = arith.index_cast %get3A_503 : i32 to index
    %get3A_505 = arith.constant 32 : index
    %get3A_506 = tpu.vector_load %arg18[%get3A_504, %get3A_505] {strides = array<i32>} : memref<9x64xf32, #tpu.memory_space<vmem>>, vector<16xf32>,
    %get3A_507 = arith.constant 7 : i32
    %get3A_508 = arith.index_cast %get3A_507 : i32 to index
    %get3A_509 = arith.constant 48 : index
    %get3A_510 = tpu.vector_load %arg18[%get3A_508, %get3A_509] {strides = array<i32>} : memref<9x64xf32, #tpu.memory_space<vmem>>, vector<16xf32>,
    %get3A_511 = arith.constant 8 : i32
    %get3A_512 = arith.index_cast %get3A_511 : i32 to index
    %get3A_513 = arith.constant 0 : index
    %get3A_514 = tpu.vector_load %arg18[%get3A_512, %get3A_513] {strides = array<i32>} : memref<9x64xf32, #tpu.memory_space<vmem>>, vector<16xf32>,
    %get3A_515 = arith.constant 8 : i32
    %get3A_516 = arith.index_cast %get3A_515 : i32 to index
    %get3A_517 = arith.constant 16 : index
    %get3A_518 = tpu.vector_load %arg18[%get3A_516, %get3A_517] {strides = array<i32>} : memref<9x64xf32, #tpu.memory_space<vmem>>, vector<16xf32>,
    %get3A_519 = arith.constant 8 : i32
    %get3A_520 = arith.index_cast %get3A_519 : i32 to index
    %get3A_521 = arith.constant 32 : index
    %get3A_522 = tpu.vector_load %arg18[%get3A_520, %get3A_521] {strides = array<i32>} : memref<9x64xf32, #tpu.memory_space<vmem>>, vector<16xf32>,
    %get3A_523 = arith.constant 8 : i32
    %get3A_524 = arith.index_cast %get3A_523 : i32 to index
    %get3A_525 = arith.constant 48 : index
    %get3A_526 = tpu.vector_load %arg18[%get3A_524, %get3A_525] {strides = array<i32>} : memref<9x64xf32, #tpu.memory_space<vmem>>, vector<16xf32>,
    %add3A_527 = arith.addf %get3A_386, %get3A_450 : vector<16xf32>
    %add3A_528 = arith.addf %add3A_527, %get3A_498 : vector<16xf32>
    %add3A_529 = arith.addf %get3A_390, %get3A_454 : vector<16xf32>
    %add3A_530 = arith.addf %add3A_529, %get3A_502 : vector<16xf32>
    %add3A_531 = arith.addf %get3A_394, %get3A_458 : vector<16xf32>
    %add3A_532 = arith.addf %add3A_531, %get3A_506 : vector<16xf32>
    %add3A_533 = arith.addf %get3A_398, %get3A_462 : vector<16xf32>
    %add3A_534 = arith.addf %add3A_533, %get3A_510 : vector<16xf32>
    %add3A_535 = arith.addf %get3A_402, %get3A_466 : vector<16xf32>
    %add3A_536 = arith.addf %add3A_535, %get3A_514 : vector<16xf32>
    %add3A_537 = arith.addf %get3A_406, %get3A_470 : vector<16xf32>
    %add3A_538 = arith.addf %add3A_537, %get3A_518 : vector<16xf32>
    %add3A_539 = arith.addf %get3A_410, %get3A_474 : vector<16xf32>
    %add3A_540 = arith.addf %add3A_539, %get3A_522 : vector<16xf32>
    %add3A_541 = arith.addf %get3A_414, %get3A_478 : vector<16xf32>
    %add3A_542 = arith.addf %add3A_541, %get3A_526 : vector<16xf32>
    %add3A_543 = arith.addf %get3A_418, %get3A_482 : vector<16xf32>
    %add3A_544 = arith.addf %get3A_422, %get3A_486 : vector<16xf32>
    %add3A_545 = arith.addf %get3A_426, %get3A_490 : vector<16xf32>
    %add3A_546 = arith.addf %get3A_430, %get3A_494 : vector<16xf32>
    %mul3A_547 = arith.constant -2.000000e-01 : f32
    %mul3A_548 = vector.broadcast %mul3A_547 : f32 to vector<16xf32>
    %mul3A_549 = arith.mulf %mul3A_548, %get3A_498 : vector<16xf32>
    %mul3A_550 = arith.constant -2.000000e-01 : f32
    %mul3A_551 = vector.broadcast %mul3A_550 : f32 to vector<16xf32>
    %mul3A_552 = arith.mulf %mul3A_551, %get3A_502 : vector<16xf32>
    %mul3A_553 = arith.constant -2.000000e-01 : f32
    %mul3A_554 = vector.broadcast %mul3A_553 : f32 to vector<16xf32>
    %mul3A_555 = arith.mulf %mul3A_554, %get3A_506 : vector<16xf32>
    %mul3A_556 = arith.constant -2.000000e-01 : f32
    %mul3A_557 = vector.broadcast %mul3A_556 : f32 to vector<16xf32>
    %mul3A_558 = arith.mulf %mul3A_557, %get3A_510 : vector<16xf32>
    %mul3A_559 = arith.constant -2.000000e-01 : f32
    %mul3A_560 = vector.broadcast %mul3A_559 : f32 to vector<16xf32>
    %mul3A_561 = arith.mulf %mul3A_560, %get3A_514 : vector<16xf32>
    %mul3A_562 = arith.constant -2.000000e-01 : f32
    %mul3A_563 = vector.broadcast %mul3A_562 : f32 to vector<16xf32>
    %mul3A_564 = arith.mulf %mul3A_563, %get3A_518 : vector<16xf32>
    %mul3A_565 = arith.constant -2.000000e-01 : f32
    %mul3A_566 = vector.broadcast %mul3A_565 : f32 to vector<16xf32>
    %mul3A_567 = arith.mulf %mul3A_566, %get3A_522 : vector<16xf32>
    %mul3A_568 = arith.constant -2.000000e-01 : f32
    %mul3A_569 = vector.broadcast %mul3A_568 : f32 to vector<16xf32>
    %mul3A_570 = arith.mulf %mul3A_569, %get3A_526 : vector<16xf32>
    %mul3A_571 = arith.constant -1.000000e-01 : f32
    %mul3A_572 = vector.broadcast %mul3A_571 : f32 to vector<16xf32>
    %mul3A_573 = arith.mulf %mul3A_572, %get3A_498 : vector<16xf32>
    %mul3A_574 = arith.constant -3.990000e+01 : f32
    %mul3A_575 = vector.broadcast %mul3A_574 : f32 to vector<16xf32>
    %mul3A_576 = arith.mulf %mul3A_575, %get3A_514 : vector<16xf32>
    %sub3A_577 = arith.subf %mul3A_573, %mul3A_576 : vector<16xf32>
    %mul3A_578 = arith.constant -1.000000e-01 : f32
    %mul3A_579 = vector.broadcast %mul3A_578 : f32 to vector<16xf32>
    %mul3A_580 = arith.mulf %mul3A_579, %get3A_502 : vector<16xf32>
    %mul3A_581 = arith.constant -3.990000e+01 : f32
    %mul3A_582 = vector.broadcast %mul3A_581 : f32 to vector<16xf32>
    %mul3A_583 = arith.mulf %mul3A_582, %get3A_518 : vector<16xf32>
    %sub3A_584 = arith.subf %mul3A_580, %mul3A_583 : vector<16xf32>
    %mul3A_585 = arith.constant -1.000000e-01 : f32
    %mul3A_586 = vector.broadcast %mul3A_585 : f32 to vector<16xf32>
    %mul3A_587 = arith.mulf %mul3A_586, %get3A_506 : vector<16xf32>
    %mul3A_588 = arith.constant -3.990000e+01 : f32
    %mul3A_589 = vector.broadcast %mul3A_588 : f32 to vector<16xf32>
    %mul3A_590 = arith.mulf %mul3A_589, %get3A_522 : vector<16xf32>
    %sub3A_591 = arith.subf %mul3A_587, %mul3A_590 : vector<16xf32>
    %mul3A_592 = arith.constant -1.000000e-01 : f32
    %mul3A_593 = vector.broadcast %mul3A_592 : f32 to vector<16xf32>
    %mul3A_594 = arith.mulf %mul3A_593, %get3A_510 : vector<16xf32>
    %mul3A_595 = arith.constant -3.990000e+01 : f32
    %mul3A_596 = vector.broadcast %mul3A_595 : f32 to vector<16xf32>
    %mul3A_597 = arith.mulf %mul3A_596, %get3A_526 : vector<16xf32>
    %sub3A_598 = arith.subf %mul3A_594, %mul3A_597 : vector<16xf32>
    %broadcast_in_dim3A_599 = arith.constant 0.000000e+00 : f32
    %broadcast_in_dim3A_600 = vector.broadcast %broadcast_in_dim3A_599 : f32 to vector<16xf32>
    %sub3A_601 = arith.subi %select_n3A_382, %select_n3A_353 : i32
    %div3A_602 = arith.constant 9984 : i32
    %div3A_603 = arith.divsi %sub3A_601, %div3A_602 : i32
    %add3A_604 = arith.constant 2 : i32
    %add3A_605 = arith.addi %div3A_603, %add3A_604 : i32
    %broadcast_in_dim3A_606 = arith.constant 1.000000e+00 : f32
    %broadcast_in_dim3A_607 = vector.broadcast %broadcast_in_dim3A_606 : f32 to vector<16xf32>
    %while3A_608 = arith.constant 0 : i32
    %while3A_609 = arith.constant -1 : i32
    %while3A_610 = arith.constant 0 : i32
    %while3A_611 = arith.subi %add3A_605, %while3A_608 : i32
    %while3A_612 = arith.addi %while3A_608, %while3A_611 : i32
    %while3A_613 = arith.constant 1 : i32
    %while3A_614 = arith.divsi %while3A_611, %while3A_613 : i32
    %while3A_615 = arith.muli %while3A_614, %while3A_613 : i32
    %while3A_616 = arith.addi %while3A_608, %while3A_615 : i32
    %while3A_617 = arith.constant 1 : i32
    %while3A_618:11 = scf.for %while3A_625 = %while3A_608 to %while3A_616 step %while3A_617 iter_args(%while3A_626 = %select_n3A_353, %while3A_627 = %while3A_609, %while3A_628 = %while3A_610, %while3A_629 = %broadcast_in_dim3A_607, %while3A_630 = %broadcast_in_dim3A_600, %while3A_631 = %broadcast_in_dim3A_600, %while3A_632 = %broadcast_in_dim3A_600, %while3A_633 = %broadcast_in_dim3A_600, %while3A_634 = %broadcast_in_dim3A_600, %while3A_635 = %broadcast_in_dim3A_600, %while3A_636 = %broadcast_in_dim3A_600) -> (i32, i32, i32, vector<16xf32>, vector<16xf32>, vector<16xf32>, vector<16xf32>, vector<16xf32>, vector<16xf32>, vector<16xf32>, vector<16xf32>)  : i32 {
      %rem3A = arith.constant 16 : i32
      %rem3A_637 = arith.remsi %while3A_626, %rem3A : i32
      %sub3A_638 = arith.subi %while3A_626, %rem3A_637 : i32
      %min3A = arith.constant 1590000 : i32
      %min3A_639 = arith.minsi %sub3A_638, %min3A : i32
      %multiple_of3A_640 = tpu.assume_multiple %min3A_639, 16 : i32
      "tpu.region"() ({
        %run_scoped3A = tpu.sem_alloc : memref<!tpu.dma_semaphore, #tpu.memory_space<semaphore_mem>>
        %dma_start3A = arith.constant 0 : i32
        %dma_start3A_660 = tpu.memref_slice %arg11[%dma_start3A] : memref<10016xf32, #tpu.memory_space<vmem>> -> memref<10000xf32, #tpu.memory_space<vmem>>
        %dma_start3A_661 = tpu.memref_slice %arg2[%multiple_of3A_640] : memref<1600000xf32, #tpu.memory_space<hbm>> -> memref<10000xf32, #tpu.memory_space<hbm>>
        %dma_start3A_662 = arith.constant 0 : i32
        %dma_start3A_663 = tpu.memref_slice %arg11[%dma_start3A_662] : memref<10016xf32, #tpu.memory_space<vmem>> -> memref<10000xf32, #tpu.memory_space<vmem>>
        %dma_start3A_664 = tpu.memref_slice %arg2[%multiple_of3A_640] : memref<1600000xf32, #tpu.memory_space<hbm>> -> memref<10000xf32, #tpu.memory_space<hbm>>
        tpu.enqueue_dma source(%dma_start3A_664 : memref<10000xf32, #tpu.memory_space<hbm>>) target(%dma_start3A_663 : memref<10000xf32, #tpu.memory_space<vmem>>) target_semaphore(%run_scoped3A : memref<!tpu.dma_semaphore, #tpu.memory_space<semaphore_mem>>)
        %dma_wait3A = arith.constant 0 : i32
        %dma_wait3A_665 = tpu.memref_slice %arg11[%dma_wait3A] : memref<10016xf32, #tpu.memory_space<vmem>> -> memref<10000xf32, #tpu.memory_space<vmem>>
        %dma_wait3A_666 = tpu.memref_slice %arg2[%multiple_of3A_640] : memref<1600000xf32, #tpu.memory_space<hbm>> -> memref<10000xf32, #tpu.memory_space<hbm>>
        %dma_wait3A_667 = arith.constant 0 : i32
        %dma_wait3A_668 = tpu.memref_slice %arg11[%dma_wait3A_667] : memref<10016xf32, #tpu.memory_space<vmem>> -> memref<10000xf32, #tpu.memory_space<vmem>>
        %dma_wait3A_669 = tpu.memref_slice %arg2[%multiple_of3A_640] : memref<1600000xf32, #tpu.memory_space<hbm>> -> memref<10000xf32, #tpu.memory_space<hbm>>
        tpu.wait_dma2 semaphore(%run_scoped3A : memref<!tpu.dma_semaphore, #tpu.memory_space<semaphore_mem>>) src(%dma_wait3A_669 : memref<10000xf32, #tpu.memory_space<hbm>>) dst(%dma_wait3A_668 : memref<10000xf32, #tpu.memory_space<vmem>>)
        tpu.yield
      }) : () -> ()
      "tpu.region"() ({
        %run_scoped3A = tpu.sem_alloc : memref<!tpu.dma_semaphore, #tpu.memory_space<semaphore_mem>>
        %dma_start3A = arith.constant 0 : i32
        %dma_start3A_660 = tpu.memref_slice %arg12[%dma_start3A] : memref<10016xf32, #tpu.memory_space<vmem>> -> memref<10000xf32, #tpu.memory_space<vmem>>
        %dma_start3A_661 = tpu.memref_slice %arg3[%multiple_of3A_640] : memref<1600000xf32, #tpu.memory_space<hbm>> -> memref<10000xf32, #tpu.memory_space<hbm>>
        %dma_start3A_662 = arith.constant 0 : i32
        %dma_start3A_663 = tpu.memref_slice %arg12[%dma_start3A_662] : memref<10016xf32, #tpu.memory_space<vmem>> -> memref<10000xf32, #tpu.memory_space<vmem>>
        %dma_start3A_664 = tpu.memref_slice %arg3[%multiple_of3A_640] : memref<1600000xf32, #tpu.memory_space<hbm>> -> memref<10000xf32, #tpu.memory_space<hbm>>
        tpu.enqueue_dma source(%dma_start3A_664 : memref<10000xf32, #tpu.memory_space<hbm>>) target(%dma_start3A_663 : memref<10000xf32, #tpu.memory_space<vmem>>) target_semaphore(%run_scoped3A : memref<!tpu.dma_semaphore, #tpu.memory_space<semaphore_mem>>)
        %dma_wait3A = arith.constant 0 : i32
        %dma_wait3A_665 = tpu.memref_slice %arg12[%dma_wait3A] : memref<10016xf32, #tpu.memory_space<vmem>> -> memref<10000xf32, #tpu.memory_space<vmem>>
        %dma_wait3A_666 = tpu.memref_slice %arg3[%multiple_of3A_640] : memref<1600000xf32, #tpu.memory_space<hbm>> -> memref<10000xf32, #tpu.memory_space<hbm>>
        %dma_wait3A_667 = arith.constant 0 : i32
        %dma_wait3A_668 = tpu.memref_slice %arg12[%dma_wait3A_667] : memref<10016xf32, #tpu.memory_space<vmem>> -> memref<10000xf32, #tpu.memory_space<vmem>>
        %dma_wait3A_669 = tpu.memref_slice %arg3[%multiple_of3A_640] : memref<1600000xf32, #tpu.memory_space<hbm>> -> memref<10000xf32, #tpu.memory_space<hbm>>
        tpu.wait_dma2 semaphore(%run_scoped3A : memref<!tpu.dma_semaphore, #tpu.memory_space<semaphore_mem>>) src(%dma_wait3A_669 : memref<10000xf32, #tpu.memory_space<hbm>>) dst(%dma_wait3A_668 : memref<10000xf32, #tpu.memory_space<vmem>>)
        tpu.yield
      }) : () -> ()
      "tpu.region"() ({
        %run_scoped3A = tpu.sem_alloc : memref<!tpu.dma_semaphore, #tpu.memory_space<semaphore_mem>>
        %dma_start3A = arith.constant 0 : i32
        %dma_start3A_660 = tpu.memref_slice %arg13[%dma_start3A] : memref<10016xf32, #tpu.memory_space<vmem>> -> memref<10000xf32, #tpu.memory_space<vmem>>
        %dma_start3A_661 = tpu.memref_slice %arg4[%multiple_of3A_640] : memref<1600000xf32, #tpu.memory_space<hbm>> -> memref<10000xf32, #tpu.memory_space<hbm>>
        %dma_start3A_662 = arith.constant 0 : i32
        %dma_start3A_663 = tpu.memref_slice %arg13[%dma_start3A_662] : memref<10016xf32, #tpu.memory_space<vmem>> -> memref<10000xf32, #tpu.memory_space<vmem>>
        %dma_start3A_664 = tpu.memref_slice %arg4[%multiple_of3A_640] : memref<1600000xf32, #tpu.memory_space<hbm>> -> memref<10000xf32, #tpu.memory_space<hbm>>
        tpu.enqueue_dma source(%dma_start3A_664 : memref<10000xf32, #tpu.memory_space<hbm>>) target(%dma_start3A_663 : memref<10000xf32, #tpu.memory_space<vmem>>) target_semaphore(%run_scoped3A : memref<!tpu.dma_semaphore, #tpu.memory_space<semaphore_mem>>)
        %dma_wait3A = arith.constant 0 : i32
        %dma_wait3A_665 = tpu.memref_slice %arg13[%dma_wait3A] : memref<10016xf32, #tpu.memory_space<vmem>> -> memref<10000xf32, #tpu.memory_space<vmem>>
        %dma_wait3A_666 = tpu.memref_slice %arg4[%multiple_of3A_640] : memref<1600000xf32, #tpu.memory_space<hbm>> -> memref<10000xf32, #tpu.memory_space<hbm>>
        %dma_wait3A_667 = arith.constant 0 : i32
        %dma_wait3A_668 = tpu.memref_slice %arg13[%dma_wait3A_667] : memref<10016xf32, #tpu.memory_space<vmem>> -> memref<10000xf32, #tpu.memory_space<vmem>>
        %dma_wait3A_669 = tpu.memref_slice %arg4[%multiple_of3A_640] : memref<1600000xf32, #tpu.memory_space<hbm>> -> memref<10000xf32, #tpu.memory_space<hbm>>
        tpu.wait_dma2 semaphore(%run_scoped3A : memref<!tpu.dma_semaphore, #tpu.memory_space<semaphore_mem>>) src(%dma_wait3A_669 : memref<10000xf32, #tpu.memory_space<hbm>>) dst(%dma_wait3A_668 : memref<10000xf32, #tpu.memory_space<vmem>>)
        tpu.yield
      }) : () -> ()
      "tpu.region"() ({
        %run_scoped3A = tpu.sem_alloc : memref<!tpu.dma_semaphore, #tpu.memory_space<semaphore_mem>>
        %dma_start3A = arith.constant 0 : i32
        %dma_start3A_660 = tpu.memref_slice %arg14[%dma_start3A] : memref<10016xf32, #tpu.memory_space<vmem>> -> memref<10000xf32, #tpu.memory_space<vmem>>
        %dma_start3A_661 = tpu.memref_slice %arg5[%multiple_of3A_640] : memref<1600000xf32, #tpu.memory_space<hbm>> -> memref<10000xf32, #tpu.memory_space<hbm>>
        %dma_start3A_662 = arith.constant 0 : i32
        %dma_start3A_663 = tpu.memref_slice %arg14[%dma_start3A_662] : memref<10016xf32, #tpu.memory_space<vmem>> -> memref<10000xf32, #tpu.memory_space<vmem>>
        %dma_start3A_664 = tpu.memref_slice %arg5[%multiple_of3A_640] : memref<1600000xf32, #tpu.memory_space<hbm>> -> memref<10000xf32, #tpu.memory_space<hbm>>
        tpu.enqueue_dma source(%dma_start3A_664 : memref<10000xf32, #tpu.memory_space<hbm>>) target(%dma_start3A_663 : memref<10000xf32, #tpu.memory_space<vmem>>) target_semaphore(%run_scoped3A : memref<!tpu.dma_semaphore, #tpu.memory_space<semaphore_mem>>)
        %dma_wait3A = arith.constant 0 : i32
        %dma_wait3A_665 = tpu.memref_slice %arg14[%dma_wait3A] : memref<10016xf32, #tpu.memory_space<vmem>> -> memref<10000xf32, #tpu.memory_space<vmem>>
        %dma_wait3A_666 = tpu.memref_slice %arg5[%multiple_of3A_640] : memref<1600000xf32, #tpu.memory_space<hbm>> -> memref<10000xf32, #tpu.memory_space<hbm>>
        %dma_wait3A_667 = arith.constant 0 : i32
        %dma_wait3A_668 = tpu.memref_slice %arg14[%dma_wait3A_667] : memref<10016xf32, #tpu.memory_space<vmem>> -> memref<10000xf32, #tpu.memory_space<vmem>>
        %dma_wait3A_669 = tpu.memref_slice %arg5[%multiple_of3A_640] : memref<1600000xf32, #tpu.memory_space<hbm>> -> memref<10000xf32, #tpu.memory_space<hbm>>
        tpu.wait_dma2 semaphore(%run_scoped3A : memref<!tpu.dma_semaphore, #tpu.memory_space<semaphore_mem>>) src(%dma_wait3A_669 : memref<10000xf32, #tpu.memory_space<hbm>>) dst(%dma_wait3A_668 : memref<10000xf32, #tpu.memory_space<vmem>>)
        tpu.yield
      }) : () -> ()
      "tpu.region"() ({
        %run_scoped3A = tpu.sem_alloc : memref<!tpu.dma_semaphore, #tpu.memory_space<semaphore_mem>>
        %dma_start3A = arith.constant 0 : i32
        %dma_start3A_660 = tpu.memref_slice %arg15[%dma_start3A] : memref<10016xi32, #tpu.memory_space<vmem>> -> memref<10000xi32, #tpu.memory_space<vmem>>
        %dma_start3A_661 = tpu.memref_slice %arg6[%multiple_of3A_640] : memref<1600000xi32, #tpu.memory_space<hbm>> -> memref<10000xi32, #tpu.memory_space<hbm>>
        %dma_start3A_662 = arith.constant 0 : i32
        %dma_start3A_663 = tpu.memref_slice %arg15[%dma_start3A_662] : memref<10016xi32, #tpu.memory_space<vmem>> -> memref<10000xi32, #tpu.memory_space<vmem>>
        %dma_start3A_664 = tpu.memref_slice %arg6[%multiple_of3A_640] : memref<1600000xi32, #tpu.memory_space<hbm>> -> memref<10000xi32, #tpu.memory_space<hbm>>
        tpu.enqueue_dma source(%dma_start3A_664 : memref<10000xi32, #tpu.memory_space<hbm>>) target(%dma_start3A_663 : memref<10000xi32, #tpu.memory_space<vmem>>) target_semaphore(%run_scoped3A : memref<!tpu.dma_semaphore, #tpu.memory_space<semaphore_mem>>)
        %dma_wait3A = arith.constant 0 : i32
        %dma_wait3A_665 = tpu.memref_slice %arg15[%dma_wait3A] : memref<10016xi32, #tpu.memory_space<vmem>> -> memref<10000xi32, #tpu.memory_space<vmem>>
        %dma_wait3A_666 = tpu.memref_slice %arg6[%multiple_of3A_640] : memref<1600000xi32, #tpu.memory_space<hbm>> -> memref<10000xi32, #tpu.memory_space<hbm>>
        %dma_wait3A_667 = arith.constant 0 : i32
        %dma_wait3A_668 = tpu.memref_slice %arg15[%dma_wait3A_667] : memref<10016xi32, #tpu.memory_space<vmem>> -> memref<10000xi32, #tpu.memory_space<vmem>>
        %dma_wait3A_669 = tpu.memref_slice %arg6[%multiple_of3A_640] : memref<1600000xi32, #tpu.memory_space<hbm>> -> memref<10000xi32, #tpu.memory_space<hbm>>
        tpu.wait_dma2 semaphore(%run_scoped3A : memref<!tpu.dma_semaphore, #tpu.memory_space<semaphore_mem>>) src(%dma_wait3A_669 : memref<10000xi32, #tpu.memory_space<hbm>>) dst(%dma_wait3A_668 : memref<10000xi32, #tpu.memory_space<vmem>>)
        tpu.yield
      }) : () -> ()
      "tpu.region"() ({
        %run_scoped3A = tpu.sem_alloc : memref<!tpu.dma_semaphore, #tpu.memory_space<semaphore_mem>>
        %dma_start3A = arith.constant 0 : i32
        %dma_start3A_660 = tpu.memref_slice %arg16[%dma_start3A] : memref<10016xi32, #tpu.memory_space<vmem>> -> memref<10000xi32, #tpu.memory_space<vmem>>
        %dma_start3A_661 = tpu.memref_slice %arg7[%multiple_of3A_640] : memref<1600000xi32, #tpu.memory_space<hbm>> -> memref<10000xi32, #tpu.memory_space<hbm>>
        %dma_start3A_662 = arith.constant 0 : i32
        %dma_start3A_663 = tpu.memref_slice %arg16[%dma_start3A_662] : memref<10016xi32, #tpu.memory_space<vmem>> -> memref<10000xi32, #tpu.memory_space<vmem>>
        %dma_start3A_664 = tpu.memref_slice %arg7[%multiple_of3A_640] : memref<1600000xi32, #tpu.memory_space<hbm>> -> memref<10000xi32, #tpu.memory_space<hbm>>
        tpu.enqueue_dma source(%dma_start3A_664 : memref<10000xi32, #tpu.memory_space<hbm>>) target(%dma_start3A_663 : memref<10000xi32, #tpu.memory_space<vmem>>) target_semaphore(%run_scoped3A : memref<!tpu.dma_semaphore, #tpu.memory_space<semaphore_mem>>)
        %dma_wait3A = arith.constant 0 : i32
        %dma_wait3A_665 = tpu.memref_slice %arg16[%dma_wait3A] : memref<10016xi32, #tpu.memory_space<vmem>> -> memref<10000xi32, #tpu.memory_space<vmem>>
        %dma_wait3A_666 = tpu.memref_slice %arg7[%multiple_of3A_640] : memref<1600000xi32, #tpu.memory_space<hbm>> -> memref<10000xi32, #tpu.memory_space<hbm>>
        %dma_wait3A_667 = arith.constant 0 : i32
        %dma_wait3A_668 = tpu.memref_slice %arg16[%dma_wait3A_667] : memref<10016xi32, #tpu.memory_space<vmem>> -> memref<10000xi32, #tpu.memory_space<vmem>>
        %dma_wait3A_669 = tpu.memref_slice %arg7[%multiple_of3A_640] : memref<1600000xi32, #tpu.memory_space<hbm>> -> memref<10000xi32, #tpu.memory_space<hbm>>
        tpu.wait_dma2 semaphore(%run_scoped3A : memref<!tpu.dma_semaphore, #tpu.memory_space<semaphore_mem>>) src(%dma_wait3A_669 : memref<10000xi32, #tpu.memory_space<hbm>>) dst(%dma_wait3A_668 : memref<10000xi32, #tpu.memory_space<vmem>>)
        tpu.yield
      }) : () -> ()
      "tpu.region"() ({
        %run_scoped3A = tpu.sem_alloc : memref<!tpu.dma_semaphore, #tpu.memory_space<semaphore_mem>>
        %dma_start3A = arith.constant 0 : i32
        %dma_start3A_660 = tpu.memref_slice %arg17[%dma_start3A] : memref<10032xi32, #tpu.memory_space<vmem>> -> memref<10000xi32, #tpu.memory_space<vmem>>
        %dma_start3A_661 = tpu.memref_slice %arg8[%multiple_of3A_640] : memref<1600000xi32, #tpu.memory_space<hbm>> -> memref<10000xi32, #tpu.memory_space<hbm>>
        %dma_start3A_662 = arith.constant 0 : i32
        %dma_start3A_663 = tpu.memref_slice %arg17[%dma_start3A_662] : memref<10032xi32, #tpu.memory_space<vmem>> -> memref<10000xi32, #tpu.memory_space<vmem>>
        %dma_start3A_664 = tpu.memref_slice %arg8[%multiple_of3A_640] : memref<1600000xi32, #tpu.memory_space<hbm>> -> memref<10000xi32, #tpu.memory_space<hbm>>
        tpu.enqueue_dma source(%dma_start3A_664 : memref<10000xi32, #tpu.memory_space<hbm>>) target(%dma_start3A_663 : memref<10000xi32, #tpu.memory_space<vmem>>) target_semaphore(%run_scoped3A : memref<!tpu.dma_semaphore, #tpu.memory_space<semaphore_mem>>)
        %dma_wait3A = arith.constant 0 : i32
        %dma_wait3A_665 = tpu.memref_slice %arg17[%dma_wait3A] : memref<10032xi32, #tpu.memory_space<vmem>> -> memref<10000xi32, #tpu.memory_space<vmem>>
        %dma_wait3A_666 = tpu.memref_slice %arg8[%multiple_of3A_640] : memref<1600000xi32, #tpu.memory_space<hbm>> -> memref<10000xi32, #tpu.memory_space<hbm>>
        %dma_wait3A_667 = arith.constant 0 : i32
        %dma_wait3A_668 = tpu.memref_slice %arg17[%dma_wait3A_667] : memref<10032xi32, #tpu.memory_space<vmem>> -> memref<10000xi32, #tpu.memory_space<vmem>>
        %dma_wait3A_669 = tpu.memref_slice %arg8[%multiple_of3A_640] : memref<1600000xi32, #tpu.memory_space<hbm>> -> memref<10000xi32, #tpu.memory_space<hbm>>
        tpu.wait_dma2 semaphore(%run_scoped3A : memref<!tpu.dma_semaphore, #tpu.memory_space<semaphore_mem>>) src(%dma_wait3A_669 : memref<10000xi32, #tpu.memory_space<hbm>>) dst(%dma_wait3A_668 : memref<10000xi32, #tpu.memory_space<vmem>>)
        tpu.yield
      }) : () -> ()
      %add3A_641 = arith.constant 10000 : i32
      %add3A_642 = arith.addi %multiple_of3A_640, %add3A_641 : i32
      %min3A_643 = arith.minsi %add3A_642, %select_n3A_382 : i32
      %sub3A_644 = arith.subi %min3A_643, %while3A_626 : i32
      %max3A_645 = arith.constant 0 : i32
      %max3A_646 = arith.maxsi %sub3A_644, %max3A_645 : i32
      %sub3A_647 = arith.subi %while3A_626, %multiple_of3A_640 : i32
      %while3A_648 = arith.constant 0 : i32
      %while3A_649 = arith.subi %max3A_646, %while3A_648 : i32
      %while3A_650 = arith.addi %while3A_648, %while3A_649 : i32
      %while3A_651 = arith.constant 1 : i32
      %while3A_652 = arith.divsi %while3A_649, %while3A_651 : i32
      %while3A_653 = arith.muli %while3A_652, %while3A_651 : i32
      %while3A_654 = arith.addi %while3A_648, %while3A_653 : i32
      %while3A_655 = arith.constant 1 : i32
      %while3A_656:10 = scf.for %while3A_660 = %while3A_648 to %while3A_654 step %while3A_655 iter_args(%while3A_661 = %while3A_627, %while3A_662 = %while3A_628, %while3A_663 = %while3A_629, %while3A_664 = %while3A_630, %while3A_665 = %while3A_631, %while3A_666 = %while3A_632, %while3A_667 = %while3A_633, %while3A_668 = %while3A_634, %while3A_669 = %while3A_635, %while3A_670 = %while3A_636) -> (i32, i32, vector<16xf32>, vector<16xf32>, vector<16xf32>, vector<16xf32>, vector<16xf32>, vector<16xf32>, vector<16xf32>, vector<16xf32>)  : i32 {
        %add3A_671 = arith.addi %sub3A_647, %while3A_660 : i32
        %get3A_672 = arith.index_cast %add3A_671 : i32 to index
        %get3A_673 = tpu.vector_load %arg17[%get3A_672] {strides = array<i32>} : memref<10032xi32, #tpu.memory_space<vmem>>, vector<16xi32>,
        %slice3A_674 = vector.extract_strided_slice %get3A_673 {offsets = [0], sizes = [1], strides = [1]} : vector<16xi32> to vector<1xi32>
        %squeeze3A_675 = vector.extract %slice3A_674[0] : i32 from vector<1xi32>
        %get3A_676 = arith.index_cast %add3A_671 : i32 to index
        %get3A_677 = tpu.vector_load %arg11[%get3A_676] {strides = array<i32>} : memref<10016xf32, #tpu.memory_space<vmem>>, vector<16xf32>,
        %broadcast_in_dim3A_678 = arith.constant 0 : i32
        %broadcast_in_dim3A_679 = vector.broadcast %broadcast_in_dim3A_678 : i32 to vector<16xi32>
        %lt3A_680 = arith.constant 0 : i32
        %lt3A_681 = vector.broadcast %lt3A_680 : i32 to vector<16xi32>
        %lt3A_682 = arith.cmpi slt, %broadcast_in_dim3A_679, %lt3A_681 : vector<16xi32>
        %add3A_683 = arith.constant 16 : i32
        %add3A_684 = vector.broadcast %add3A_683 : i32 to vector<16xi32>
        %add3A_685 = arith.addi %broadcast_in_dim3A_679, %add3A_684 : vector<16xi32>
        %select_n3A_686 = arith.select %lt3A_682, %add3A_685, %broadcast_in_dim3A_679 : vector<16xi1>, vector<16xi32>
        %broadcast_in_dim3A_687 = vector.shape_cast %select_n3A_686 : vector<16xi32> to vector<16x1xi32>
        %gather3A = vector.shape_cast %broadcast_in_dim3A_687 : vector<16x1xi32> to vector<16xi32>
        %gather3A_688 = tpu.dynamic_gather %get3A_677[%gather3A] in [0] : vector<16xf32>, vector<16xi32> -> vector<16xf32>
        %get3A_689 = arith.index_cast %add3A_671 : i32 to index
        %get3A_690 = tpu.vector_load %arg12[%get3A_689] {strides = array<i32>} : memref<10016xf32, #tpu.memory_space<vmem>>, vector<16xf32>,
        %broadcast_in_dim3A_691 = arith.constant 0 : i32
        %broadcast_in_dim3A_692 = vector.broadcast %broadcast_in_dim3A_691 : i32 to vector<16xi32>
        %lt3A_693 = arith.constant 0 : i32
        %lt3A_694 = vector.broadcast %lt3A_693 : i32 to vector<16xi32>
        %lt3A_695 = arith.cmpi slt, %broadcast_in_dim3A_692, %lt3A_694 : vector<16xi32>
        %add3A_696 = arith.constant 16 : i32
        %add3A_697 = vector.broadcast %add3A_696 : i32 to vector<16xi32>
        %add3A_698 = arith.addi %broadcast_in_dim3A_692, %add3A_697 : vector<16xi32>
        %select_n3A_699 = arith.select %lt3A_695, %add3A_698, %broadcast_in_dim3A_692 : vector<16xi1>, vector<16xi32>
        %broadcast_in_dim3A_700 = vector.shape_cast %select_n3A_699 : vector<16xi32> to vector<16x1xi32>
        %gather3A_701 = vector.shape_cast %broadcast_in_dim3A_700 : vector<16x1xi32> to vector<16xi32>
        %gather3A_702 = tpu.dynamic_gather %get3A_690[%gather3A_701] in [0] : vector<16xf32>, vector<16xi32> -> vector<16xf32>
        %get3A_703 = arith.index_cast %add3A_671 : i32 to index
        %get3A_704 = tpu.vector_load %arg13[%get3A_703] {strides = array<i32>} : memref<10016xf32, #tpu.memory_space<vmem>>, vector<16xf32>,
        %broadcast_in_dim3A_705 = arith.constant 0 : i32
        %broadcast_in_dim3A_706 = vector.broadcast %broadcast_in_dim3A_705 : i32 to vector<16xi32>
        %lt3A_707 = arith.constant 0 : i32
        %lt3A_708 = vector.broadcast %lt3A_707 : i32 to vector<16xi32>
        %lt3A_709 = arith.cmpi slt, %broadcast_in_dim3A_706, %lt3A_708 : vector<16xi32>
        %add3A_710 = arith.constant 16 : i32
        %add3A_711 = vector.broadcast %add3A_710 : i32 to vector<16xi32>
        %add3A_712 = arith.addi %broadcast_in_dim3A_706, %add3A_711 : vector<16xi32>
        %select_n3A_713 = arith.select %lt3A_709, %add3A_712, %broadcast_in_dim3A_706 : vector<16xi1>, vector<16xi32>
        %broadcast_in_dim3A_714 = vector.shape_cast %select_n3A_713 : vector<16xi32> to vector<16x1xi32>
        %gather3A_715 = vector.shape_cast %broadcast_in_dim3A_714 : vector<16x1xi32> to vector<16xi32>
        %gather3A_716 = tpu.dynamic_gather %get3A_704[%gather3A_715] in [0] : vector<16xf32>, vector<16xi32> -> vector<16xf32>
        %get3A_717 = arith.index_cast %add3A_671 : i32 to index
        %get3A_718 = tpu.vector_load %arg14[%get3A_717] {strides = array<i32>} : memref<10016xf32, #tpu.memory_space<vmem>>, vector<16xf32>,
        %broadcast_in_dim3A_719 = arith.constant 0 : i32
        %broadcast_in_dim3A_720 = vector.broadcast %broadcast_in_dim3A_719 : i32 to vector<16xi32>
        %lt3A_721 = arith.constant 0 : i32
        %lt3A_722 = vector.broadcast %lt3A_721 : i32 to vector<16xi32>
        %lt3A_723 = arith.cmpi slt, %broadcast_in_dim3A_720, %lt3A_722 : vector<16xi32>
        %add3A_724 = arith.constant 16 : i32
        %add3A_725 = vector.broadcast %add3A_724 : i32 to vector<16xi32>
        %add3A_726 = arith.addi %broadcast_in_dim3A_720, %add3A_725 : vector<16xi32>
        %select_n3A_727 = arith.select %lt3A_723, %add3A_726, %broadcast_in_dim3A_720 : vector<16xi1>, vector<16xi32>
        %broadcast_in_dim3A_728 = vector.shape_cast %select_n3A_727 : vector<16xi32> to vector<16x1xi32>
        %gather3A_729 = vector.shape_cast %broadcast_in_dim3A_728 : vector<16x1xi32> to vector<16xi32>
        %gather3A_730 = tpu.dynamic_gather %get3A_718[%gather3A_729] in [0] : vector<16xf32>, vector<16xi32> -> vector<16xf32>
        %get3A_731 = arith.index_cast %add3A_671 : i32 to index
        %get3A_732 = tpu.vector_load %arg15[%get3A_731] {strides = array<i32>} : memref<10016xi32, #tpu.memory_space<vmem>>, vector<16xi32>,
        %broadcast_in_dim3A_733 = arith.constant 0 : i32
        %broadcast_in_dim3A_734 = vector.broadcast %broadcast_in_dim3A_733 : i32 to vector<16xi32>
        %lt3A_735 = arith.constant 0 : i32
        %lt3A_736 = vector.broadcast %lt3A_735 : i32 to vector<16xi32>
        %lt3A_737 = arith.cmpi slt, %broadcast_in_dim3A_734, %lt3A_736 : vector<16xi32>
        %add3A_738 = arith.constant 16 : i32
        %add3A_739 = vector.broadcast %add3A_738 : i32 to vector<16xi32>
        %add3A_740 = arith.addi %broadcast_in_dim3A_734, %add3A_739 : vector<16xi32>
        %select_n3A_741 = arith.select %lt3A_737, %add3A_740, %broadcast_in_dim3A_734 : vector<16xi1>, vector<16xi32>
        %broadcast_in_dim3A_742 = vector.shape_cast %select_n3A_741 : vector<16xi32> to vector<16x1xi32>
        %gather3A_743 = vector.shape_cast %broadcast_in_dim3A_742 : vector<16x1xi32> to vector<16xi32>
        %gather3A_744 = tpu.dynamic_gather %get3A_732[%gather3A_743] in [0] : vector<16xi32>, vector<16xi32> -> vector<16xi32>
        %convert_element_type3A_745 = arith.sitofp %gather3A_744 : vector<16xi32> to vector<16xf32>
        %get3A_746 = arith.index_cast %add3A_671 : i32 to index
        %get3A_747 = tpu.vector_load %arg16[%get3A_746] {strides = array<i32>} : memref<10016xi32, #tpu.memory_space<vmem>>, vector<16xi32>,
        %broadcast_in_dim3A_748 = arith.constant 0 : i32
        %broadcast_in_dim3A_749 = vector.broadcast %broadcast_in_dim3A_748 : i32 to vector<16xi32>
        %lt3A_750 = arith.constant 0 : i32
        %lt3A_751 = vector.broadcast %lt3A_750 : i32 to vector<16xi32>
        %lt3A_752 = arith.cmpi slt, %broadcast_in_dim3A_749, %lt3A_751 : vector<16xi32>
        %add3A_753 = arith.constant 16 : i32
        %add3A_754 = vector.broadcast %add3A_753 : i32 to vector<16xi32>
        %add3A_755 = arith.addi %broadcast_in_dim3A_749, %add3A_754 : vector<16xi32>
        %select_n3A_756 = arith.select %lt3A_752, %add3A_755, %broadcast_in_dim3A_749 : vector<16xi1>, vector<16xi32>
        %broadcast_in_dim3A_757 = vector.shape_cast %select_n3A_756 : vector<16xi32> to vector<16x1xi32>
        %gather3A_758 = vector.shape_cast %broadcast_in_dim3A_757 : vector<16x1xi32> to vector<16xi32>
        %gather3A_759 = tpu.dynamic_gather %get3A_747[%gather3A_758] in [0] : vector<16xi32>, vector<16xi32> -> vector<16xi32>
        %convert_element_type3A_760 = arith.sitofp %gather3A_759 : vector<16xi32> to vector<16xf32>
        %mul3A_761 = arith.mulf %gather3A_688, %add3A_528 : vector<16xf32>
        %add3A_762 = arith.addf %sub3A_577, %mul3A_761 : vector<16xf32>
        %mul3A_763 = arith.mulf %gather3A_702, %add3A_536 : vector<16xf32>
        %mul3A_764 = arith.mulf %gather3A_716, %add3A_543 : vector<16xf32>
        %add3A_765 = arith.addf %mul3A_763, %mul3A_764 : vector<16xf32>
        %add3A_766 = arith.addf %add3A_762, %add3A_765 : vector<16xf32>
        %mul3A_767 = arith.mulf %gather3A_730, %get3A_434 : vector<16xf32>
        %mul3A_768 = arith.mulf %convert_element_type3A_760, %mul3A_549 : vector<16xf32>
        %add3A_769 = arith.addf %mul3A_767, %mul3A_768 : vector<16xf32>
        %mul3A_770 = arith.mulf %convert_element_type3A_745, %mul3A_561 : vector<16xf32>
        %add3A_771 = arith.addf %add3A_769, %mul3A_770 : vector<16xf32>
        %add3A_772 = arith.addf %add3A_766, %add3A_771 : vector<16xf32>
        %mul3A_773 = arith.mulf %gather3A_688, %add3A_530 : vector<16xf32>
        %add3A_774 = arith.addf %sub3A_584, %mul3A_773 : vector<16xf32>
        %mul3A_775 = arith.mulf %gather3A_702, %add3A_538 : vector<16xf32>
        %mul3A_776 = arith.mulf %gather3A_716, %add3A_544 : vector<16xf32>
        %add3A_777 = arith.addf %mul3A_775, %mul3A_776 : vector<16xf32>
        %add3A_778 = arith.addf %add3A_774, %add3A_777 : vector<16xf32>
        %mul3A_779 = arith.mulf %gather3A_730, %get3A_438 : vector<16xf32>
        %mul3A_780 = arith.mulf %convert_element_type3A_760, %mul3A_552 : vector<16xf32>
        %add3A_781 = arith.addf %mul3A_779, %mul3A_780 : vector<16xf32>
        %mul3A_782 = arith.mulf %convert_element_type3A_745, %mul3A_564 : vector<16xf32>
        %add3A_783 = arith.addf %add3A_781, %mul3A_782 : vector<16xf32>
        %add3A_784 = arith.addf %add3A_778, %add3A_783 : vector<16xf32>
        %mul3A_785 = arith.mulf %gather3A_688, %add3A_532 : vector<16xf32>
        %add3A_786 = arith.addf %sub3A_591, %mul3A_785 : vector<16xf32>
        %mul3A_787 = arith.mulf %gather3A_702, %add3A_540 : vector<16xf32>
        %mul3A_788 = arith.mulf %gather3A_716, %add3A_545 : vector<16xf32>
        %add3A_789 = arith.addf %mul3A_787, %mul3A_788 : vector<16xf32>
        %add3A_790 = arith.addf %add3A_786, %add3A_789 : vector<16xf32>
        %mul3A_791 = arith.mulf %gather3A_730, %get3A_442 : vector<16xf32>
        %mul3A_792 = arith.mulf %convert_element_type3A_760, %mul3A_555 : vector<16xf32>
        %add3A_793 = arith.addf %mul3A_791, %mul3A_792 : vector<16xf32>
        %mul3A_794 = arith.mulf %convert_element_type3A_745, %mul3A_567 : vector<16xf32>
        %add3A_795 = arith.addf %add3A_793, %mul3A_794 : vector<16xf32>
        %add3A_796 = arith.addf %add3A_790, %add3A_795 : vector<16xf32>
        %mul3A_797 = arith.mulf %gather3A_688, %add3A_534 : vector<16xf32>
        %add3A_798 = arith.addf %sub3A_598, %mul3A_797 : vector<16xf32>
        %mul3A_799 = arith.mulf %gather3A_702, %add3A_542 : vector<16xf32>
        %mul3A_800 = arith.mulf %gather3A_716, %add3A_546 : vector<16xf32>
        %add3A_801 = arith.addf %mul3A_799, %mul3A_800 : vector<16xf32>
        %add3A_802 = arith.addf %add3A_798, %add3A_801 : vector<16xf32>
        %mul3A_803 = arith.mulf %gather3A_730, %get3A_446 : vector<16xf32>
        %mul3A_804 = arith.mulf %convert_element_type3A_760, %mul3A_558 : vector<16xf32>
        %add3A_805 = arith.addf %mul3A_803, %mul3A_804 : vector<16xf32>
        %mul3A_806 = arith.mulf %convert_element_type3A_745, %mul3A_570 : vector<16xf32>
        %add3A_807 = arith.addf %add3A_805, %mul3A_806 : vector<16xf32>
        %add3A_808 = arith.addf %add3A_802, %add3A_807 : vector<16xf32>
        %ne3A = arith.cmpi ne, %squeeze3A_675, %while3A_661 : i32
        %ge3A = arith.constant 0 : i32
        %ge3A_809 = arith.cmpi sge, %while3A_661, %ge3A : i32
        %and3A = arith.andi %ne3A, %ge3A_809 : i1
        %rem3A_810 = arith.constant 16 : i32
        %rem3A_811 = arith.remsi %while3A_662, %rem3A_810 : i32
        %convert_element_type3A_812 = arith.extui %and3A : i1 to i32
        %cond3A_813 = arith.constant 0 : i32
        %cond3A_814 = arith.cmpi ne, %convert_element_type3A_812, %cond3A_813 : i32
        scf.if %cond3A_814 {
          %eq3A_836 = arith.constant 0 : i32
          %eq3A_837 = arith.cmpi eq, %rem3A_811, %eq3A_836 : i32
          %gt3A_838 = arith.constant 0 : i32
          %gt3A_839 = arith.cmpi sgt, %while3A_662, %gt3A_838 : i32
          %and3A_840 = arith.andi %eq3A_837, %gt3A_839 : i1
          %convert_element_type3A_841 = arith.extui %and3A_840 : i1 to i32
          %cond3A_842 = arith.constant 0 : i32
          %cond3A_843 = arith.cmpi ne, %convert_element_type3A_841, %cond3A_842 : i32
          scf.if %cond3A_843 {
            %scan3A_909 = arith.constant 0 : i32
            %scan3A_910 = arith.constant 0 : i32
            %scan3A_911 = arith.constant 16 : i32
            %scan3A_912 = arith.addi %scan3A_910, %scan3A_911 : i32
            %scan3A_913 = arith.constant 1 : i32
            %scan3A_914 = scf.for %scan3A_916 = %scan3A_910 to %scan3A_912 step %scan3A_913 iter_args(%scan3A_917 = %scan3A_909) -> (i32)  : i32 {
              %dma_wait3A = arith.constant 0 : i32
              %dma_wait3A_918 = tpu.memref_slice %arg22[%dma_wait3A] : memref<1024xf32, #tpu.memory_space<vmem>> -> memref<64xf32, #tpu.memory_space<vmem>>
              %dma_wait3A_919 = arith.constant 0 : i32
              %dma_wait3A_920 = tpu.memref_slice %arg10[%dma_wait3A_919] : memref<3200000xf32, #tpu.memory_space<hbm>> -> memref<64xf32, #tpu.memory_space<hbm>>
              %dma_wait3A_921 = arith.constant 0 : i32
              %dma_wait3A_922 = tpu.memref_slice %arg10[%dma_wait3A_921] : memref<3200000xf32, #tpu.memory_space<hbm>> -> memref<64xf32, #tpu.memory_space<hbm>>
              %dma_wait3A_923 = arith.constant 0 : i32
              %dma_wait3A_924 = tpu.memref_slice %arg22[%dma_wait3A_923] : memref<1024xf32, #tpu.memory_space<vmem>> -> memref<64xf32, #tpu.memory_space<vmem>>
              tpu.wait_dma2 semaphore(%arg25 : memref<!tpu.dma_semaphore, #tpu.memory_space<semaphore_mem>>) src(%dma_wait3A_924 : memref<64xf32, #tpu.memory_space<vmem>>) dst(%dma_wait3A_922 : memref<64xf32, #tpu.memory_space<hbm>>)
              %scan3A_925 = arith.constant 0 : i32
              scf.yield %scan3A_925 : i32
            }
            %scan3A_915 = arith.constant 16 : i32
          } else {
          }
          %mul3A_844 = arith.constant 64 : i32
          %mul3A_845 = arith.muli %rem3A_811, %mul3A_844 : i32
          %mul3A_846 = arith.mulf %while3A_664, %get3A_450 : vector<16xf32>
          %mul3A_847 = arith.mulf %while3A_665, %get3A_466 : vector<16xf32>
          %add3A_848 = arith.addf %mul3A_846, %mul3A_847 : vector<16xf32>
          %mul3A_849 = arith.mulf %while3A_666, %get3A_482 : vector<16xf32>
          %add3A_850 = arith.addf %add3A_848, %mul3A_849 : vector<16xf32>
          %div3A_851 = arith.divf %add3A_850, %while3A_663 : vector<16xf32>
          %sub3A_852 = arith.subf %while3A_667, %div3A_851 : vector<16xf32>
          %max3A_853 = arith.constant 0.000000e+00 : f32
          %max3A_854 = vector.broadcast %max3A_853 : f32 to vector<16xf32>
          %max3A_855 = arith.maximumf %sub3A_852, %max3A_854 : vector<16xf32>
          %add3A_856 = arith.constant 0 : i32
          %add3A_857 = arith.addi %mul3A_845, %add3A_856 : i32
          %swap3A_858 = arith.index_cast %add3A_857 : i32 to index
          %swap3A_859 = tpu.vector_load %arg22[%swap3A_858] {strides = array<i32>} : memref<1024xf32, #tpu.memory_space<vmem>>, vector<16xf32>,
          tpu.vector_store %arg22[%swap3A_858], %max3A_855 {strides = array<i32>} : memref<1024xf32, #tpu.memory_space<vmem>>, vector<16xf32>,
          %mul3A_860 = arith.mulf %while3A_664, %get3A_454 : vector<16xf32>
          %mul3A_861 = arith.mulf %while3A_665, %get3A_470 : vector<16xf32>
          %add3A_862 = arith.addf %mul3A_860, %mul3A_861 : vector<16xf32>
          %mul3A_863 = arith.mulf %while3A_666, %get3A_486 : vector<16xf32>
          %add3A_864 = arith.addf %add3A_862, %mul3A_863 : vector<16xf32>
          %div3A_865 = arith.divf %add3A_864, %while3A_663 : vector<16xf32>
          %sub3A_866 = arith.subf %while3A_668, %div3A_865 : vector<16xf32>
          %max3A_867 = arith.constant 0.000000e+00 : f32
          %max3A_868 = vector.broadcast %max3A_867 : f32 to vector<16xf32>
          %max3A_869 = arith.maximumf %sub3A_866, %max3A_868 : vector<16xf32>
          %add3A_870 = arith.constant 16 : i32
          %add3A_871 = arith.addi %mul3A_845, %add3A_870 : i32
          %swap3A_872 = arith.index_cast %add3A_871 : i32 to index
          %swap3A_873 = tpu.vector_load %arg22[%swap3A_872] {strides = array<i32>} : memref<1024xf32, #tpu.memory_space<vmem>>, vector<16xf32>,
          tpu.vector_store %arg22[%swap3A_872], %max3A_869 {strides = array<i32>} : memref<1024xf32, #tpu.memory_space<vmem>>, vector<16xf32>,
          %mul3A_874 = arith.mulf %while3A_664, %get3A_458 : vector<16xf32>
          %mul3A_875 = arith.mulf %while3A_665, %get3A_474 : vector<16xf32>
          %add3A_876 = arith.addf %mul3A_874, %mul3A_875 : vector<16xf32>
          %mul3A_877 = arith.mulf %while3A_666, %get3A_490 : vector<16xf32>
          %add3A_878 = arith.addf %add3A_876, %mul3A_877 : vector<16xf32>
          %div3A_879 = arith.divf %add3A_878, %while3A_663 : vector<16xf32>
          %sub3A_880 = arith.subf %while3A_669, %div3A_879 : vector<16xf32>
          %max3A_881 = arith.constant 0.000000e+00 : f32
          %max3A_882 = vector.broadcast %max3A_881 : f32 to vector<16xf32>
          %max3A_883 = arith.maximumf %sub3A_880, %max3A_882 : vector<16xf32>
          %add3A_884 = arith.constant 32 : i32
          %add3A_885 = arith.addi %mul3A_845, %add3A_884 : i32
          %swap3A_886 = arith.index_cast %add3A_885 : i32 to index
          %swap3A_887 = tpu.vector_load %arg22[%swap3A_886] {strides = array<i32>} : memref<1024xf32, #tpu.memory_space<vmem>>, vector<16xf32>,
          tpu.vector_store %arg22[%swap3A_886], %max3A_883 {strides = array<i32>} : memref<1024xf32, #tpu.memory_space<vmem>>, vector<16xf32>,
          %mul3A_888 = arith.mulf %while3A_664, %get3A_462 : vector<16xf32>
          %mul3A_889 = arith.mulf %while3A_665, %get3A_478 : vector<16xf32>
          %add3A_890 = arith.addf %mul3A_888, %mul3A_889 : vector<16xf32>
          %mul3A_891 = arith.mulf %while3A_666, %get3A_494 : vector<16xf32>
          %add3A_892 = arith.addf %add3A_890, %mul3A_891 : vector<16xf32>
          %div3A_893 = arith.divf %add3A_892, %while3A_663 : vector<16xf32>
          %sub3A_894 = arith.subf %while3A_670, %div3A_893 : vector<16xf32>
          %max3A_895 = arith.constant 0.000000e+00 : f32
          %max3A_896 = vector.broadcast %max3A_895 : f32 to vector<16xf32>
          %max3A_897 = arith.maximumf %sub3A_894, %max3A_896 : vector<16xf32>
          %add3A_898 = arith.constant 48 : i32
          %add3A_899 = arith.addi %mul3A_845, %add3A_898 : i32
          %swap3A_900 = arith.index_cast %add3A_899 : i32 to index
          %swap3A_901 = tpu.vector_load %arg22[%swap3A_900] {strides = array<i32>} : memref<1024xf32, #tpu.memory_space<vmem>>, vector<16xf32>,
          tpu.vector_store %arg22[%swap3A_900], %max3A_897 {strides = array<i32>} : memref<1024xf32, #tpu.memory_space<vmem>>, vector<16xf32>,
          %multiple_of3A_902 = tpu.assume_multiple %mul3A_845, 64 : i32
          %mul3A_903 = arith.constant 64 : i32
          %mul3A_904 = arith.muli %while3A_661, %mul3A_903 : i32
          %multiple_of3A_905 = tpu.assume_multiple %mul3A_904, 64 : i32
          %dma_start3A = tpu.memref_slice %arg22[%multiple_of3A_902] : memref<1024xf32, #tpu.memory_space<vmem>> -> memref<64xf32, #tpu.memory_space<vmem>>
          %dma_start3A_906 = tpu.memref_slice %arg10[%multiple_of3A_905] : memref<3200000xf32, #tpu.memory_space<hbm>> -> memref<64xf32, #tpu.memory_space<hbm>>
          %dma_start3A_907 = tpu.memref_slice %arg10[%multiple_of3A_905] : memref<3200000xf32, #tpu.memory_space<hbm>> -> memref<64xf32, #tpu.memory_space<hbm>>
          %dma_start3A_908 = tpu.memref_slice %arg22[%multiple_of3A_902] : memref<1024xf32, #tpu.memory_space<vmem>> -> memref<64xf32, #tpu.memory_space<vmem>>
          tpu.enqueue_dma source(%dma_start3A_908 : memref<64xf32, #tpu.memory_space<vmem>>) target(%dma_start3A_907 : memref<64xf32, #tpu.memory_space<hbm>>) target_semaphore(%arg25 : memref<!tpu.dma_semaphore, #tpu.memory_space<semaphore_mem>>)
        } else {
        }
        %add3A_815 = arith.constant 1 : i32
        %add3A_816 = arith.addi %while3A_662, %add3A_815 : i32
        %select_n3A_817 = arith.select %and3A, %add3A_816, %while3A_662 : i32
        %broadcast_in_dim3A_818 = arith.constant 1.000000e+00 : f32
        %broadcast_in_dim3A_819 = vector.broadcast %broadcast_in_dim3A_818 : f32 to vector<16xf32>
        %add3A_820 = arith.addf %while3A_663, %broadcast_in_dim3A_819 : vector<16xf32>
        %select_n3A_821 = arith.select %ne3A, %broadcast_in_dim3A_819, %add3A_820 : vector<16xf32>
        %add3A_822 = arith.addf %while3A_664, %gather3A_688 : vector<16xf32>
        %select_n3A_823 = arith.select %ne3A, %gather3A_688, %add3A_822 : vector<16xf32>
        %add3A_824 = arith.addf %while3A_665, %gather3A_702 : vector<16xf32>
        %select_n3A_825 = arith.select %ne3A, %gather3A_702, %add3A_824 : vector<16xf32>
        %add3A_826 = arith.addf %while3A_666, %gather3A_716 : vector<16xf32>
        %select_n3A_827 = arith.select %ne3A, %gather3A_716, %add3A_826 : vector<16xf32>
        %max3A_828 = arith.maximumf %while3A_667, %add3A_772 : vector<16xf32>
        %select_n3A_829 = arith.select %ne3A, %add3A_772, %max3A_828 : vector<16xf32>
        %max3A_830 = arith.maximumf %while3A_668, %add3A_784 : vector<16xf32>
        %select_n3A_831 = arith.select %ne3A, %add3A_784, %max3A_830 : vector<16xf32>
        %max3A_832 = arith.maximumf %while3A_669, %add3A_796 : vector<16xf32>
        %select_n3A_833 = arith.select %ne3A, %add3A_796, %max3A_832 : vector<16xf32>
        %max3A_834 = arith.maximumf %while3A_670, %add3A_808 : vector<16xf32>
        %select_n3A_835 = arith.select %ne3A, %add3A_808, %max3A_834 : vector<16xf32>
        scf.yield %squeeze3A_675, %select_n3A_817, %select_n3A_821, %select_n3A_823, %select_n3A_825, %select_n3A_827, %select_n3A_829, %select_n3A_831, %select_n3A_833, %select_n3A_835 : i32, i32, vector<16xf32>, vector<16xf32>, vector<16xf32>, vector<16xf32>, vector<16xf32>, vector<16xf32>, vector<16xf32>, vector<16xf32>
      }
      %while3A_657 = arith.constant 1 : i32
      %while3A_658:10 = scf.for %while3A_660 = %while3A_654 to %while3A_650 step %while3A_657 iter_args(%while3A_661 = %while3A_656#0, %while3A_662 = %while3A_656#1, %while3A_663 = %while3A_656#2, %while3A_664 = %while3A_656#3, %while3A_665 = %while3A_656#4, %while3A_666 = %while3A_656#5, %while3A_667 = %while3A_656#6, %while3A_668 = %while3A_656#7, %while3A_669 = %while3A_656#8, %while3A_670 = %while3A_656#9) -> (i32, i32, vector<16xf32>, vector<16xf32>, vector<16xf32>, vector<16xf32>, vector<16xf32>, vector<16xf32>, vector<16xf32>, vector<16xf32>)  : i32 {
        %add3A_671 = arith.addi %sub3A_647, %while3A_660 : i32
        %get3A_672 = arith.index_cast %add3A_671 : i32 to index
        %get3A_673 = tpu.vector_load %arg17[%get3A_672] {strides = array<i32>} : memref<10032xi32, #tpu.memory_space<vmem>>, vector<16xi32>,
        %slice3A_674 = vector.extract_strided_slice %get3A_673 {offsets = [0], sizes = [1], strides = [1]} : vector<16xi32> to vector<1xi32>
        %squeeze3A_675 = vector.extract %slice3A_674[0] : i32 from vector<1xi32>
        %get3A_676 = arith.index_cast %add3A_671 : i32 to index
        %get3A_677 = tpu.vector_load %arg11[%get3A_676] {strides = array<i32>} : memref<10016xf32, #tpu.memory_space<vmem>>, vector<16xf32>,
        %broadcast_in_dim3A_678 = arith.constant 0 : i32
        %broadcast_in_dim3A_679 = vector.broadcast %broadcast_in_dim3A_678 : i32 to vector<16xi32>
        %lt3A_680 = arith.constant 0 : i32
        %lt3A_681 = vector.broadcast %lt3A_680 : i32 to vector<16xi32>
        %lt3A_682 = arith.cmpi slt, %broadcast_in_dim3A_679, %lt3A_681 : vector<16xi32>
        %add3A_683 = arith.constant 16 : i32
        %add3A_684 = vector.broadcast %add3A_683 : i32 to vector<16xi32>
        %add3A_685 = arith.addi %broadcast_in_dim3A_679, %add3A_684 : vector<16xi32>
        %select_n3A_686 = arith.select %lt3A_682, %add3A_685, %broadcast_in_dim3A_679 : vector<16xi1>, vector<16xi32>
        %broadcast_in_dim3A_687 = vector.shape_cast %select_n3A_686 : vector<16xi32> to vector<16x1xi32>
        %gather3A = vector.shape_cast %broadcast_in_dim3A_687 : vector<16x1xi32> to vector<16xi32>
        %gather3A_688 = tpu.dynamic_gather %get3A_677[%gather3A] in [0] : vector<16xf32>, vector<16xi32> -> vector<16xf32>
        %get3A_689 = arith.index_cast %add3A_671 : i32 to index
        %get3A_690 = tpu.vector_load %arg12[%get3A_689] {strides = array<i32>} : memref<10016xf32, #tpu.memory_space<vmem>>, vector<16xf32>,
        %broadcast_in_dim3A_691 = arith.constant 0 : i32
        %broadcast_in_dim3A_692 = vector.broadcast %broadcast_in_dim3A_691 : i32 to vector<16xi32>
        %lt3A_693 = arith.constant 0 : i32
        %lt3A_694 = vector.broadcast %lt3A_693 : i32 to vector<16xi32>
        %lt3A_695 = arith.cmpi slt, %broadcast_in_dim3A_692, %lt3A_694 : vector<16xi32>
        %add3A_696 = arith.constant 16 : i32
        %add3A_697 = vector.broadcast %add3A_696 : i32 to vector<16xi32>
        %add3A_698 = arith.addi %broadcast_in_dim3A_692, %add3A_697 : vector<16xi32>
        %select_n3A_699 = arith.select %lt3A_695, %add3A_698, %broadcast_in_dim3A_692 : vector<16xi1>, vector<16xi32>
        %broadcast_in_dim3A_700 = vector.shape_cast %select_n3A_699 : vector<16xi32> to vector<16x1xi32>
        %gather3A_701 = vector.shape_cast %broadcast_in_dim3A_700 : vector<16x1xi32> to vector<16xi32>
        %gather3A_702 = tpu.dynamic_gather %get3A_690[%gather3A_701] in [0] : vector<16xf32>, vector<16xi32> -> vector<16xf32>
        %get3A_703 = arith.index_cast %add3A_671 : i32 to index
        %get3A_704 = tpu.vector_load %arg13[%get3A_703] {strides = array<i32>} : memref<10016xf32, #tpu.memory_space<vmem>>, vector<16xf32>,
        %broadcast_in_dim3A_705 = arith.constant 0 : i32
        %broadcast_in_dim3A_706 = vector.broadcast %broadcast_in_dim3A_705 : i32 to vector<16xi32>
        %lt3A_707 = arith.constant 0 : i32
        %lt3A_708 = vector.broadcast %lt3A_707 : i32 to vector<16xi32>
        %lt3A_709 = arith.cmpi slt, %broadcast_in_dim3A_706, %lt3A_708 : vector<16xi32>
        %add3A_710 = arith.constant 16 : i32
        %add3A_711 = vector.broadcast %add3A_710 : i32 to vector<16xi32>
        %add3A_712 = arith.addi %broadcast_in_dim3A_706, %add3A_711 : vector<16xi32>
        %select_n3A_713 = arith.select %lt3A_709, %add3A_712, %broadcast_in_dim3A_706 : vector<16xi1>, vector<16xi32>
        %broadcast_in_dim3A_714 = vector.shape_cast %select_n3A_713 : vector<16xi32> to vector<16x1xi32>
        %gather3A_715 = vector.shape_cast %broadcast_in_dim3A_714 : vector<16x1xi32> to vector<16xi32>
        %gather3A_716 = tpu.dynamic_gather %get3A_704[%gather3A_715] in [0] : vector<16xf32>, vector<16xi32> -> vector<16xf32>
        %get3A_717 = arith.index_cast %add3A_671 : i32 to index
        %get3A_718 = tpu.vector_load %arg14[%get3A_717] {strides = array<i32>} : memref<10016xf32, #tpu.memory_space<vmem>>, vector<16xf32>,
        %broadcast_in_dim3A_719 = arith.constant 0 : i32
        %broadcast_in_dim3A_720 = vector.broadcast %broadcast_in_dim3A_719 : i32 to vector<16xi32>
        %lt3A_721 = arith.constant 0 : i32
        %lt3A_722 = vector.broadcast %lt3A_721 : i32 to vector<16xi32>
        %lt3A_723 = arith.cmpi slt, %broadcast_in_dim3A_720, %lt3A_722 : vector<16xi32>
        %add3A_724 = arith.constant 16 : i32
        %add3A_725 = vector.broadcast %add3A_724 : i32 to vector<16xi32>
        %add3A_726 = arith.addi %broadcast_in_dim3A_720, %add3A_725 : vector<16xi32>
        %select_n3A_727 = arith.select %lt3A_723, %add3A_726, %broadcast_in_dim3A_720 : vector<16xi1>, vector<16xi32>
        %broadcast_in_dim3A_728 = vector.shape_cast %select_n3A_727 : vector<16xi32> to vector<16x1xi32>
        %gather3A_729 = vector.shape_cast %broadcast_in_dim3A_728 : vector<16x1xi32> to vector<16xi32>
        %gather3A_730 = tpu.dynamic_gather %get3A_718[%gather3A_729] in [0] : vector<16xf32>, vector<16xi32> -> vector<16xf32>
        %get3A_731 = arith.index_cast %add3A_671 : i32 to index
        %get3A_732 = tpu.vector_load %arg15[%get3A_731] {strides = array<i32>} : memref<10016xi32, #tpu.memory_space<vmem>>, vector<16xi32>,
        %broadcast_in_dim3A_733 = arith.constant 0 : i32
        %broadcast_in_dim3A_734 = vector.broadcast %broadcast_in_dim3A_733 : i32 to vector<16xi32>
        %lt3A_735 = arith.constant 0 : i32
        %lt3A_736 = vector.broadcast %lt3A_735 : i32 to vector<16xi32>
        %lt3A_737 = arith.cmpi slt, %broadcast_in_dim3A_734, %lt3A_736 : vector<16xi32>
        %add3A_738 = arith.constant 16 : i32
        %add3A_739 = vector.broadcast %add3A_738 : i32 to vector<16xi32>
        %add3A_740 = arith.addi %broadcast_in_dim3A_734, %add3A_739 : vector<16xi32>
        %select_n3A_741 = arith.select %lt3A_737, %add3A_740, %broadcast_in_dim3A_734 : vector<16xi1>, vector<16xi32>
        %broadcast_in_dim3A_742 = vector.shape_cast %select_n3A_741 : vector<16xi32> to vector<16x1xi32>
        %gather3A_743 = vector.shape_cast %broadcast_in_dim3A_742 : vector<16x1xi32> to vector<16xi32>
        %gather3A_744 = tpu.dynamic_gather %get3A_732[%gather3A_743] in [0] : vector<16xi32>, vector<16xi32> -> vector<16xi32>
        %convert_element_type3A_745 = arith.sitofp %gather3A_744 : vector<16xi32> to vector<16xf32>
        %get3A_746 = arith.index_cast %add3A_671 : i32 to index
        %get3A_747 = tpu.vector_load %arg16[%get3A_746] {strides = array<i32>} : memref<10016xi32, #tpu.memory_space<vmem>>, vector<16xi32>,
        %broadcast_in_dim3A_748 = arith.constant 0 : i32
        %broadcast_in_dim3A_749 = vector.broadcast %broadcast_in_dim3A_748 : i32 to vector<16xi32>
        %lt3A_750 = arith.constant 0 : i32
        %lt3A_751 = vector.broadcast %lt3A_750 : i32 to vector<16xi32>
        %lt3A_752 = arith.cmpi slt, %broadcast_in_dim3A_749, %lt3A_751 : vector<16xi32>
        %add3A_753 = arith.constant 16 : i32
        %add3A_754 = vector.broadcast %add3A_753 : i32 to vector<16xi32>
        %add3A_755 = arith.addi %broadcast_in_dim3A_749, %add3A_754 : vector<16xi32>
        %select_n3A_756 = arith.select %lt3A_752, %add3A_755, %broadcast_in_dim3A_749 : vector<16xi1>, vector<16xi32>
        %broadcast_in_dim3A_757 = vector.shape_cast %select_n3A_756 : vector<16xi32> to vector<16x1xi32>
        %gather3A_758 = vector.shape_cast %broadcast_in_dim3A_757 : vector<16x1xi32> to vector<16xi32>
        %gather3A_759 = tpu.dynamic_gather %get3A_747[%gather3A_758] in [0] : vector<16xi32>, vector<16xi32> -> vector<16xi32>
        %convert_element_type3A_760 = arith.sitofp %gather3A_759 : vector<16xi32> to vector<16xf32>
        %mul3A_761 = arith.mulf %gather3A_688, %add3A_528 : vector<16xf32>
        %add3A_762 = arith.addf %sub3A_577, %mul3A_761 : vector<16xf32>
        %mul3A_763 = arith.mulf %gather3A_702, %add3A_536 : vector<16xf32>
        %mul3A_764 = arith.mulf %gather3A_716, %add3A_543 : vector<16xf32>
        %add3A_765 = arith.addf %mul3A_763, %mul3A_764 : vector<16xf32>
        %add3A_766 = arith.addf %add3A_762, %add3A_765 : vector<16xf32>
        %mul3A_767 = arith.mulf %gather3A_730, %get3A_434 : vector<16xf32>
        %mul3A_768 = arith.mulf %convert_element_type3A_760, %mul3A_549 : vector<16xf32>
        %add3A_769 = arith.addf %mul3A_767, %mul3A_768 : vector<16xf32>
        %mul3A_770 = arith.mulf %convert_element_type3A_745, %mul3A_561 : vector<16xf32>
        %add3A_771 = arith.addf %add3A_769, %mul3A_770 : vector<16xf32>
        %add3A_772 = arith.addf %add3A_766, %add3A_771 : vector<16xf32>
        %mul3A_773 = arith.mulf %gather3A_688, %add3A_530 : vector<16xf32>
        %add3A_774 = arith.addf %sub3A_584, %mul3A_773 : vector<16xf32>
        %mul3A_775 = arith.mulf %gather3A_702, %add3A_538 : vector<16xf32>
        %mul3A_776 = arith.mulf %gather3A_716, %add3A_544 : vector<16xf32>
        %add3A_777 = arith.addf %mul3A_775, %mul3A_776 : vector<16xf32>
        %add3A_778 = arith.addf %add3A_774, %add3A_777 : vector<16xf32>
        %mul3A_779 = arith.mulf %gather3A_730, %get3A_438 : vector<16xf32>
        %mul3A_780 = arith.mulf %convert_element_type3A_760, %mul3A_552 : vector<16xf32>
        %add3A_781 = arith.addf %mul3A_779, %mul3A_780 : vector<16xf32>
        %mul3A_782 = arith.mulf %convert_element_type3A_745, %mul3A_564 : vector<16xf32>
        %add3A_783 = arith.addf %add3A_781, %mul3A_782 : vector<16xf32>
        %add3A_784 = arith.addf %add3A_778, %add3A_783 : vector<16xf32>
        %mul3A_785 = arith.mulf %gather3A_688, %add3A_532 : vector<16xf32>
        %add3A_786 = arith.addf %sub3A_591, %mul3A_785 : vector<16xf32>
        %mul3A_787 = arith.mulf %gather3A_702, %add3A_540 : vector<16xf32>
        %mul3A_788 = arith.mulf %gather3A_716, %add3A_545 : vector<16xf32>
        %add3A_789 = arith.addf %mul3A_787, %mul3A_788 : vector<16xf32>
        %add3A_790 = arith.addf %add3A_786, %add3A_789 : vector<16xf32>
        %mul3A_791 = arith.mulf %gather3A_730, %get3A_442 : vector<16xf32>
        %mul3A_792 = arith.mulf %convert_element_type3A_760, %mul3A_555 : vector<16xf32>
        %add3A_793 = arith.addf %mul3A_791, %mul3A_792 : vector<16xf32>
        %mul3A_794 = arith.mulf %convert_element_type3A_745, %mul3A_567 : vector<16xf32>
        %add3A_795 = arith.addf %add3A_793, %mul3A_794 : vector<16xf32>
        %add3A_796 = arith.addf %add3A_790, %add3A_795 : vector<16xf32>
        %mul3A_797 = arith.mulf %gather3A_688, %add3A_534 : vector<16xf32>
        %add3A_798 = arith.addf %sub3A_598, %mul3A_797 : vector<16xf32>
        %mul3A_799 = arith.mulf %gather3A_702, %add3A_542 : vector<16xf32>
        %mul3A_800 = arith.mulf %gather3A_716, %add3A_546 : vector<16xf32>
        %add3A_801 = arith.addf %mul3A_799, %mul3A_800 : vector<16xf32>
        %add3A_802 = arith.addf %add3A_798, %add3A_801 : vector<16xf32>
        %mul3A_803 = arith.mulf %gather3A_730, %get3A_446 : vector<16xf32>
        %mul3A_804 = arith.mulf %convert_element_type3A_760, %mul3A_558 : vector<16xf32>
        %add3A_805 = arith.addf %mul3A_803, %mul3A_804 : vector<16xf32>
        %mul3A_806 = arith.mulf %convert_element_type3A_745, %mul3A_570 : vector<16xf32>
        %add3A_807 = arith.addf %add3A_805, %mul3A_806 : vector<16xf32>
        %add3A_808 = arith.addf %add3A_802, %add3A_807 : vector<16xf32>
        %ne3A = arith.cmpi ne, %squeeze3A_675, %while3A_661 : i32
        %ge3A = arith.constant 0 : i32
        %ge3A_809 = arith.cmpi sge, %while3A_661, %ge3A : i32
        %and3A = arith.andi %ne3A, %ge3A_809 : i1
        %rem3A_810 = arith.constant 16 : i32
        %rem3A_811 = arith.remsi %while3A_662, %rem3A_810 : i32
        %convert_element_type3A_812 = arith.extui %and3A : i1 to i32
        %cond3A_813 = arith.constant 0 : i32
        %cond3A_814 = arith.cmpi ne, %convert_element_type3A_812, %cond3A_813 : i32
        scf.if %cond3A_814 {
          %eq3A_836 = arith.constant 0 : i32
          %eq3A_837 = arith.cmpi eq, %rem3A_811, %eq3A_836 : i32
          %gt3A_838 = arith.constant 0 : i32
          %gt3A_839 = arith.cmpi sgt, %while3A_662, %gt3A_838 : i32
          %and3A_840 = arith.andi %eq3A_837, %gt3A_839 : i1
          %convert_element_type3A_841 = arith.extui %and3A_840 : i1 to i32
          %cond3A_842 = arith.constant 0 : i32
          %cond3A_843 = arith.cmpi ne, %convert_element_type3A_841, %cond3A_842 : i32
          scf.if %cond3A_843 {
            %scan3A_909 = arith.constant 0 : i32
            %scan3A_910 = arith.constant 0 : i32
            %scan3A_911 = arith.constant 16 : i32
            %scan3A_912 = arith.addi %scan3A_910, %scan3A_911 : i32
            %scan3A_913 = arith.constant 1 : i32
            %scan3A_914 = scf.for %scan3A_916 = %scan3A_910 to %scan3A_912 step %scan3A_913 iter_args(%scan3A_917 = %scan3A_909) -> (i32)  : i32 {
              %dma_wait3A = arith.constant 0 : i32
              %dma_wait3A_918 = tpu.memref_slice %arg22[%dma_wait3A] : memref<1024xf32, #tpu.memory_space<vmem>> -> memref<64xf32, #tpu.memory_space<vmem>>
              %dma_wait3A_919 = arith.constant 0 : i32
              %dma_wait3A_920 = tpu.memref_slice %arg10[%dma_wait3A_919] : memref<3200000xf32, #tpu.memory_space<hbm>> -> memref<64xf32, #tpu.memory_space<hbm>>
              %dma_wait3A_921 = arith.constant 0 : i32
              %dma_wait3A_922 = tpu.memref_slice %arg10[%dma_wait3A_921] : memref<3200000xf32, #tpu.memory_space<hbm>> -> memref<64xf32, #tpu.memory_space<hbm>>
              %dma_wait3A_923 = arith.constant 0 : i32
              %dma_wait3A_924 = tpu.memref_slice %arg22[%dma_wait3A_923] : memref<1024xf32, #tpu.memory_space<vmem>> -> memref<64xf32, #tpu.memory_space<vmem>>
              tpu.wait_dma2 semaphore(%arg25 : memref<!tpu.dma_semaphore, #tpu.memory_space<semaphore_mem>>) src(%dma_wait3A_924 : memref<64xf32, #tpu.memory_space<vmem>>) dst(%dma_wait3A_922 : memref<64xf32, #tpu.memory_space<hbm>>)
              %scan3A_925 = arith.constant 0 : i32
              scf.yield %scan3A_925 : i32
            }
            %scan3A_915 = arith.constant 16 : i32
          } else {
          }
          %mul3A_844 = arith.constant 64 : i32
          %mul3A_845 = arith.muli %rem3A_811, %mul3A_844 : i32
          %mul3A_846 = arith.mulf %while3A_664, %get3A_450 : vector<16xf32>
          %mul3A_847 = arith.mulf %while3A_665, %get3A_466 : vector<16xf32>
          %add3A_848 = arith.addf %mul3A_846, %mul3A_847 : vector<16xf32>
          %mul3A_849 = arith.mulf %while3A_666, %get3A_482 : vector<16xf32>
          %add3A_850 = arith.addf %add3A_848, %mul3A_849 : vector<16xf32>
          %div3A_851 = arith.divf %add3A_850, %while3A_663 : vector<16xf32>
          %sub3A_852 = arith.subf %while3A_667, %div3A_851 : vector<16xf32>
          %max3A_853 = arith.constant 0.000000e+00 : f32
          %max3A_854 = vector.broadcast %max3A_853 : f32 to vector<16xf32>
          %max3A_855 = arith.maximumf %sub3A_852, %max3A_854 : vector<16xf32>
          %add3A_856 = arith.constant 0 : i32
          %add3A_857 = arith.addi %mul3A_845, %add3A_856 : i32
          %swap3A_858 = arith.index_cast %add3A_857 : i32 to index
          %swap3A_859 = tpu.vector_load %arg22[%swap3A_858] {strides = array<i32>} : memref<1024xf32, #tpu.memory_space<vmem>>, vector<16xf32>,
          tpu.vector_store %arg22[%swap3A_858], %max3A_855 {strides = array<i32>} : memref<1024xf32, #tpu.memory_space<vmem>>, vector<16xf32>,
          %mul3A_860 = arith.mulf %while3A_664, %get3A_454 : vector<16xf32>
          %mul3A_861 = arith.mulf %while3A_665, %get3A_470 : vector<16xf32>
          %add3A_862 = arith.addf %mul3A_860, %mul3A_861 : vector<16xf32>
          %mul3A_863 = arith.mulf %while3A_666, %get3A_486 : vector<16xf32>
          %add3A_864 = arith.addf %add3A_862, %mul3A_863 : vector<16xf32>
          %div3A_865 = arith.divf %add3A_864, %while3A_663 : vector<16xf32>
          %sub3A_866 = arith.subf %while3A_668, %div3A_865 : vector<16xf32>
          %max3A_867 = arith.constant 0.000000e+00 : f32
          %max3A_868 = vector.broadcast %max3A_867 : f32 to vector<16xf32>
          %max3A_869 = arith.maximumf %sub3A_866, %max3A_868 : vector<16xf32>
          %add3A_870 = arith.constant 16 : i32
          %add3A_871 = arith.addi %mul3A_845, %add3A_870 : i32
          %swap3A_872 = arith.index_cast %add3A_871 : i32 to index
          %swap3A_873 = tpu.vector_load %arg22[%swap3A_872] {strides = array<i32>} : memref<1024xf32, #tpu.memory_space<vmem>>, vector<16xf32>,
          tpu.vector_store %arg22[%swap3A_872], %max3A_869 {strides = array<i32>} : memref<1024xf32, #tpu.memory_space<vmem>>, vector<16xf32>,
          %mul3A_874 = arith.mulf %while3A_664, %get3A_458 : vector<16xf32>
          %mul3A_875 = arith.mulf %while3A_665, %get3A_474 : vector<16xf32>
          %add3A_876 = arith.addf %mul3A_874, %mul3A_875 : vector<16xf32>
          %mul3A_877 = arith.mulf %while3A_666, %get3A_490 : vector<16xf32>
          %add3A_878 = arith.addf %add3A_876, %mul3A_877 : vector<16xf32>
          %div3A_879 = arith.divf %add3A_878, %while3A_663 : vector<16xf32>
          %sub3A_880 = arith.subf %while3A_669, %div3A_879 : vector<16xf32>
          %max3A_881 = arith.constant 0.000000e+00 : f32
          %max3A_882 = vector.broadcast %max3A_881 : f32 to vector<16xf32>
          %max3A_883 = arith.maximumf %sub3A_880, %max3A_882 : vector<16xf32>
          %add3A_884 = arith.constant 32 : i32
          %add3A_885 = arith.addi %mul3A_845, %add3A_884 : i32
          %swap3A_886 = arith.index_cast %add3A_885 : i32 to index
          %swap3A_887 = tpu.vector_load %arg22[%swap3A_886] {strides = array<i32>} : memref<1024xf32, #tpu.memory_space<vmem>>, vector<16xf32>,
          tpu.vector_store %arg22[%swap3A_886], %max3A_883 {strides = array<i32>} : memref<1024xf32, #tpu.memory_space<vmem>>, vector<16xf32>,
          %mul3A_888 = arith.mulf %while3A_664, %get3A_462 : vector<16xf32>
          %mul3A_889 = arith.mulf %while3A_665, %get3A_478 : vector<16xf32>
          %add3A_890 = arith.addf %mul3A_888, %mul3A_889 : vector<16xf32>
          %mul3A_891 = arith.mulf %while3A_666, %get3A_494 : vector<16xf32>
          %add3A_892 = arith.addf %add3A_890, %mul3A_891 : vector<16xf32>
          %div3A_893 = arith.divf %add3A_892, %while3A_663 : vector<16xf32>
          %sub3A_894 = arith.subf %while3A_670, %div3A_893 : vector<16xf32>
          %max3A_895 = arith.constant 0.000000e+00 : f32
          %max3A_896 = vector.broadcast %max3A_895 : f32 to vector<16xf32>
          %max3A_897 = arith.maximumf %sub3A_894, %max3A_896 : vector<16xf32>
          %add3A_898 = arith.constant 48 : i32
          %add3A_899 = arith.addi %mul3A_845, %add3A_898 : i32
          %swap3A_900 = arith.index_cast %add3A_899 : i32 to index
          %swap3A_901 = tpu.vector_load %arg22[%swap3A_900] {strides = array<i32>} : memref<1024xf32, #tpu.memory_space<vmem>>, vector<16xf32>,
          tpu.vector_store %arg22[%swap3A_900], %max3A_897 {strides = array<i32>} : memref<1024xf32, #tpu.memory_space<vmem>>, vector<16xf32>,
          %multiple_of3A_902 = tpu.assume_multiple %mul3A_845, 64 : i32
          %mul3A_903 = arith.constant 64 : i32
          %mul3A_904 = arith.muli %while3A_661, %mul3A_903 : i32
          %multiple_of3A_905 = tpu.assume_multiple %mul3A_904, 64 : i32
          %dma_start3A = tpu.memref_slice %arg22[%multiple_of3A_902] : memref<1024xf32, #tpu.memory_space<vmem>> -> memref<64xf32, #tpu.memory_space<vmem>>
          %dma_start3A_906 = tpu.memref_slice %arg10[%multiple_of3A_905] : memref<3200000xf32, #tpu.memory_space<hbm>> -> memref<64xf32, #tpu.memory_space<hbm>>
          %dma_start3A_907 = tpu.memref_slice %arg10[%multiple_of3A_905] : memref<3200000xf32, #tpu.memory_space<hbm>> -> memref<64xf32, #tpu.memory_space<hbm>>
          %dma_start3A_908 = tpu.memref_slice %arg22[%multiple_of3A_902] : memref<1024xf32, #tpu.memory_space<vmem>> -> memref<64xf32, #tpu.memory_space<vmem>>
          tpu.enqueue_dma source(%dma_start3A_908 : memref<64xf32, #tpu.memory_space<vmem>>) target(%dma_start3A_907 : memref<64xf32, #tpu.memory_space<hbm>>) target_semaphore(%arg25 : memref<!tpu.dma_semaphore, #tpu.memory_space<semaphore_mem>>)
        } else {
        }
        %add3A_815 = arith.constant 1 : i32
        %add3A_816 = arith.addi %while3A_662, %add3A_815 : i32
        %select_n3A_817 = arith.select %and3A, %add3A_816, %while3A_662 : i32
        %broadcast_in_dim3A_818 = arith.constant 1.000000e+00 : f32
        %broadcast_in_dim3A_819 = vector.broadcast %broadcast_in_dim3A_818 : f32 to vector<16xf32>
        %add3A_820 = arith.addf %while3A_663, %broadcast_in_dim3A_819 : vector<16xf32>
        %select_n3A_821 = arith.select %ne3A, %broadcast_in_dim3A_819, %add3A_820 : vector<16xf32>
        %add3A_822 = arith.addf %while3A_664, %gather3A_688 : vector<16xf32>
        %select_n3A_823 = arith.select %ne3A, %gather3A_688, %add3A_822 : vector<16xf32>
        %add3A_824 = arith.addf %while3A_665, %gather3A_702 : vector<16xf32>
        %select_n3A_825 = arith.select %ne3A, %gather3A_702, %add3A_824 : vector<16xf32>
        %add3A_826 = arith.addf %while3A_666, %gather3A_716 : vector<16xf32>
        %select_n3A_827 = arith.select %ne3A, %gather3A_716, %add3A_826 : vector<16xf32>
        %max3A_828 = arith.maximumf %while3A_667, %add3A_772 : vector<16xf32>
        %select_n3A_829 = arith.select %ne3A, %add3A_772, %max3A_828 : vector<16xf32>
        %max3A_830 = arith.maximumf %while3A_668, %add3A_784 : vector<16xf32>
        %select_n3A_831 = arith.select %ne3A, %add3A_784, %max3A_830 : vector<16xf32>
        %max3A_832 = arith.maximumf %while3A_669, %add3A_796 : vector<16xf32>
        %select_n3A_833 = arith.select %ne3A, %add3A_796, %max3A_832 : vector<16xf32>
        %max3A_834 = arith.maximumf %while3A_670, %add3A_808 : vector<16xf32>
        %select_n3A_835 = arith.select %ne3A, %add3A_808, %max3A_834 : vector<16xf32>
        scf.yield %squeeze3A_675, %select_n3A_817, %select_n3A_821, %select_n3A_823, %select_n3A_825, %select_n3A_827, %select_n3A_829, %select_n3A_831, %select_n3A_833, %select_n3A_835 : i32, i32, vector<16xf32>, vector<16xf32>, vector<16xf32>, vector<16xf32>, vector<16xf32>, vector<16xf32>, vector<16xf32>, vector<16xf32>
      }
      %add3A_659 = arith.addi %while3A_626, %max3A_646 : i32
      scf.yield %add3A_659, %while3A_658#0, %while3A_658#1, %while3A_658#2, %while3A_658#3, %while3A_658#4, %while3A_658#5, %while3A_658#6, %while3A_658#7, %while3A_658#8, %while3A_658#9 : i32, i32, i32, vector<16xf32>, vector<16xf32>, vector<16xf32>, vector<16xf32>, vector<16xf32>, vector<16xf32>, vector<16xf32>, vector<16xf32>
    }
    %while3A_619 = arith.constant 1 : i32
    %while3A_620:11 = scf.for %while3A_625 = %while3A_616 to %while3A_612 step %while3A_619 iter_args(%while3A_626 = %while3A_618#0, %while3A_627 = %while3A_618#1, %while3A_628 = %while3A_618#2, %while3A_629 = %while3A_618#3, %while3A_630 = %while3A_618#4, %while3A_631 = %while3A_618#5, %while3A_632 = %while3A_618#6, %while3A_633 = %while3A_618#7, %while3A_634 = %while3A_618#8, %while3A_635 = %while3A_618#9, %while3A_636 = %while3A_618#10) -> (i32, i32, i32, vector<16xf32>, vector<16xf32>, vector<16xf32>, vector<16xf32>, vector<16xf32>, vector<16xf32>, vector<16xf32>, vector<16xf32>)  : i32 {
      %rem3A = arith.constant 16 : i32
      %rem3A_637 = arith.remsi %while3A_626, %rem3A : i32
      %sub3A_638 = arith.subi %while3A_626, %rem3A_637 : i32
      %min3A = arith.constant 1590000 : i32
      %min3A_639 = arith.minsi %sub3A_638, %min3A : i32
      %multiple_of3A_640 = tpu.assume_multiple %min3A_639, 16 : i32
      "tpu.region"() ({
        %run_scoped3A = tpu.sem_alloc : memref<!tpu.dma_semaphore, #tpu.memory_space<semaphore_mem>>
        %dma_start3A = arith.constant 0 : i32
        %dma_start3A_660 = tpu.memref_slice %arg11[%dma_start3A] : memref<10016xf32, #tpu.memory_space<vmem>> -> memref<10000xf32, #tpu.memory_space<vmem>>
        %dma_start3A_661 = tpu.memref_slice %arg2[%multiple_of3A_640] : memref<1600000xf32, #tpu.memory_space<hbm>> -> memref<10000xf32, #tpu.memory_space<hbm>>
        %dma_start3A_662 = arith.constant 0 : i32
        %dma_start3A_663 = tpu.memref_slice %arg11[%dma_start3A_662] : memref<10016xf32, #tpu.memory_space<vmem>> -> memref<10000xf32, #tpu.memory_space<vmem>>
        %dma_start3A_664 = tpu.memref_slice %arg2[%multiple_of3A_640] : memref<1600000xf32, #tpu.memory_space<hbm>> -> memref<10000xf32, #tpu.memory_space<hbm>>
        tpu.enqueue_dma source(%dma_start3A_664 : memref<10000xf32, #tpu.memory_space<hbm>>) target(%dma_start3A_663 : memref<10000xf32, #tpu.memory_space<vmem>>) target_semaphore(%run_scoped3A : memref<!tpu.dma_semaphore, #tpu.memory_space<semaphore_mem>>)
        %dma_wait3A = arith.constant 0 : i32
        %dma_wait3A_665 = tpu.memref_slice %arg11[%dma_wait3A] : memref<10016xf32, #tpu.memory_space<vmem>> -> memref<10000xf32, #tpu.memory_space<vmem>>
        %dma_wait3A_666 = tpu.memref_slice %arg2[%multiple_of3A_640] : memref<1600000xf32, #tpu.memory_space<hbm>> -> memref<10000xf32, #tpu.memory_space<hbm>>
        %dma_wait3A_667 = arith.constant 0 : i32
        %dma_wait3A_668 = tpu.memref_slice %arg11[%dma_wait3A_667] : memref<10016xf32, #tpu.memory_space<vmem>> -> memref<10000xf32, #tpu.memory_space<vmem>>
        %dma_wait3A_669 = tpu.memref_slice %arg2[%multiple_of3A_640] : memref<1600000xf32, #tpu.memory_space<hbm>> -> memref<10000xf32, #tpu.memory_space<hbm>>
        tpu.wait_dma2 semaphore(%run_scoped3A : memref<!tpu.dma_semaphore, #tpu.memory_space<semaphore_mem>>) src(%dma_wait3A_669 : memref<10000xf32, #tpu.memory_space<hbm>>) dst(%dma_wait3A_668 : memref<10000xf32, #tpu.memory_space<vmem>>)
        tpu.yield
      }) : () -> ()
      "tpu.region"() ({
        %run_scoped3A = tpu.sem_alloc : memref<!tpu.dma_semaphore, #tpu.memory_space<semaphore_mem>>
        %dma_start3A = arith.constant 0 : i32
        %dma_start3A_660 = tpu.memref_slice %arg12[%dma_start3A] : memref<10016xf32, #tpu.memory_space<vmem>> -> memref<10000xf32, #tpu.memory_space<vmem>>
        %dma_start3A_661 = tpu.memref_slice %arg3[%multiple_of3A_640] : memref<1600000xf32, #tpu.memory_space<hbm>> -> memref<10000xf32, #tpu.memory_space<hbm>>
        %dma_start3A_662 = arith.constant 0 : i32
        %dma_start3A_663 = tpu.memref_slice %arg12[%dma_start3A_662] : memref<10016xf32, #tpu.memory_space<vmem>> -> memref<10000xf32, #tpu.memory_space<vmem>>
        %dma_start3A_664 = tpu.memref_slice %arg3[%multiple_of3A_640] : memref<1600000xf32, #tpu.memory_space<hbm>> -> memref<10000xf32, #tpu.memory_space<hbm>>
        tpu.enqueue_dma source(%dma_start3A_664 : memref<10000xf32, #tpu.memory_space<hbm>>) target(%dma_start3A_663 : memref<10000xf32, #tpu.memory_space<vmem>>) target_semaphore(%run_scoped3A : memref<!tpu.dma_semaphore, #tpu.memory_space<semaphore_mem>>)
        %dma_wait3A = arith.constant 0 : i32
        %dma_wait3A_665 = tpu.memref_slice %arg12[%dma_wait3A] : memref<10016xf32, #tpu.memory_space<vmem>> -> memref<10000xf32, #tpu.memory_space<vmem>>
        %dma_wait3A_666 = tpu.memref_slice %arg3[%multiple_of3A_640] : memref<1600000xf32, #tpu.memory_space<hbm>> -> memref<10000xf32, #tpu.memory_space<hbm>>
        %dma_wait3A_667 = arith.constant 0 : i32
        %dma_wait3A_668 = tpu.memref_slice %arg12[%dma_wait3A_667] : memref<10016xf32, #tpu.memory_space<vmem>> -> memref<10000xf32, #tpu.memory_space<vmem>>
        %dma_wait3A_669 = tpu.memref_slice %arg3[%multiple_of3A_640] : memref<1600000xf32, #tpu.memory_space<hbm>> -> memref<10000xf32, #tpu.memory_space<hbm>>
        tpu.wait_dma2 semaphore(%run_scoped3A : memref<!tpu.dma_semaphore, #tpu.memory_space<semaphore_mem>>) src(%dma_wait3A_669 : memref<10000xf32, #tpu.memory_space<hbm>>) dst(%dma_wait3A_668 : memref<10000xf32, #tpu.memory_space<vmem>>)
        tpu.yield
      }) : () -> ()
      "tpu.region"() ({
        %run_scoped3A = tpu.sem_alloc : memref<!tpu.dma_semaphore, #tpu.memory_space<semaphore_mem>>
        %dma_start3A = arith.constant 0 : i32
        %dma_start3A_660 = tpu.memref_slice %arg13[%dma_start3A] : memref<10016xf32, #tpu.memory_space<vmem>> -> memref<10000xf32, #tpu.memory_space<vmem>>
        %dma_start3A_661 = tpu.memref_slice %arg4[%multiple_of3A_640] : memref<1600000xf32, #tpu.memory_space<hbm>> -> memref<10000xf32, #tpu.memory_space<hbm>>
        %dma_start3A_662 = arith.constant 0 : i32
        %dma_start3A_663 = tpu.memref_slice %arg13[%dma_start3A_662] : memref<10016xf32, #tpu.memory_space<vmem>> -> memref<10000xf32, #tpu.memory_space<vmem>>
        %dma_start3A_664 = tpu.memref_slice %arg4[%multiple_of3A_640] : memref<1600000xf32, #tpu.memory_space<hbm>> -> memref<10000xf32, #tpu.memory_space<hbm>>
        tpu.enqueue_dma source(%dma_start3A_664 : memref<10000xf32, #tpu.memory_space<hbm>>) target(%dma_start3A_663 : memref<10000xf32, #tpu.memory_space<vmem>>) target_semaphore(%run_scoped3A : memref<!tpu.dma_semaphore, #tpu.memory_space<semaphore_mem>>)
        %dma_wait3A = arith.constant 0 : i32
        %dma_wait3A_665 = tpu.memref_slice %arg13[%dma_wait3A] : memref<10016xf32, #tpu.memory_space<vmem>> -> memref<10000xf32, #tpu.memory_space<vmem>>
        %dma_wait3A_666 = tpu.memref_slice %arg4[%multiple_of3A_640] : memref<1600000xf32, #tpu.memory_space<hbm>> -> memref<10000xf32, #tpu.memory_space<hbm>>
        %dma_wait3A_667 = arith.constant 0 : i32
        %dma_wait3A_668 = tpu.memref_slice %arg13[%dma_wait3A_667] : memref<10016xf32, #tpu.memory_space<vmem>> -> memref<10000xf32, #tpu.memory_space<vmem>>
        %dma_wait3A_669 = tpu.memref_slice %arg4[%multiple_of3A_640] : memref<1600000xf32, #tpu.memory_space<hbm>> -> memref<10000xf32, #tpu.memory_space<hbm>>
        tpu.wait_dma2 semaphore(%run_scoped3A : memref<!tpu.dma_semaphore, #tpu.memory_space<semaphore_mem>>) src(%dma_wait3A_669 : memref<10000xf32, #tpu.memory_space<hbm>>) dst(%dma_wait3A_668 : memref<10000xf32, #tpu.memory_space<vmem>>)
        tpu.yield
      }) : () -> ()
      "tpu.region"() ({
        %run_scoped3A = tpu.sem_alloc : memref<!tpu.dma_semaphore, #tpu.memory_space<semaphore_mem>>
        %dma_start3A = arith.constant 0 : i32
        %dma_start3A_660 = tpu.memref_slice %arg14[%dma_start3A] : memref<10016xf32, #tpu.memory_space<vmem>> -> memref<10000xf32, #tpu.memory_space<vmem>>
        %dma_start3A_661 = tpu.memref_slice %arg5[%multiple_of3A_640] : memref<1600000xf32, #tpu.memory_space<hbm>> -> memref<10000xf32, #tpu.memory_space<hbm>>
        %dma_start3A_662 = arith.constant 0 : i32
        %dma_start3A_663 = tpu.memref_slice %arg14[%dma_start3A_662] : memref<10016xf32, #tpu.memory_space<vmem>> -> memref<10000xf32, #tpu.memory_space<vmem>>
        %dma_start3A_664 = tpu.memref_slice %arg5[%multiple_of3A_640] : memref<1600000xf32, #tpu.memory_space<hbm>> -> memref<10000xf32, #tpu.memory_space<hbm>>
        tpu.enqueue_dma source(%dma_start3A_664 : memref<10000xf32, #tpu.memory_space<hbm>>) target(%dma_start3A_663 : memref<10000xf32, #tpu.memory_space<vmem>>) target_semaphore(%run_scoped3A : memref<!tpu.dma_semaphore, #tpu.memory_space<semaphore_mem>>)
        %dma_wait3A = arith.constant 0 : i32
        %dma_wait3A_665 = tpu.memref_slice %arg14[%dma_wait3A] : memref<10016xf32, #tpu.memory_space<vmem>> -> memref<10000xf32, #tpu.memory_space<vmem>>
        %dma_wait3A_666 = tpu.memref_slice %arg5[%multiple_of3A_640] : memref<1600000xf32, #tpu.memory_space<hbm>> -> memref<10000xf32, #tpu.memory_space<hbm>>
        %dma_wait3A_667 = arith.constant 0 : i32
        %dma_wait3A_668 = tpu.memref_slice %arg14[%dma_wait3A_667] : memref<10016xf32, #tpu.memory_space<vmem>> -> memref<10000xf32, #tpu.memory_space<vmem>>
        %dma_wait3A_669 = tpu.memref_slice %arg5[%multiple_of3A_640] : memref<1600000xf32, #tpu.memory_space<hbm>> -> memref<10000xf32, #tpu.memory_space<hbm>>
        tpu.wait_dma2 semaphore(%run_scoped3A : memref<!tpu.dma_semaphore, #tpu.memory_space<semaphore_mem>>) src(%dma_wait3A_669 : memref<10000xf32, #tpu.memory_space<hbm>>) dst(%dma_wait3A_668 : memref<10000xf32, #tpu.memory_space<vmem>>)
        tpu.yield
      }) : () -> ()
      "tpu.region"() ({
        %run_scoped3A = tpu.sem_alloc : memref<!tpu.dma_semaphore, #tpu.memory_space<semaphore_mem>>
        %dma_start3A = arith.constant 0 : i32
        %dma_start3A_660 = tpu.memref_slice %arg15[%dma_start3A] : memref<10016xi32, #tpu.memory_space<vmem>> -> memref<10000xi32, #tpu.memory_space<vmem>>
        %dma_start3A_661 = tpu.memref_slice %arg6[%multiple_of3A_640] : memref<1600000xi32, #tpu.memory_space<hbm>> -> memref<10000xi32, #tpu.memory_space<hbm>>
        %dma_start3A_662 = arith.constant 0 : i32
        %dma_start3A_663 = tpu.memref_slice %arg15[%dma_start3A_662] : memref<10016xi32, #tpu.memory_space<vmem>> -> memref<10000xi32, #tpu.memory_space<vmem>>
        %dma_start3A_664 = tpu.memref_slice %arg6[%multiple_of3A_640] : memref<1600000xi32, #tpu.memory_space<hbm>> -> memref<10000xi32, #tpu.memory_space<hbm>>
        tpu.enqueue_dma source(%dma_start3A_664 : memref<10000xi32, #tpu.memory_space<hbm>>) target(%dma_start3A_663 : memref<10000xi32, #tpu.memory_space<vmem>>) target_semaphore(%run_scoped3A : memref<!tpu.dma_semaphore, #tpu.memory_space<semaphore_mem>>)
        %dma_wait3A = arith.constant 0 : i32
        %dma_wait3A_665 = tpu.memref_slice %arg15[%dma_wait3A] : memref<10016xi32, #tpu.memory_space<vmem>> -> memref<10000xi32, #tpu.memory_space<vmem>>
        %dma_wait3A_666 = tpu.memref_slice %arg6[%multiple_of3A_640] : memref<1600000xi32, #tpu.memory_space<hbm>> -> memref<10000xi32, #tpu.memory_space<hbm>>
        %dma_wait3A_667 = arith.constant 0 : i32
        %dma_wait3A_668 = tpu.memref_slice %arg15[%dma_wait3A_667] : memref<10016xi32, #tpu.memory_space<vmem>> -> memref<10000xi32, #tpu.memory_space<vmem>>
        %dma_wait3A_669 = tpu.memref_slice %arg6[%multiple_of3A_640] : memref<1600000xi32, #tpu.memory_space<hbm>> -> memref<10000xi32, #tpu.memory_space<hbm>>
        tpu.wait_dma2 semaphore(%run_scoped3A : memref<!tpu.dma_semaphore, #tpu.memory_space<semaphore_mem>>) src(%dma_wait3A_669 : memref<10000xi32, #tpu.memory_space<hbm>>) dst(%dma_wait3A_668 : memref<10000xi32, #tpu.memory_space<vmem>>)
        tpu.yield
      }) : () -> ()
      "tpu.region"() ({
        %run_scoped3A = tpu.sem_alloc : memref<!tpu.dma_semaphore, #tpu.memory_space<semaphore_mem>>
        %dma_start3A = arith.constant 0 : i32
        %dma_start3A_660 = tpu.memref_slice %arg16[%dma_start3A] : memref<10016xi32, #tpu.memory_space<vmem>> -> memref<10000xi32, #tpu.memory_space<vmem>>
        %dma_start3A_661 = tpu.memref_slice %arg7[%multiple_of3A_640] : memref<1600000xi32, #tpu.memory_space<hbm>> -> memref<10000xi32, #tpu.memory_space<hbm>>
        %dma_start3A_662 = arith.constant 0 : i32
        %dma_start3A_663 = tpu.memref_slice %arg16[%dma_start3A_662] : memref<10016xi32, #tpu.memory_space<vmem>> -> memref<10000xi32, #tpu.memory_space<vmem>>
        %dma_start3A_664 = tpu.memref_slice %arg7[%multiple_of3A_640] : memref<1600000xi32, #tpu.memory_space<hbm>> -> memref<10000xi32, #tpu.memory_space<hbm>>
        tpu.enqueue_dma source(%dma_start3A_664 : memref<10000xi32, #tpu.memory_space<hbm>>) target(%dma_start3A_663 : memref<10000xi32, #tpu.memory_space<vmem>>) target_semaphore(%run_scoped3A : memref<!tpu.dma_semaphore, #tpu.memory_space<semaphore_mem>>)
        %dma_wait3A = arith.constant 0 : i32
        %dma_wait3A_665 = tpu.memref_slice %arg16[%dma_wait3A] : memref<10016xi32, #tpu.memory_space<vmem>> -> memref<10000xi32, #tpu.memory_space<vmem>>
        %dma_wait3A_666 = tpu.memref_slice %arg7[%multiple_of3A_640] : memref<1600000xi32, #tpu.memory_space<hbm>> -> memref<10000xi32, #tpu.memory_space<hbm>>
        %dma_wait3A_667 = arith.constant 0 : i32
        %dma_wait3A_668 = tpu.memref_slice %arg16[%dma_wait3A_667] : memref<10016xi32, #tpu.memory_space<vmem>> -> memref<10000xi32, #tpu.memory_space<vmem>>
        %dma_wait3A_669 = tpu.memref_slice %arg7[%multiple_of3A_640] : memref<1600000xi32, #tpu.memory_space<hbm>> -> memref<10000xi32, #tpu.memory_space<hbm>>
        tpu.wait_dma2 semaphore(%run_scoped3A : memref<!tpu.dma_semaphore, #tpu.memory_space<semaphore_mem>>) src(%dma_wait3A_669 : memref<10000xi32, #tpu.memory_space<hbm>>) dst(%dma_wait3A_668 : memref<10000xi32, #tpu.memory_space<vmem>>)
        tpu.yield
      }) : () -> ()
      "tpu.region"() ({
        %run_scoped3A = tpu.sem_alloc : memref<!tpu.dma_semaphore, #tpu.memory_space<semaphore_mem>>
        %dma_start3A = arith.constant 0 : i32
        %dma_start3A_660 = tpu.memref_slice %arg17[%dma_start3A] : memref<10032xi32, #tpu.memory_space<vmem>> -> memref<10000xi32, #tpu.memory_space<vmem>>
        %dma_start3A_661 = tpu.memref_slice %arg8[%multiple_of3A_640] : memref<1600000xi32, #tpu.memory_space<hbm>> -> memref<10000xi32, #tpu.memory_space<hbm>>
        %dma_start3A_662 = arith.constant 0 : i32
        %dma_start3A_663 = tpu.memref_slice %arg17[%dma_start3A_662] : memref<10032xi32, #tpu.memory_space<vmem>> -> memref<10000xi32, #tpu.memory_space<vmem>>
        %dma_start3A_664 = tpu.memref_slice %arg8[%multiple_of3A_640] : memref<1600000xi32, #tpu.memory_space<hbm>> -> memref<10000xi32, #tpu.memory_space<hbm>>
        tpu.enqueue_dma source(%dma_start3A_664 : memref<10000xi32, #tpu.memory_space<hbm>>) target(%dma_start3A_663 : memref<10000xi32, #tpu.memory_space<vmem>>) target_semaphore(%run_scoped3A : memref<!tpu.dma_semaphore, #tpu.memory_space<semaphore_mem>>)
        %dma_wait3A = arith.constant 0 : i32
        %dma_wait3A_665 = tpu.memref_slice %arg17[%dma_wait3A] : memref<10032xi32, #tpu.memory_space<vmem>> -> memref<10000xi32, #tpu.memory_space<vmem>>
        %dma_wait3A_666 = tpu.memref_slice %arg8[%multiple_of3A_640] : memref<1600000xi32, #tpu.memory_space<hbm>> -> memref<10000xi32, #tpu.memory_space<hbm>>
        %dma_wait3A_667 = arith.constant 0 : i32
        %dma_wait3A_668 = tpu.memref_slice %arg17[%dma_wait3A_667] : memref<10032xi32, #tpu.memory_space<vmem>> -> memref<10000xi32, #tpu.memory_space<vmem>>
        %dma_wait3A_669 = tpu.memref_slice %arg8[%multiple_of3A_640] : memref<1600000xi32, #tpu.memory_space<hbm>> -> memref<10000xi32, #tpu.memory_space<hbm>>
        tpu.wait_dma2 semaphore(%run_scoped3A : memref<!tpu.dma_semaphore, #tpu.memory_space<semaphore_mem>>) src(%dma_wait3A_669 : memref<10000xi32, #tpu.memory_space<hbm>>) dst(%dma_wait3A_668 : memref<10000xi32, #tpu.memory_space<vmem>>)
        tpu.yield
      }) : () -> ()
      %add3A_641 = arith.constant 10000 : i32
      %add3A_642 = arith.addi %multiple_of3A_640, %add3A_641 : i32
      %min3A_643 = arith.minsi %add3A_642, %select_n3A_382 : i32
      %sub3A_644 = arith.subi %min3A_643, %while3A_626 : i32
      %max3A_645 = arith.constant 0 : i32
      %max3A_646 = arith.maxsi %sub3A_644, %max3A_645 : i32
      %sub3A_647 = arith.subi %while3A_626, %multiple_of3A_640 : i32
      %while3A_648 = arith.constant 0 : i32
      %while3A_649 = arith.subi %max3A_646, %while3A_648 : i32
      %while3A_650 = arith.addi %while3A_648, %while3A_649 : i32
      %while3A_651 = arith.constant 1 : i32
      %while3A_652 = arith.divsi %while3A_649, %while3A_651 : i32
      %while3A_653 = arith.muli %while3A_652, %while3A_651 : i32
      %while3A_654 = arith.addi %while3A_648, %while3A_653 : i32
      %while3A_655 = arith.constant 1 : i32
      %while3A_656:10 = scf.for %while3A_660 = %while3A_648 to %while3A_654 step %while3A_655 iter_args(%while3A_661 = %while3A_627, %while3A_662 = %while3A_628, %while3A_663 = %while3A_629, %while3A_664 = %while3A_630, %while3A_665 = %while3A_631, %while3A_666 = %while3A_632, %while3A_667 = %while3A_633, %while3A_668 = %while3A_634, %while3A_669 = %while3A_635, %while3A_670 = %while3A_636) -> (i32, i32, vector<16xf32>, vector<16xf32>, vector<16xf32>, vector<16xf32>, vector<16xf32>, vector<16xf32>, vector<16xf32>, vector<16xf32>)  : i32 {
        %add3A_671 = arith.addi %sub3A_647, %while3A_660 : i32
        %get3A_672 = arith.index_cast %add3A_671 : i32 to index
        %get3A_673 = tpu.vector_load %arg17[%get3A_672] {strides = array<i32>} : memref<10032xi32, #tpu.memory_space<vmem>>, vector<16xi32>,
        %slice3A_674 = vector.extract_strided_slice %get3A_673 {offsets = [0], sizes = [1], strides = [1]} : vector<16xi32> to vector<1xi32>
        %squeeze3A_675 = vector.extract %slice3A_674[0] : i32 from vector<1xi32>
        %get3A_676 = arith.index_cast %add3A_671 : i32 to index
        %get3A_677 = tpu.vector_load %arg11[%get3A_676] {strides = array<i32>} : memref<10016xf32, #tpu.memory_space<vmem>>, vector<16xf32>,
        %broadcast_in_dim3A_678 = arith.constant 0 : i32
        %broadcast_in_dim3A_679 = vector.broadcast %broadcast_in_dim3A_678 : i32 to vector<16xi32>
        %lt3A_680 = arith.constant 0 : i32
        %lt3A_681 = vector.broadcast %lt3A_680 : i32 to vector<16xi32>
        %lt3A_682 = arith.cmpi slt, %broadcast_in_dim3A_679, %lt3A_681 : vector<16xi32>
        %add3A_683 = arith.constant 16 : i32
        %add3A_684 = vector.broadcast %add3A_683 : i32 to vector<16xi32>
        %add3A_685 = arith.addi %broadcast_in_dim3A_679, %add3A_684 : vector<16xi32>
        %select_n3A_686 = arith.select %lt3A_682, %add3A_685, %broadcast_in_dim3A_679 : vector<16xi1>, vector<16xi32>
        %broadcast_in_dim3A_687 = vector.shape_cast %select_n3A_686 : vector<16xi32> to vector<16x1xi32>
        %gather3A = vector.shape_cast %broadcast_in_dim3A_687 : vector<16x1xi32> to vector<16xi32>
        %gather3A_688 = tpu.dynamic_gather %get3A_677[%gather3A] in [0] : vector<16xf32>, vector<16xi32> -> vector<16xf32>
        %get3A_689 = arith.index_cast %add3A_671 : i32 to index
        %get3A_690 = tpu.vector_load %arg12[%get3A_689] {strides = array<i32>} : memref<10016xf32, #tpu.memory_space<vmem>>, vector<16xf32>,
        %broadcast_in_dim3A_691 = arith.constant 0 : i32
        %broadcast_in_dim3A_692 = vector.broadcast %broadcast_in_dim3A_691 : i32 to vector<16xi32>
        %lt3A_693 = arith.constant 0 : i32
        %lt3A_694 = vector.broadcast %lt3A_693 : i32 to vector<16xi32>
        %lt3A_695 = arith.cmpi slt, %broadcast_in_dim3A_692, %lt3A_694 : vector<16xi32>
        %add3A_696 = arith.constant 16 : i32
        %add3A_697 = vector.broadcast %add3A_696 : i32 to vector<16xi32>
        %add3A_698 = arith.addi %broadcast_in_dim3A_692, %add3A_697 : vector<16xi32>
        %select_n3A_699 = arith.select %lt3A_695, %add3A_698, %broadcast_in_dim3A_692 : vector<16xi1>, vector<16xi32>
        %broadcast_in_dim3A_700 = vector.shape_cast %select_n3A_699 : vector<16xi32> to vector<16x1xi32>
        %gather3A_701 = vector.shape_cast %broadcast_in_dim3A_700 : vector<16x1xi32> to vector<16xi32>
        %gather3A_702 = tpu.dynamic_gather %get3A_690[%gather3A_701] in [0] : vector<16xf32>, vector<16xi32> -> vector<16xf32>
        %get3A_703 = arith.index_cast %add3A_671 : i32 to index
        %get3A_704 = tpu.vector_load %arg13[%get3A_703] {strides = array<i32>} : memref<10016xf32, #tpu.memory_space<vmem>>, vector<16xf32>,
        %broadcast_in_dim3A_705 = arith.constant 0 : i32
        %broadcast_in_dim3A_706 = vector.broadcast %broadcast_in_dim3A_705 : i32 to vector<16xi32>
        %lt3A_707 = arith.constant 0 : i32
        %lt3A_708 = vector.broadcast %lt3A_707 : i32 to vector<16xi32>
        %lt3A_709 = arith.cmpi slt, %broadcast_in_dim3A_706, %lt3A_708 : vector<16xi32>
        %add3A_710 = arith.constant 16 : i32
        %add3A_711 = vector.broadcast %add3A_710 : i32 to vector<16xi32>
        %add3A_712 = arith.addi %broadcast_in_dim3A_706, %add3A_711 : vector<16xi32>
        %select_n3A_713 = arith.select %lt3A_709, %add3A_712, %broadcast_in_dim3A_706 : vector<16xi1>, vector<16xi32>
        %broadcast_in_dim3A_714 = vector.shape_cast %select_n3A_713 : vector<16xi32> to vector<16x1xi32>
        %gather3A_715 = vector.shape_cast %broadcast_in_dim3A_714 : vector<16x1xi32> to vector<16xi32>
        %gather3A_716 = tpu.dynamic_gather %get3A_704[%gather3A_715] in [0] : vector<16xf32>, vector<16xi32> -> vector<16xf32>
        %get3A_717 = arith.index_cast %add3A_671 : i32 to index
        %get3A_718 = tpu.vector_load %arg14[%get3A_717] {strides = array<i32>} : memref<10016xf32, #tpu.memory_space<vmem>>, vector<16xf32>,
        %broadcast_in_dim3A_719 = arith.constant 0 : i32
        %broadcast_in_dim3A_720 = vector.broadcast %broadcast_in_dim3A_719 : i32 to vector<16xi32>
        %lt3A_721 = arith.constant 0 : i32
        %lt3A_722 = vector.broadcast %lt3A_721 : i32 to vector<16xi32>
        %lt3A_723 = arith.cmpi slt, %broadcast_in_dim3A_720, %lt3A_722 : vector<16xi32>
        %add3A_724 = arith.constant 16 : i32
        %add3A_725 = vector.broadcast %add3A_724 : i32 to vector<16xi32>
        %add3A_726 = arith.addi %broadcast_in_dim3A_720, %add3A_725 : vector<16xi32>
        %select_n3A_727 = arith.select %lt3A_723, %add3A_726, %broadcast_in_dim3A_720 : vector<16xi1>, vector<16xi32>
        %broadcast_in_dim3A_728 = vector.shape_cast %select_n3A_727 : vector<16xi32> to vector<16x1xi32>
        %gather3A_729 = vector.shape_cast %broadcast_in_dim3A_728 : vector<16x1xi32> to vector<16xi32>
        %gather3A_730 = tpu.dynamic_gather %get3A_718[%gather3A_729] in [0] : vector<16xf32>, vector<16xi32> -> vector<16xf32>
        %get3A_731 = arith.index_cast %add3A_671 : i32 to index
        %get3A_732 = tpu.vector_load %arg15[%get3A_731] {strides = array<i32>} : memref<10016xi32, #tpu.memory_space<vmem>>, vector<16xi32>,
        %broadcast_in_dim3A_733 = arith.constant 0 : i32
        %broadcast_in_dim3A_734 = vector.broadcast %broadcast_in_dim3A_733 : i32 to vector<16xi32>
        %lt3A_735 = arith.constant 0 : i32
        %lt3A_736 = vector.broadcast %lt3A_735 : i32 to vector<16xi32>
        %lt3A_737 = arith.cmpi slt, %broadcast_in_dim3A_734, %lt3A_736 : vector<16xi32>
        %add3A_738 = arith.constant 16 : i32
        %add3A_739 = vector.broadcast %add3A_738 : i32 to vector<16xi32>
        %add3A_740 = arith.addi %broadcast_in_dim3A_734, %add3A_739 : vector<16xi32>
        %select_n3A_741 = arith.select %lt3A_737, %add3A_740, %broadcast_in_dim3A_734 : vector<16xi1>, vector<16xi32>
        %broadcast_in_dim3A_742 = vector.shape_cast %select_n3A_741 : vector<16xi32> to vector<16x1xi32>
        %gather3A_743 = vector.shape_cast %broadcast_in_dim3A_742 : vector<16x1xi32> to vector<16xi32>
        %gather3A_744 = tpu.dynamic_gather %get3A_732[%gather3A_743] in [0] : vector<16xi32>, vector<16xi32> -> vector<16xi32>
        %convert_element_type3A_745 = arith.sitofp %gather3A_744 : vector<16xi32> to vector<16xf32>
        %get3A_746 = arith.index_cast %add3A_671 : i32 to index
        %get3A_747 = tpu.vector_load %arg16[%get3A_746] {strides = array<i32>} : memref<10016xi32, #tpu.memory_space<vmem>>, vector<16xi32>,
        %broadcast_in_dim3A_748 = arith.constant 0 : i32
        %broadcast_in_dim3A_749 = vector.broadcast %broadcast_in_dim3A_748 : i32 to vector<16xi32>
        %lt3A_750 = arith.constant 0 : i32
        %lt3A_751 = vector.broadcast %lt3A_750 : i32 to vector<16xi32>
        %lt3A_752 = arith.cmpi slt, %broadcast_in_dim3A_749, %lt3A_751 : vector<16xi32>
        %add3A_753 = arith.constant 16 : i32
        %add3A_754 = vector.broadcast %add3A_753 : i32 to vector<16xi32>
        %add3A_755 = arith.addi %broadcast_in_dim3A_749, %add3A_754 : vector<16xi32>
        %select_n3A_756 = arith.select %lt3A_752, %add3A_755, %broadcast_in_dim3A_749 : vector<16xi1>, vector<16xi32>
        %broadcast_in_dim3A_757 = vector.shape_cast %select_n3A_756 : vector<16xi32> to vector<16x1xi32>
        %gather3A_758 = vector.shape_cast %broadcast_in_dim3A_757 : vector<16x1xi32> to vector<16xi32>
        %gather3A_759 = tpu.dynamic_gather %get3A_747[%gather3A_758] in [0] : vector<16xi32>, vector<16xi32> -> vector<16xi32>
        %convert_element_type3A_760 = arith.sitofp %gather3A_759 : vector<16xi32> to vector<16xf32>
        %mul3A_761 = arith.mulf %gather3A_688, %add3A_528 : vector<16xf32>
        %add3A_762 = arith.addf %sub3A_577, %mul3A_761 : vector<16xf32>
        %mul3A_763 = arith.mulf %gather3A_702, %add3A_536 : vector<16xf32>
        %mul3A_764 = arith.mulf %gather3A_716, %add3A_543 : vector<16xf32>
        %add3A_765 = arith.addf %mul3A_763, %mul3A_764 : vector<16xf32>
        %add3A_766 = arith.addf %add3A_762, %add3A_765 : vector<16xf32>
        %mul3A_767 = arith.mulf %gather3A_730, %get3A_434 : vector<16xf32>
        %mul3A_768 = arith.mulf %convert_element_type3A_760, %mul3A_549 : vector<16xf32>
        %add3A_769 = arith.addf %mul3A_767, %mul3A_768 : vector<16xf32>
        %mul3A_770 = arith.mulf %convert_element_type3A_745, %mul3A_561 : vector<16xf32>
        %add3A_771 = arith.addf %add3A_769, %mul3A_770 : vector<16xf32>
        %add3A_772 = arith.addf %add3A_766, %add3A_771 : vector<16xf32>
        %mul3A_773 = arith.mulf %gather3A_688, %add3A_530 : vector<16xf32>
        %add3A_774 = arith.addf %sub3A_584, %mul3A_773 : vector<16xf32>
        %mul3A_775 = arith.mulf %gather3A_702, %add3A_538 : vector<16xf32>
        %mul3A_776 = arith.mulf %gather3A_716, %add3A_544 : vector<16xf32>
        %add3A_777 = arith.addf %mul3A_775, %mul3A_776 : vector<16xf32>
        %add3A_778 = arith.addf %add3A_774, %add3A_777 : vector<16xf32>
        %mul3A_779 = arith.mulf %gather3A_730, %get3A_438 : vector<16xf32>
        %mul3A_780 = arith.mulf %convert_element_type3A_760, %mul3A_552 : vector<16xf32>
        %add3A_781 = arith.addf %mul3A_779, %mul3A_780 : vector<16xf32>
        %mul3A_782 = arith.mulf %convert_element_type3A_745, %mul3A_564 : vector<16xf32>
        %add3A_783 = arith.addf %add3A_781, %mul3A_782 : vector<16xf32>
        %add3A_784 = arith.addf %add3A_778, %add3A_783 : vector<16xf32>
        %mul3A_785 = arith.mulf %gather3A_688, %add3A_532 : vector<16xf32>
        %add3A_786 = arith.addf %sub3A_591, %mul3A_785 : vector<16xf32>
        %mul3A_787 = arith.mulf %gather3A_702, %add3A_540 : vector<16xf32>
        %mul3A_788 = arith.mulf %gather3A_716, %add3A_545 : vector<16xf32>
        %add3A_789 = arith.addf %mul3A_787, %mul3A_788 : vector<16xf32>
        %add3A_790 = arith.addf %add3A_786, %add3A_789 : vector<16xf32>
        %mul3A_791 = arith.mulf %gather3A_730, %get3A_442 : vector<16xf32>
        %mul3A_792 = arith.mulf %convert_element_type3A_760, %mul3A_555 : vector<16xf32>
        %add3A_793 = arith.addf %mul3A_791, %mul3A_792 : vector<16xf32>
        %mul3A_794 = arith.mulf %convert_element_type3A_745, %mul3A_567 : vector<16xf32>
        %add3A_795 = arith.addf %add3A_793, %mul3A_794 : vector<16xf32>
        %add3A_796 = arith.addf %add3A_790, %add3A_795 : vector<16xf32>
        %mul3A_797 = arith.mulf %gather3A_688, %add3A_534 : vector<16xf32>
        %add3A_798 = arith.addf %sub3A_598, %mul3A_797 : vector<16xf32>
        %mul3A_799 = arith.mulf %gather3A_702, %add3A_542 : vector<16xf32>
        %mul3A_800 = arith.mulf %gather3A_716, %add3A_546 : vector<16xf32>
        %add3A_801 = arith.addf %mul3A_799, %mul3A_800 : vector<16xf32>
        %add3A_802 = arith.addf %add3A_798, %add3A_801 : vector<16xf32>
        %mul3A_803 = arith.mulf %gather3A_730, %get3A_446 : vector<16xf32>
        %mul3A_804 = arith.mulf %convert_element_type3A_760, %mul3A_558 : vector<16xf32>
        %add3A_805 = arith.addf %mul3A_803, %mul3A_804 : vector<16xf32>
        %mul3A_806 = arith.mulf %convert_element_type3A_745, %mul3A_570 : vector<16xf32>
        %add3A_807 = arith.addf %add3A_805, %mul3A_806 : vector<16xf32>
        %add3A_808 = arith.addf %add3A_802, %add3A_807 : vector<16xf32>
        %ne3A = arith.cmpi ne, %squeeze3A_675, %while3A_661 : i32
        %ge3A = arith.constant 0 : i32
        %ge3A_809 = arith.cmpi sge, %while3A_661, %ge3A : i32
        %and3A = arith.andi %ne3A, %ge3A_809 : i1
        %rem3A_810 = arith.constant 16 : i32
        %rem3A_811 = arith.remsi %while3A_662, %rem3A_810 : i32
        %convert_element_type3A_812 = arith.extui %and3A : i1 to i32
        %cond3A_813 = arith.constant 0 : i32
        %cond3A_814 = arith.cmpi ne, %convert_element_type3A_812, %cond3A_813 : i32
        scf.if %cond3A_814 {
          %eq3A_836 = arith.constant 0 : i32
          %eq3A_837 = arith.cmpi eq, %rem3A_811, %eq3A_836 : i32
          %gt3A_838 = arith.constant 0 : i32
          %gt3A_839 = arith.cmpi sgt, %while3A_662, %gt3A_838 : i32
          %and3A_840 = arith.andi %eq3A_837, %gt3A_839 : i1
          %convert_element_type3A_841 = arith.extui %and3A_840 : i1 to i32
          %cond3A_842 = arith.constant 0 : i32
          %cond3A_843 = arith.cmpi ne, %convert_element_type3A_841, %cond3A_842 : i32
          scf.if %cond3A_843 {
            %scan3A_909 = arith.constant 0 : i32
            %scan3A_910 = arith.constant 0 : i32
            %scan3A_911 = arith.constant 16 : i32
            %scan3A_912 = arith.addi %scan3A_910, %scan3A_911 : i32
            %scan3A_913 = arith.constant 1 : i32
            %scan3A_914 = scf.for %scan3A_916 = %scan3A_910 to %scan3A_912 step %scan3A_913 iter_args(%scan3A_917 = %scan3A_909) -> (i32)  : i32 {
              %dma_wait3A = arith.constant 0 : i32
              %dma_wait3A_918 = tpu.memref_slice %arg22[%dma_wait3A] : memref<1024xf32, #tpu.memory_space<vmem>> -> memref<64xf32, #tpu.memory_space<vmem>>
              %dma_wait3A_919 = arith.constant 0 : i32
              %dma_wait3A_920 = tpu.memref_slice %arg10[%dma_wait3A_919] : memref<3200000xf32, #tpu.memory_space<hbm>> -> memref<64xf32, #tpu.memory_space<hbm>>
              %dma_wait3A_921 = arith.constant 0 : i32
              %dma_wait3A_922 = tpu.memref_slice %arg10[%dma_wait3A_921] : memref<3200000xf32, #tpu.memory_space<hbm>> -> memref<64xf32, #tpu.memory_space<hbm>>
              %dma_wait3A_923 = arith.constant 0 : i32
              %dma_wait3A_924 = tpu.memref_slice %arg22[%dma_wait3A_923] : memref<1024xf32, #tpu.memory_space<vmem>> -> memref<64xf32, #tpu.memory_space<vmem>>
              tpu.wait_dma2 semaphore(%arg25 : memref<!tpu.dma_semaphore, #tpu.memory_space<semaphore_mem>>) src(%dma_wait3A_924 : memref<64xf32, #tpu.memory_space<vmem>>) dst(%dma_wait3A_922 : memref<64xf32, #tpu.memory_space<hbm>>)
              %scan3A_925 = arith.constant 0 : i32
              scf.yield %scan3A_925 : i32
            }
            %scan3A_915 = arith.constant 16 : i32
          } else {
          }
          %mul3A_844 = arith.constant 64 : i32
          %mul3A_845 = arith.muli %rem3A_811, %mul3A_844 : i32
          %mul3A_846 = arith.mulf %while3A_664, %get3A_450 : vector<16xf32>
          %mul3A_847 = arith.mulf %while3A_665, %get3A_466 : vector<16xf32>
          %add3A_848 = arith.addf %mul3A_846, %mul3A_847 : vector<16xf32>
          %mul3A_849 = arith.mulf %while3A_666, %get3A_482 : vector<16xf32>
          %add3A_850 = arith.addf %add3A_848, %mul3A_849 : vector<16xf32>
          %div3A_851 = arith.divf %add3A_850, %while3A_663 : vector<16xf32>
          %sub3A_852 = arith.subf %while3A_667, %div3A_851 : vector<16xf32>
          %max3A_853 = arith.constant 0.000000e+00 : f32
          %max3A_854 = vector.broadcast %max3A_853 : f32 to vector<16xf32>
          %max3A_855 = arith.maximumf %sub3A_852, %max3A_854 : vector<16xf32>
          %add3A_856 = arith.constant 0 : i32
          %add3A_857 = arith.addi %mul3A_845, %add3A_856 : i32
          %swap3A_858 = arith.index_cast %add3A_857 : i32 to index
          %swap3A_859 = tpu.vector_load %arg22[%swap3A_858] {strides = array<i32>} : memref<1024xf32, #tpu.memory_space<vmem>>, vector<16xf32>,
          tpu.vector_store %arg22[%swap3A_858], %max3A_855 {strides = array<i32>} : memref<1024xf32, #tpu.memory_space<vmem>>, vector<16xf32>,
          %mul3A_860 = arith.mulf %while3A_664, %get3A_454 : vector<16xf32>
          %mul3A_861 = arith.mulf %while3A_665, %get3A_470 : vector<16xf32>
          %add3A_862 = arith.addf %mul3A_860, %mul3A_861 : vector<16xf32>
          %mul3A_863 = arith.mulf %while3A_666, %get3A_486 : vector<16xf32>
          %add3A_864 = arith.addf %add3A_862, %mul3A_863 : vector<16xf32>
          %div3A_865 = arith.divf %add3A_864, %while3A_663 : vector<16xf32>
          %sub3A_866 = arith.subf %while3A_668, %div3A_865 : vector<16xf32>
          %max3A_867 = arith.constant 0.000000e+00 : f32
          %max3A_868 = vector.broadcast %max3A_867 : f32 to vector<16xf32>
          %max3A_869 = arith.maximumf %sub3A_866, %max3A_868 : vector<16xf32>
          %add3A_870 = arith.constant 16 : i32
          %add3A_871 = arith.addi %mul3A_845, %add3A_870 : i32
          %swap3A_872 = arith.index_cast %add3A_871 : i32 to index
          %swap3A_873 = tpu.vector_load %arg22[%swap3A_872] {strides = array<i32>} : memref<1024xf32, #tpu.memory_space<vmem>>, vector<16xf32>,
          tpu.vector_store %arg22[%swap3A_872], %max3A_869 {strides = array<i32>} : memref<1024xf32, #tpu.memory_space<vmem>>, vector<16xf32>,
          %mul3A_874 = arith.mulf %while3A_664, %get3A_458 : vector<16xf32>
          %mul3A_875 = arith.mulf %while3A_665, %get3A_474 : vector<16xf32>
          %add3A_876 = arith.addf %mul3A_874, %mul3A_875 : vector<16xf32>
          %mul3A_877 = arith.mulf %while3A_666, %get3A_490 : vector<16xf32>
          %add3A_878 = arith.addf %add3A_876, %mul3A_877 : vector<16xf32>
          %div3A_879 = arith.divf %add3A_878, %while3A_663 : vector<16xf32>
          %sub3A_880 = arith.subf %while3A_669, %div3A_879 : vector<16xf32>
          %max3A_881 = arith.constant 0.000000e+00 : f32
          %max3A_882 = vector.broadcast %max3A_881 : f32 to vector<16xf32>
          %max3A_883 = arith.maximumf %sub3A_880, %max3A_882 : vector<16xf32>
          %add3A_884 = arith.constant 32 : i32
          %add3A_885 = arith.addi %mul3A_845, %add3A_884 : i32
          %swap3A_886 = arith.index_cast %add3A_885 : i32 to index
          %swap3A_887 = tpu.vector_load %arg22[%swap3A_886] {strides = array<i32>} : memref<1024xf32, #tpu.memory_space<vmem>>, vector<16xf32>,
          tpu.vector_store %arg22[%swap3A_886], %max3A_883 {strides = array<i32>} : memref<1024xf32, #tpu.memory_space<vmem>>, vector<16xf32>,
          %mul3A_888 = arith.mulf %while3A_664, %get3A_462 : vector<16xf32>
          %mul3A_889 = arith.mulf %while3A_665, %get3A_478 : vector<16xf32>
          %add3A_890 = arith.addf %mul3A_888, %mul3A_889 : vector<16xf32>
          %mul3A_891 = arith.mulf %while3A_666, %get3A_494 : vector<16xf32>
          %add3A_892 = arith.addf %add3A_890, %mul3A_891 : vector<16xf32>
          %div3A_893 = arith.divf %add3A_892, %while3A_663 : vector<16xf32>
          %sub3A_894 = arith.subf %while3A_670, %div3A_893 : vector<16xf32>
          %max3A_895 = arith.constant 0.000000e+00 : f32
          %max3A_896 = vector.broadcast %max3A_895 : f32 to vector<16xf32>
          %max3A_897 = arith.maximumf %sub3A_894, %max3A_896 : vector<16xf32>
          %add3A_898 = arith.constant 48 : i32
          %add3A_899 = arith.addi %mul3A_845, %add3A_898 : i32
          %swap3A_900 = arith.index_cast %add3A_899 : i32 to index
          %swap3A_901 = tpu.vector_load %arg22[%swap3A_900] {strides = array<i32>} : memref<1024xf32, #tpu.memory_space<vmem>>, vector<16xf32>,
          tpu.vector_store %arg22[%swap3A_900], %max3A_897 {strides = array<i32>} : memref<1024xf32, #tpu.memory_space<vmem>>, vector<16xf32>,
          %multiple_of3A_902 = tpu.assume_multiple %mul3A_845, 64 : i32
          %mul3A_903 = arith.constant 64 : i32
          %mul3A_904 = arith.muli %while3A_661, %mul3A_903 : i32
          %multiple_of3A_905 = tpu.assume_multiple %mul3A_904, 64 : i32
          %dma_start3A = tpu.memref_slice %arg22[%multiple_of3A_902] : memref<1024xf32, #tpu.memory_space<vmem>> -> memref<64xf32, #tpu.memory_space<vmem>>
          %dma_start3A_906 = tpu.memref_slice %arg10[%multiple_of3A_905] : memref<3200000xf32, #tpu.memory_space<hbm>> -> memref<64xf32, #tpu.memory_space<hbm>>
          %dma_start3A_907 = tpu.memref_slice %arg10[%multiple_of3A_905] : memref<3200000xf32, #tpu.memory_space<hbm>> -> memref<64xf32, #tpu.memory_space<hbm>>
          %dma_start3A_908 = tpu.memref_slice %arg22[%multiple_of3A_902] : memref<1024xf32, #tpu.memory_space<vmem>> -> memref<64xf32, #tpu.memory_space<vmem>>
          tpu.enqueue_dma source(%dma_start3A_908 : memref<64xf32, #tpu.memory_space<vmem>>) target(%dma_start3A_907 : memref<64xf32, #tpu.memory_space<hbm>>) target_semaphore(%arg25 : memref<!tpu.dma_semaphore, #tpu.memory_space<semaphore_mem>>)
        } else {
        }
        %add3A_815 = arith.constant 1 : i32
        %add3A_816 = arith.addi %while3A_662, %add3A_815 : i32
        %select_n3A_817 = arith.select %and3A, %add3A_816, %while3A_662 : i32
        %broadcast_in_dim3A_818 = arith.constant 1.000000e+00 : f32
        %broadcast_in_dim3A_819 = vector.broadcast %broadcast_in_dim3A_818 : f32 to vector<16xf32>
        %add3A_820 = arith.addf %while3A_663, %broadcast_in_dim3A_819 : vector<16xf32>
        %select_n3A_821 = arith.select %ne3A, %broadcast_in_dim3A_819, %add3A_820 : vector<16xf32>
        %add3A_822 = arith.addf %while3A_664, %gather3A_688 : vector<16xf32>
        %select_n3A_823 = arith.select %ne3A, %gather3A_688, %add3A_822 : vector<16xf32>
        %add3A_824 = arith.addf %while3A_665, %gather3A_702 : vector<16xf32>
        %select_n3A_825 = arith.select %ne3A, %gather3A_702, %add3A_824 : vector<16xf32>
        %add3A_826 = arith.addf %while3A_666, %gather3A_716 : vector<16xf32>
        %select_n3A_827 = arith.select %ne3A, %gather3A_716, %add3A_826 : vector<16xf32>
        %max3A_828 = arith.maximumf %while3A_667, %add3A_772 : vector<16xf32>
        %select_n3A_829 = arith.select %ne3A, %add3A_772, %max3A_828 : vector<16xf32>
        %max3A_830 = arith.maximumf %while3A_668, %add3A_784 : vector<16xf32>
        %select_n3A_831 = arith.select %ne3A, %add3A_784, %max3A_830 : vector<16xf32>
        %max3A_832 = arith.maximumf %while3A_669, %add3A_796 : vector<16xf32>
        %select_n3A_833 = arith.select %ne3A, %add3A_796, %max3A_832 : vector<16xf32>
        %max3A_834 = arith.maximumf %while3A_670, %add3A_808 : vector<16xf32>
        %select_n3A_835 = arith.select %ne3A, %add3A_808, %max3A_834 : vector<16xf32>
        scf.yield %squeeze3A_675, %select_n3A_817, %select_n3A_821, %select_n3A_823, %select_n3A_825, %select_n3A_827, %select_n3A_829, %select_n3A_831, %select_n3A_833, %select_n3A_835 : i32, i32, vector<16xf32>, vector<16xf32>, vector<16xf32>, vector<16xf32>, vector<16xf32>, vector<16xf32>, vector<16xf32>, vector<16xf32>
      }
      %while3A_657 = arith.constant 1 : i32
      %while3A_658:10 = scf.for %while3A_660 = %while3A_654 to %while3A_650 step %while3A_657 iter_args(%while3A_661 = %while3A_656#0, %while3A_662 = %while3A_656#1, %while3A_663 = %while3A_656#2, %while3A_664 = %while3A_656#3, %while3A_665 = %while3A_656#4, %while3A_666 = %while3A_656#5, %while3A_667 = %while3A_656#6, %while3A_668 = %while3A_656#7, %while3A_669 = %while3A_656#8, %while3A_670 = %while3A_656#9) -> (i32, i32, vector<16xf32>, vector<16xf32>, vector<16xf32>, vector<16xf32>, vector<16xf32>, vector<16xf32>, vector<16xf32>, vector<16xf32>)  : i32 {
        %add3A_671 = arith.addi %sub3A_647, %while3A_660 : i32
        %get3A_672 = arith.index_cast %add3A_671 : i32 to index
        %get3A_673 = tpu.vector_load %arg17[%get3A_672] {strides = array<i32>} : memref<10032xi32, #tpu.memory_space<vmem>>, vector<16xi32>,
        %slice3A_674 = vector.extract_strided_slice %get3A_673 {offsets = [0], sizes = [1], strides = [1]} : vector<16xi32> to vector<1xi32>
        %squeeze3A_675 = vector.extract %slice3A_674[0] : i32 from vector<1xi32>
        %get3A_676 = arith.index_cast %add3A_671 : i32 to index
        %get3A_677 = tpu.vector_load %arg11[%get3A_676] {strides = array<i32>} : memref<10016xf32, #tpu.memory_space<vmem>>, vector<16xf32>,
        %broadcast_in_dim3A_678 = arith.constant 0 : i32
        %broadcast_in_dim3A_679 = vector.broadcast %broadcast_in_dim3A_678 : i32 to vector<16xi32>
        %lt3A_680 = arith.constant 0 : i32
        %lt3A_681 = vector.broadcast %lt3A_680 : i32 to vector<16xi32>
        %lt3A_682 = arith.cmpi slt, %broadcast_in_dim3A_679, %lt3A_681 : vector<16xi32>
        %add3A_683 = arith.constant 16 : i32
        %add3A_684 = vector.broadcast %add3A_683 : i32 to vector<16xi32>
        %add3A_685 = arith.addi %broadcast_in_dim3A_679, %add3A_684 : vector<16xi32>
        %select_n3A_686 = arith.select %lt3A_682, %add3A_685, %broadcast_in_dim3A_679 : vector<16xi1>, vector<16xi32>
        %broadcast_in_dim3A_687 = vector.shape_cast %select_n3A_686 : vector<16xi32> to vector<16x1xi32>
        %gather3A = vector.shape_cast %broadcast_in_dim3A_687 : vector<16x1xi32> to vector<16xi32>
        %gather3A_688 = tpu.dynamic_gather %get3A_677[%gather3A] in [0] : vector<16xf32>, vector<16xi32> -> vector<16xf32>
        %get3A_689 = arith.index_cast %add3A_671 : i32 to index
        %get3A_690 = tpu.vector_load %arg12[%get3A_689] {strides = array<i32>} : memref<10016xf32, #tpu.memory_space<vmem>>, vector<16xf32>,
        %broadcast_in_dim3A_691 = arith.constant 0 : i32
        %broadcast_in_dim3A_692 = vector.broadcast %broadcast_in_dim3A_691 : i32 to vector<16xi32>
        %lt3A_693 = arith.constant 0 : i32
        %lt3A_694 = vector.broadcast %lt3A_693 : i32 to vector<16xi32>
        %lt3A_695 = arith.cmpi slt, %broadcast_in_dim3A_692, %lt3A_694 : vector<16xi32>
        %add3A_696 = arith.constant 16 : i32
        %add3A_697 = vector.broadcast %add3A_696 : i32 to vector<16xi32>
        %add3A_698 = arith.addi %broadcast_in_dim3A_692, %add3A_697 : vector<16xi32>
        %select_n3A_699 = arith.select %lt3A_695, %add3A_698, %broadcast_in_dim3A_692 : vector<16xi1>, vector<16xi32>
        %broadcast_in_dim3A_700 = vector.shape_cast %select_n3A_699 : vector<16xi32> to vector<16x1xi32>
        %gather3A_701 = vector.shape_cast %broadcast_in_dim3A_700 : vector<16x1xi32> to vector<16xi32>
        %gather3A_702 = tpu.dynamic_gather %get3A_690[%gather3A_701] in [0] : vector<16xf32>, vector<16xi32> -> vector<16xf32>
        %get3A_703 = arith.index_cast %add3A_671 : i32 to index
        %get3A_704 = tpu.vector_load %arg13[%get3A_703] {strides = array<i32>} : memref<10016xf32, #tpu.memory_space<vmem>>, vector<16xf32>,
        %broadcast_in_dim3A_705 = arith.constant 0 : i32
        %broadcast_in_dim3A_706 = vector.broadcast %broadcast_in_dim3A_705 : i32 to vector<16xi32>
        %lt3A_707 = arith.constant 0 : i32
        %lt3A_708 = vector.broadcast %lt3A_707 : i32 to vector<16xi32>
        %lt3A_709 = arith.cmpi slt, %broadcast_in_dim3A_706, %lt3A_708 : vector<16xi32>
        %add3A_710 = arith.constant 16 : i32
        %add3A_711 = vector.broadcast %add3A_710 : i32 to vector<16xi32>
        %add3A_712 = arith.addi %broadcast_in_dim3A_706, %add3A_711 : vector<16xi32>
        %select_n3A_713 = arith.select %lt3A_709, %add3A_712, %broadcast_in_dim3A_706 : vector<16xi1>, vector<16xi32>
        %broadcast_in_dim3A_714 = vector.shape_cast %select_n3A_713 : vector<16xi32> to vector<16x1xi32>
        %gather3A_715 = vector.shape_cast %broadcast_in_dim3A_714 : vector<16x1xi32> to vector<16xi32>
        %gather3A_716 = tpu.dynamic_gather %get3A_704[%gather3A_715] in [0] : vector<16xf32>, vector<16xi32> -> vector<16xf32>
        %get3A_717 = arith.index_cast %add3A_671 : i32 to index
        %get3A_718 = tpu.vector_load %arg14[%get3A_717] {strides = array<i32>} : memref<10016xf32, #tpu.memory_space<vmem>>, vector<16xf32>,
        %broadcast_in_dim3A_719 = arith.constant 0 : i32
        %broadcast_in_dim3A_720 = vector.broadcast %broadcast_in_dim3A_719 : i32 to vector<16xi32>
        %lt3A_721 = arith.constant 0 : i32
        %lt3A_722 = vector.broadcast %lt3A_721 : i32 to vector<16xi32>
        %lt3A_723 = arith.cmpi slt, %broadcast_in_dim3A_720, %lt3A_722 : vector<16xi32>
        %add3A_724 = arith.constant 16 : i32
        %add3A_725 = vector.broadcast %add3A_724 : i32 to vector<16xi32>
        %add3A_726 = arith.addi %broadcast_in_dim3A_720, %add3A_725 : vector<16xi32>
        %select_n3A_727 = arith.select %lt3A_723, %add3A_726, %broadcast_in_dim3A_720 : vector<16xi1>, vector<16xi32>
        %broadcast_in_dim3A_728 = vector.shape_cast %select_n3A_727 : vector<16xi32> to vector<16x1xi32>
        %gather3A_729 = vector.shape_cast %broadcast_in_dim3A_728 : vector<16x1xi32> to vector<16xi32>
        %gather3A_730 = tpu.dynamic_gather %get3A_718[%gather3A_729] in [0] : vector<16xf32>, vector<16xi32> -> vector<16xf32>
        %get3A_731 = arith.index_cast %add3A_671 : i32 to index
        %get3A_732 = tpu.vector_load %arg15[%get3A_731] {strides = array<i32>} : memref<10016xi32, #tpu.memory_space<vmem>>, vector<16xi32>,
        %broadcast_in_dim3A_733 = arith.constant 0 : i32
        %broadcast_in_dim3A_734 = vector.broadcast %broadcast_in_dim3A_733 : i32 to vector<16xi32>
        %lt3A_735 = arith.constant 0 : i32
        %lt3A_736 = vector.broadcast %lt3A_735 : i32 to vector<16xi32>
        %lt3A_737 = arith.cmpi slt, %broadcast_in_dim3A_734, %lt3A_736 : vector<16xi32>
        %add3A_738 = arith.constant 16 : i32
        %add3A_739 = vector.broadcast %add3A_738 : i32 to vector<16xi32>
        %add3A_740 = arith.addi %broadcast_in_dim3A_734, %add3A_739 : vector<16xi32>
        %select_n3A_741 = arith.select %lt3A_737, %add3A_740, %broadcast_in_dim3A_734 : vector<16xi1>, vector<16xi32>
        %broadcast_in_dim3A_742 = vector.shape_cast %select_n3A_741 : vector<16xi32> to vector<16x1xi32>
        %gather3A_743 = vector.shape_cast %broadcast_in_dim3A_742 : vector<16x1xi32> to vector<16xi32>
        %gather3A_744 = tpu.dynamic_gather %get3A_732[%gather3A_743] in [0] : vector<16xi32>, vector<16xi32> -> vector<16xi32>
        %convert_element_type3A_745 = arith.sitofp %gather3A_744 : vector<16xi32> to vector<16xf32>
        %get3A_746 = arith.index_cast %add3A_671 : i32 to index
        %get3A_747 = tpu.vector_load %arg16[%get3A_746] {strides = array<i32>} : memref<10016xi32, #tpu.memory_space<vmem>>, vector<16xi32>,
        %broadcast_in_dim3A_748 = arith.constant 0 : i32
        %broadcast_in_dim3A_749 = vector.broadcast %broadcast_in_dim3A_748 : i32 to vector<16xi32>
        %lt3A_750 = arith.constant 0 : i32
        %lt3A_751 = vector.broadcast %lt3A_750 : i32 to vector<16xi32>
        %lt3A_752 = arith.cmpi slt, %broadcast_in_dim3A_749, %lt3A_751 : vector<16xi32>
        %add3A_753 = arith.constant 16 : i32
        %add3A_754 = vector.broadcast %add3A_753 : i32 to vector<16xi32>
        %add3A_755 = arith.addi %broadcast_in_dim3A_749, %add3A_754 : vector<16xi32>
        %select_n3A_756 = arith.select %lt3A_752, %add3A_755, %broadcast_in_dim3A_749 : vector<16xi1>, vector<16xi32>
        %broadcast_in_dim3A_757 = vector.shape_cast %select_n3A_756 : vector<16xi32> to vector<16x1xi32>
        %gather3A_758 = vector.shape_cast %broadcast_in_dim3A_757 : vector<16x1xi32> to vector<16xi32>
        %gather3A_759 = tpu.dynamic_gather %get3A_747[%gather3A_758] in [0] : vector<16xi32>, vector<16xi32> -> vector<16xi32>
        %convert_element_type3A_760 = arith.sitofp %gather3A_759 : vector<16xi32> to vector<16xf32>
        %mul3A_761 = arith.mulf %gather3A_688, %add3A_528 : vector<16xf32>
        %add3A_762 = arith.addf %sub3A_577, %mul3A_761 : vector<16xf32>
        %mul3A_763 = arith.mulf %gather3A_702, %add3A_536 : vector<16xf32>
        %mul3A_764 = arith.mulf %gather3A_716, %add3A_543 : vector<16xf32>
        %add3A_765 = arith.addf %mul3A_763, %mul3A_764 : vector<16xf32>
        %add3A_766 = arith.addf %add3A_762, %add3A_765 : vector<16xf32>
        %mul3A_767 = arith.mulf %gather3A_730, %get3A_434 : vector<16xf32>
        %mul3A_768 = arith.mulf %convert_element_type3A_760, %mul3A_549 : vector<16xf32>
        %add3A_769 = arith.addf %mul3A_767, %mul3A_768 : vector<16xf32>
        %mul3A_770 = arith.mulf %convert_element_type3A_745, %mul3A_561 : vector<16xf32>
        %add3A_771 = arith.addf %add3A_769, %mul3A_770 : vector<16xf32>
        %add3A_772 = arith.addf %add3A_766, %add3A_771 : vector<16xf32>
        %mul3A_773 = arith.mulf %gather3A_688, %add3A_530 : vector<16xf32>
        %add3A_774 = arith.addf %sub3A_584, %mul3A_773 : vector<16xf32>
        %mul3A_775 = arith.mulf %gather3A_702, %add3A_538 : vector<16xf32>
        %mul3A_776 = arith.mulf %gather3A_716, %add3A_544 : vector<16xf32>
        %add3A_777 = arith.addf %mul3A_775, %mul3A_776 : vector<16xf32>
        %add3A_778 = arith.addf %add3A_774, %add3A_777 : vector<16xf32>
        %mul3A_779 = arith.mulf %gather3A_730, %get3A_438 : vector<16xf32>
        %mul3A_780 = arith.mulf %convert_element_type3A_760, %mul3A_552 : vector<16xf32>
        %add3A_781 = arith.addf %mul3A_779, %mul3A_780 : vector<16xf32>
        %mul3A_782 = arith.mulf %convert_element_type3A_745, %mul3A_564 : vector<16xf32>
        %add3A_783 = arith.addf %add3A_781, %mul3A_782 : vector<16xf32>
        %add3A_784 = arith.addf %add3A_778, %add3A_783 : vector<16xf32>
        %mul3A_785 = arith.mulf %gather3A_688, %add3A_532 : vector<16xf32>
        %add3A_786 = arith.addf %sub3A_591, %mul3A_785 : vector<16xf32>
        %mul3A_787 = arith.mulf %gather3A_702, %add3A_540 : vector<16xf32>
        %mul3A_788 = arith.mulf %gather3A_716, %add3A_545 : vector<16xf32>
        %add3A_789 = arith.addf %mul3A_787, %mul3A_788 : vector<16xf32>
        %add3A_790 = arith.addf %add3A_786, %add3A_789 : vector<16xf32>
        %mul3A_791 = arith.mulf %gather3A_730, %get3A_442 : vector<16xf32>
        %mul3A_792 = arith.mulf %convert_element_type3A_760, %mul3A_555 : vector<16xf32>
        %add3A_793 = arith.addf %mul3A_791, %mul3A_792 : vector<16xf32>
        %mul3A_794 = arith.mulf %convert_element_type3A_745, %mul3A_567 : vector<16xf32>
        %add3A_795 = arith.addf %add3A_793, %mul3A_794 : vector<16xf32>
        %add3A_796 = arith.addf %add3A_790, %add3A_795 : vector<16xf32>
        %mul3A_797 = arith.mulf %gather3A_688, %add3A_534 : vector<16xf32>
        %add3A_798 = arith.addf %sub3A_598, %mul3A_797 : vector<16xf32>
        %mul3A_799 = arith.mulf %gather3A_702, %add3A_542 : vector<16xf32>
        %mul3A_800 = arith.mulf %gather3A_716, %add3A_546 : vector<16xf32>
        %add3A_801 = arith.addf %mul3A_799, %mul3A_800 : vector<16xf32>
        %add3A_802 = arith.addf %add3A_798, %add3A_801 : vector<16xf32>
        %mul3A_803 = arith.mulf %gather3A_730, %get3A_446 : vector<16xf32>
        %mul3A_804 = arith.mulf %convert_element_type3A_760, %mul3A_558 : vector<16xf32>
        %add3A_805 = arith.addf %mul3A_803, %mul3A_804 : vector<16xf32>
        %mul3A_806 = arith.mulf %convert_element_type3A_745, %mul3A_570 : vector<16xf32>
        %add3A_807 = arith.addf %add3A_805, %mul3A_806 : vector<16xf32>
        %add3A_808 = arith.addf %add3A_802, %add3A_807 : vector<16xf32>
        %ne3A = arith.cmpi ne, %squeeze3A_675, %while3A_661 : i32
        %ge3A = arith.constant 0 : i32
        %ge3A_809 = arith.cmpi sge, %while3A_661, %ge3A : i32
        %and3A = arith.andi %ne3A, %ge3A_809 : i1
        %rem3A_810 = arith.constant 16 : i32
        %rem3A_811 = arith.remsi %while3A_662, %rem3A_810 : i32
        %convert_element_type3A_812 = arith.extui %and3A : i1 to i32
        %cond3A_813 = arith.constant 0 : i32
        %cond3A_814 = arith.cmpi ne, %convert_element_type3A_812, %cond3A_813 : i32
        scf.if %cond3A_814 {
          %eq3A_836 = arith.constant 0 : i32
          %eq3A_837 = arith.cmpi eq, %rem3A_811, %eq3A_836 : i32
          %gt3A_838 = arith.constant 0 : i32
          %gt3A_839 = arith.cmpi sgt, %while3A_662, %gt3A_838 : i32
          %and3A_840 = arith.andi %eq3A_837, %gt3A_839 : i1
          %convert_element_type3A_841 = arith.extui %and3A_840 : i1 to i32
          %cond3A_842 = arith.constant 0 : i32
          %cond3A_843 = arith.cmpi ne, %convert_element_type3A_841, %cond3A_842 : i32
          scf.if %cond3A_843 {
            %scan3A_909 = arith.constant 0 : i32
            %scan3A_910 = arith.constant 0 : i32
            %scan3A_911 = arith.constant 16 : i32
            %scan3A_912 = arith.addi %scan3A_910, %scan3A_911 : i32
            %scan3A_913 = arith.constant 1 : i32
            %scan3A_914 = scf.for %scan3A_916 = %scan3A_910 to %scan3A_912 step %scan3A_913 iter_args(%scan3A_917 = %scan3A_909) -> (i32)  : i32 {
              %dma_wait3A = arith.constant 0 : i32
              %dma_wait3A_918 = tpu.memref_slice %arg22[%dma_wait3A] : memref<1024xf32, #tpu.memory_space<vmem>> -> memref<64xf32, #tpu.memory_space<vmem>>
              %dma_wait3A_919 = arith.constant 0 : i32
              %dma_wait3A_920 = tpu.memref_slice %arg10[%dma_wait3A_919] : memref<3200000xf32, #tpu.memory_space<hbm>> -> memref<64xf32, #tpu.memory_space<hbm>>
              %dma_wait3A_921 = arith.constant 0 : i32
              %dma_wait3A_922 = tpu.memref_slice %arg10[%dma_wait3A_921] : memref<3200000xf32, #tpu.memory_space<hbm>> -> memref<64xf32, #tpu.memory_space<hbm>>
              %dma_wait3A_923 = arith.constant 0 : i32
              %dma_wait3A_924 = tpu.memref_slice %arg22[%dma_wait3A_923] : memref<1024xf32, #tpu.memory_space<vmem>> -> memref<64xf32, #tpu.memory_space<vmem>>
              tpu.wait_dma2 semaphore(%arg25 : memref<!tpu.dma_semaphore, #tpu.memory_space<semaphore_mem>>) src(%dma_wait3A_924 : memref<64xf32, #tpu.memory_space<vmem>>) dst(%dma_wait3A_922 : memref<64xf32, #tpu.memory_space<hbm>>)
              %scan3A_925 = arith.constant 0 : i32
              scf.yield %scan3A_925 : i32
            }
            %scan3A_915 = arith.constant 16 : i32
          } else {
          }
          %mul3A_844 = arith.constant 64 : i32
          %mul3A_845 = arith.muli %rem3A_811, %mul3A_844 : i32
          %mul3A_846 = arith.mulf %while3A_664, %get3A_450 : vector<16xf32>
          %mul3A_847 = arith.mulf %while3A_665, %get3A_466 : vector<16xf32>
          %add3A_848 = arith.addf %mul3A_846, %mul3A_847 : vector<16xf32>
          %mul3A_849 = arith.mulf %while3A_666, %get3A_482 : vector<16xf32>
          %add3A_850 = arith.addf %add3A_848, %mul3A_849 : vector<16xf32>
          %div3A_851 = arith.divf %add3A_850, %while3A_663 : vector<16xf32>
          %sub3A_852 = arith.subf %while3A_667, %div3A_851 : vector<16xf32>
          %max3A_853 = arith.constant 0.000000e+00 : f32
          %max3A_854 = vector.broadcast %max3A_853 : f32 to vector<16xf32>
          %max3A_855 = arith.maximumf %sub3A_852, %max3A_854 : vector<16xf32>
          %add3A_856 = arith.constant 0 : i32
          %add3A_857 = arith.addi %mul3A_845, %add3A_856 : i32
          %swap3A_858 = arith.index_cast %add3A_857 : i32 to index
          %swap3A_859 = tpu.vector_load %arg22[%swap3A_858] {strides = array<i32>} : memref<1024xf32, #tpu.memory_space<vmem>>, vector<16xf32>,
          tpu.vector_store %arg22[%swap3A_858], %max3A_855 {strides = array<i32>} : memref<1024xf32, #tpu.memory_space<vmem>>, vector<16xf32>,
          %mul3A_860 = arith.mulf %while3A_664, %get3A_454 : vector<16xf32>
          %mul3A_861 = arith.mulf %while3A_665, %get3A_470 : vector<16xf32>
          %add3A_862 = arith.addf %mul3A_860, %mul3A_861 : vector<16xf32>
          %mul3A_863 = arith.mulf %while3A_666, %get3A_486 : vector<16xf32>
          %add3A_864 = arith.addf %add3A_862, %mul3A_863 : vector<16xf32>
          %div3A_865 = arith.divf %add3A_864, %while3A_663 : vector<16xf32>
          %sub3A_866 = arith.subf %while3A_668, %div3A_865 : vector<16xf32>
          %max3A_867 = arith.constant 0.000000e+00 : f32
          %max3A_868 = vector.broadcast %max3A_867 : f32 to vector<16xf32>
          %max3A_869 = arith.maximumf %sub3A_866, %max3A_868 : vector<16xf32>
          %add3A_870 = arith.constant 16 : i32
          %add3A_871 = arith.addi %mul3A_845, %add3A_870 : i32
          %swap3A_872 = arith.index_cast %add3A_871 : i32 to index
          %swap3A_873 = tpu.vector_load %arg22[%swap3A_872] {strides = array<i32>} : memref<1024xf32, #tpu.memory_space<vmem>>, vector<16xf32>,
          tpu.vector_store %arg22[%swap3A_872], %max3A_869 {strides = array<i32>} : memref<1024xf32, #tpu.memory_space<vmem>>, vector<16xf32>,
          %mul3A_874 = arith.mulf %while3A_664, %get3A_458 : vector<16xf32>
          %mul3A_875 = arith.mulf %while3A_665, %get3A_474 : vector<16xf32>
          %add3A_876 = arith.addf %mul3A_874, %mul3A_875 : vector<16xf32>
          %mul3A_877 = arith.mulf %while3A_666, %get3A_490 : vector<16xf32>
          %add3A_878 = arith.addf %add3A_876, %mul3A_877 : vector<16xf32>
          %div3A_879 = arith.divf %add3A_878, %while3A_663 : vector<16xf32>
          %sub3A_880 = arith.subf %while3A_669, %div3A_879 : vector<16xf32>
          %max3A_881 = arith.constant 0.000000e+00 : f32
          %max3A_882 = vector.broadcast %max3A_881 : f32 to vector<16xf32>
          %max3A_883 = arith.maximumf %sub3A_880, %max3A_882 : vector<16xf32>
          %add3A_884 = arith.constant 32 : i32
          %add3A_885 = arith.addi %mul3A_845, %add3A_884 : i32
          %swap3A_886 = arith.index_cast %add3A_885 : i32 to index
          %swap3A_887 = tpu.vector_load %arg22[%swap3A_886] {strides = array<i32>} : memref<1024xf32, #tpu.memory_space<vmem>>, vector<16xf32>,
          tpu.vector_store %arg22[%swap3A_886], %max3A_883 {strides = array<i32>} : memref<1024xf32, #tpu.memory_space<vmem>>, vector<16xf32>,
          %mul3A_888 = arith.mulf %while3A_664, %get3A_462 : vector<16xf32>
          %mul3A_889 = arith.mulf %while3A_665, %get3A_478 : vector<16xf32>
          %add3A_890 = arith.addf %mul3A_888, %mul3A_889 : vector<16xf32>
          %mul3A_891 = arith.mulf %while3A_666, %get3A_494 : vector<16xf32>
          %add3A_892 = arith.addf %add3A_890, %mul3A_891 : vector<16xf32>
          %div3A_893 = arith.divf %add3A_892, %while3A_663 : vector<16xf32>
          %sub3A_894 = arith.subf %while3A_670, %div3A_893 : vector<16xf32>
          %max3A_895 = arith.constant 0.000000e+00 : f32
          %max3A_896 = vector.broadcast %max3A_895 : f32 to vector<16xf32>
          %max3A_897 = arith.maximumf %sub3A_894, %max3A_896 : vector<16xf32>
          %add3A_898 = arith.constant 48 : i32
          %add3A_899 = arith.addi %mul3A_845, %add3A_898 : i32
          %swap3A_900 = arith.index_cast %add3A_899 : i32 to index
          %swap3A_901 = tpu.vector_load %arg22[%swap3A_900] {strides = array<i32>} : memref<1024xf32, #tpu.memory_space<vmem>>, vector<16xf32>,
          tpu.vector_store %arg22[%swap3A_900], %max3A_897 {strides = array<i32>} : memref<1024xf32, #tpu.memory_space<vmem>>, vector<16xf32>,
          %multiple_of3A_902 = tpu.assume_multiple %mul3A_845, 64 : i32
          %mul3A_903 = arith.constant 64 : i32
          %mul3A_904 = arith.muli %while3A_661, %mul3A_903 : i32
          %multiple_of3A_905 = tpu.assume_multiple %mul3A_904, 64 : i32
          %dma_start3A = tpu.memref_slice %arg22[%multiple_of3A_902] : memref<1024xf32, #tpu.memory_space<vmem>> -> memref<64xf32, #tpu.memory_space<vmem>>
          %dma_start3A_906 = tpu.memref_slice %arg10[%multiple_of3A_905] : memref<3200000xf32, #tpu.memory_space<hbm>> -> memref<64xf32, #tpu.memory_space<hbm>>
          %dma_start3A_907 = tpu.memref_slice %arg10[%multiple_of3A_905] : memref<3200000xf32, #tpu.memory_space<hbm>> -> memref<64xf32, #tpu.memory_space<hbm>>
          %dma_start3A_908 = tpu.memref_slice %arg22[%multiple_of3A_902] : memref<1024xf32, #tpu.memory_space<vmem>> -> memref<64xf32, #tpu.memory_space<vmem>>
          tpu.enqueue_dma source(%dma_start3A_908 : memref<64xf32, #tpu.memory_space<vmem>>) target(%dma_start3A_907 : memref<64xf32, #tpu.memory_space<hbm>>) target_semaphore(%arg25 : memref<!tpu.dma_semaphore, #tpu.memory_space<semaphore_mem>>)
        } else {
        }
        %add3A_815 = arith.constant 1 : i32
        %add3A_816 = arith.addi %while3A_662, %add3A_815 : i32
        %select_n3A_817 = arith.select %and3A, %add3A_816, %while3A_662 : i32
        %broadcast_in_dim3A_818 = arith.constant 1.000000e+00 : f32
        %broadcast_in_dim3A_819 = vector.broadcast %broadcast_in_dim3A_818 : f32 to vector<16xf32>
        %add3A_820 = arith.addf %while3A_663, %broadcast_in_dim3A_819 : vector<16xf32>
        %select_n3A_821 = arith.select %ne3A, %broadcast_in_dim3A_819, %add3A_820 : vector<16xf32>
        %add3A_822 = arith.addf %while3A_664, %gather3A_688 : vector<16xf32>
        %select_n3A_823 = arith.select %ne3A, %gather3A_688, %add3A_822 : vector<16xf32>
        %add3A_824 = arith.addf %while3A_665, %gather3A_702 : vector<16xf32>
        %select_n3A_825 = arith.select %ne3A, %gather3A_702, %add3A_824 : vector<16xf32>
        %add3A_826 = arith.addf %while3A_666, %gather3A_716 : vector<16xf32>
        %select_n3A_827 = arith.select %ne3A, %gather3A_716, %add3A_826 : vector<16xf32>
        %max3A_828 = arith.maximumf %while3A_667, %add3A_772 : vector<16xf32>
        %select_n3A_829 = arith.select %ne3A, %add3A_772, %max3A_828 : vector<16xf32>
        %max3A_830 = arith.maximumf %while3A_668, %add3A_784 : vector<16xf32>
        %select_n3A_831 = arith.select %ne3A, %add3A_784, %max3A_830 : vector<16xf32>
        %max3A_832 = arith.maximumf %while3A_669, %add3A_796 : vector<16xf32>
        %select_n3A_833 = arith.select %ne3A, %add3A_796, %max3A_832 : vector<16xf32>
        %max3A_834 = arith.maximumf %while3A_670, %add3A_808 : vector<16xf32>
        %select_n3A_835 = arith.select %ne3A, %add3A_808, %max3A_834 : vector<16xf32>
        scf.yield %squeeze3A_675, %select_n3A_817, %select_n3A_821, %select_n3A_823, %select_n3A_825, %select_n3A_827, %select_n3A_829, %select_n3A_831, %select_n3A_833, %select_n3A_835 : i32, i32, vector<16xf32>, vector<16xf32>, vector<16xf32>, vector<16xf32>, vector<16xf32>, vector<16xf32>, vector<16xf32>, vector<16xf32>
      }
      %add3A_659 = arith.addi %while3A_626, %max3A_646 : i32
      scf.yield %add3A_659, %while3A_658#0, %while3A_658#1, %while3A_658#2, %while3A_658#3, %while3A_658#4, %while3A_658#5, %while3A_658#6, %while3A_658#7, %while3A_658#8, %while3A_658#9 : i32, i32, i32, vector<16xf32>, vector<16xf32>, vector<16xf32>, vector<16xf32>, vector<16xf32>, vector<16xf32>, vector<16xf32>, vector<16xf32>
    }
    %gt3A_621 = arith.cmpi sgt, %select_n3A_382, %select_n3A_353 : i32
    %convert_element_type3A_622 = arith.extui %gt3A_621 : i1 to i32
    %cond3A_623 = arith.constant 0 : i32
    %cond3A_624 = arith.cmpi ne, %convert_element_type3A_622, %cond3A_623 : i32
    scf.if %cond3A_624 {
      %rem3A = arith.constant 16 : i32
      %rem3A_625 = arith.remsi %while3A_620#2, %rem3A : i32
      %eq3A_626 = arith.constant 0 : i32
      %eq3A_627 = arith.cmpi eq, %rem3A_625, %eq3A_626 : i32
      %gt3A_628 = arith.constant 0 : i32
      %gt3A_629 = arith.cmpi sgt, %while3A_620#2, %gt3A_628 : i32
      %and3A = arith.andi %eq3A_627, %gt3A_629 : i1
      %convert_element_type3A_630 = arith.extui %and3A : i1 to i32
      %cond3A_631 = arith.constant 0 : i32
      %cond3A_632 = arith.cmpi ne, %convert_element_type3A_630, %cond3A_631 : i32
      scf.if %cond3A_632 {
        %scan3A_714 = arith.constant 0 : i32
        %scan3A_715 = arith.constant 0 : i32
        %scan3A_716 = arith.constant 16 : i32
        %scan3A_717 = arith.addi %scan3A_715, %scan3A_716 : i32
        %scan3A_718 = arith.constant 1 : i32
        %scan3A_719 = scf.for %scan3A_721 = %scan3A_715 to %scan3A_717 step %scan3A_718 iter_args(%scan3A_722 = %scan3A_714) -> (i32)  : i32 {
          %dma_wait3A = arith.constant 0 : i32
          %dma_wait3A_723 = tpu.memref_slice %arg22[%dma_wait3A] : memref<1024xf32, #tpu.memory_space<vmem>> -> memref<64xf32, #tpu.memory_space<vmem>>
          %dma_wait3A_724 = arith.constant 0 : i32
          %dma_wait3A_725 = tpu.memref_slice %arg10[%dma_wait3A_724] : memref<3200000xf32, #tpu.memory_space<hbm>> -> memref<64xf32, #tpu.memory_space<hbm>>
          %dma_wait3A_726 = arith.constant 0 : i32
          %dma_wait3A_727 = tpu.memref_slice %arg10[%dma_wait3A_726] : memref<3200000xf32, #tpu.memory_space<hbm>> -> memref<64xf32, #tpu.memory_space<hbm>>
          %dma_wait3A_728 = arith.constant 0 : i32
          %dma_wait3A_729 = tpu.memref_slice %arg22[%dma_wait3A_728] : memref<1024xf32, #tpu.memory_space<vmem>> -> memref<64xf32, #tpu.memory_space<vmem>>
          tpu.wait_dma2 semaphore(%arg25 : memref<!tpu.dma_semaphore, #tpu.memory_space<semaphore_mem>>) src(%dma_wait3A_729 : memref<64xf32, #tpu.memory_space<vmem>>) dst(%dma_wait3A_727 : memref<64xf32, #tpu.memory_space<hbm>>)
          %scan3A_730 = arith.constant 0 : i32
          scf.yield %scan3A_730 : i32
        }
        %scan3A_720 = arith.constant 16 : i32
      } else {
      }
      %mul3A_633 = arith.constant 64 : i32
      %mul3A_634 = arith.muli %rem3A_625, %mul3A_633 : i32
      %mul3A_635 = arith.mulf %while3A_620#4, %get3A_450 : vector<16xf32>
      %mul3A_636 = arith.mulf %while3A_620#5, %get3A_466 : vector<16xf32>
      %add3A_637 = arith.addf %mul3A_635, %mul3A_636 : vector<16xf32>
      %mul3A_638 = arith.mulf %while3A_620#6, %get3A_482 : vector<16xf32>
      %add3A_639 = arith.addf %add3A_637, %mul3A_638 : vector<16xf32>
      %div3A_640 = arith.divf %add3A_639, %while3A_620#3 : vector<16xf32>
      %sub3A_641 = arith.subf %while3A_620#7, %div3A_640 : vector<16xf32>
      %max3A_642 = arith.constant 0.000000e+00 : f32
      %max3A_643 = vector.broadcast %max3A_642 : f32 to vector<16xf32>
      %max3A_644 = arith.maximumf %sub3A_641, %max3A_643 : vector<16xf32>
      %add3A_645 = arith.constant 0 : i32
      %add3A_646 = arith.addi %mul3A_634, %add3A_645 : i32
      %swap3A_647 = arith.index_cast %add3A_646 : i32 to index
      %swap3A_648 = tpu.vector_load %arg22[%swap3A_647] {strides = array<i32>} : memref<1024xf32, #tpu.memory_space<vmem>>, vector<16xf32>,
      tpu.vector_store %arg22[%swap3A_647], %max3A_644 {strides = array<i32>} : memref<1024xf32, #tpu.memory_space<vmem>>, vector<16xf32>,
      %mul3A_649 = arith.mulf %while3A_620#4, %get3A_454 : vector<16xf32>
      %mul3A_650 = arith.mulf %while3A_620#5, %get3A_470 : vector<16xf32>
      %add3A_651 = arith.addf %mul3A_649, %mul3A_650 : vector<16xf32>
      %mul3A_652 = arith.mulf %while3A_620#6, %get3A_486 : vector<16xf32>
      %add3A_653 = arith.addf %add3A_651, %mul3A_652 : vector<16xf32>
      %div3A_654 = arith.divf %add3A_653, %while3A_620#3 : vector<16xf32>
      %sub3A_655 = arith.subf %while3A_620#8, %div3A_654 : vector<16xf32>
      %max3A_656 = arith.constant 0.000000e+00 : f32
      %max3A_657 = vector.broadcast %max3A_656 : f32 to vector<16xf32>
      %max3A_658 = arith.maximumf %sub3A_655, %max3A_657 : vector<16xf32>
      %add3A_659 = arith.constant 16 : i32
      %add3A_660 = arith.addi %mul3A_634, %add3A_659 : i32
      %swap3A_661 = arith.index_cast %add3A_660 : i32 to index
      %swap3A_662 = tpu.vector_load %arg22[%swap3A_661] {strides = array<i32>} : memref<1024xf32, #tpu.memory_space<vmem>>, vector<16xf32>,
      tpu.vector_store %arg22[%swap3A_661], %max3A_658 {strides = array<i32>} : memref<1024xf32, #tpu.memory_space<vmem>>, vector<16xf32>,
      %mul3A_663 = arith.mulf %while3A_620#4, %get3A_458 : vector<16xf32>
      %mul3A_664 = arith.mulf %while3A_620#5, %get3A_474 : vector<16xf32>
      %add3A_665 = arith.addf %mul3A_663, %mul3A_664 : vector<16xf32>
      %mul3A_666 = arith.mulf %while3A_620#6, %get3A_490 : vector<16xf32>
      %add3A_667 = arith.addf %add3A_665, %mul3A_666 : vector<16xf32>
      %div3A_668 = arith.divf %add3A_667, %while3A_620#3 : vector<16xf32>
      %sub3A_669 = arith.subf %while3A_620#9, %div3A_668 : vector<16xf32>
      %max3A_670 = arith.constant 0.000000e+00 : f32
      %max3A_671 = vector.broadcast %max3A_670 : f32 to vector<16xf32>
      %max3A_672 = arith.maximumf %sub3A_669, %max3A_671 : vector<16xf32>
      %add3A_673 = arith.constant 32 : i32
      %add3A_674 = arith.addi %mul3A_634, %add3A_673 : i32
      %swap3A_675 = arith.index_cast %add3A_674 : i32 to index
      %swap3A_676 = tpu.vector_load %arg22[%swap3A_675] {strides = array<i32>} : memref<1024xf32, #tpu.memory_space<vmem>>, vector<16xf32>,
      tpu.vector_store %arg22[%swap3A_675], %max3A_672 {strides = array<i32>} : memref<1024xf32, #tpu.memory_space<vmem>>, vector<16xf32>,
      %mul3A_677 = arith.mulf %while3A_620#4, %get3A_462 : vector<16xf32>
      %mul3A_678 = arith.mulf %while3A_620#5, %get3A_478 : vector<16xf32>
      %add3A_679 = arith.addf %mul3A_677, %mul3A_678 : vector<16xf32>
      %mul3A_680 = arith.mulf %while3A_620#6, %get3A_494 : vector<16xf32>
      %add3A_681 = arith.addf %add3A_679, %mul3A_680 : vector<16xf32>
      %div3A_682 = arith.divf %add3A_681, %while3A_620#3 : vector<16xf32>
      %sub3A_683 = arith.subf %while3A_620#10, %div3A_682 : vector<16xf32>
      %max3A_684 = arith.constant 0.000000e+00 : f32
      %max3A_685 = vector.broadcast %max3A_684 : f32 to vector<16xf32>
      %max3A_686 = arith.maximumf %sub3A_683, %max3A_685 : vector<16xf32>
      %add3A_687 = arith.constant 48 : i32
      %add3A_688 = arith.addi %mul3A_634, %add3A_687 : i32
      %swap3A_689 = arith.index_cast %add3A_688 : i32 to index
      %swap3A_690 = tpu.vector_load %arg22[%swap3A_689] {strides = array<i32>} : memref<1024xf32, #tpu.memory_space<vmem>>, vector<16xf32>,
      tpu.vector_store %arg22[%swap3A_689], %max3A_686 {strides = array<i32>} : memref<1024xf32, #tpu.memory_space<vmem>>, vector<16xf32>,
      %multiple_of3A_691 = tpu.assume_multiple %mul3A_634, 64 : i32
      %mul3A_692 = arith.constant 64 : i32
      %mul3A_693 = arith.muli %while3A_620#1, %mul3A_692 : i32
      %multiple_of3A_694 = tpu.assume_multiple %mul3A_693, 64 : i32
      %dma_start3A = tpu.memref_slice %arg22[%multiple_of3A_691] : memref<1024xf32, #tpu.memory_space<vmem>> -> memref<64xf32, #tpu.memory_space<vmem>>
      %dma_start3A_695 = tpu.memref_slice %arg10[%multiple_of3A_694] : memref<3200000xf32, #tpu.memory_space<hbm>> -> memref<64xf32, #tpu.memory_space<hbm>>
      %dma_start3A_696 = tpu.memref_slice %arg10[%multiple_of3A_694] : memref<3200000xf32, #tpu.memory_space<hbm>> -> memref<64xf32, #tpu.memory_space<hbm>>
      %dma_start3A_697 = tpu.memref_slice %arg22[%multiple_of3A_691] : memref<1024xf32, #tpu.memory_space<vmem>> -> memref<64xf32, #tpu.memory_space<vmem>>
      tpu.enqueue_dma source(%dma_start3A_697 : memref<64xf32, #tpu.memory_space<vmem>>) target(%dma_start3A_696 : memref<64xf32, #tpu.memory_space<hbm>>) target_semaphore(%arg25 : memref<!tpu.dma_semaphore, #tpu.memory_space<semaphore_mem>>)
      %rem3A_698 = arith.constant 16 : i32
      %rem3A_699 = arith.remsi %while3A_620#2, %rem3A_698 : i32
      %add3A_700 = arith.constant 1 : i32
      %add3A_701 = arith.addi %rem3A_699, %add3A_700 : i32
      %while3A_702 = arith.constant 0 : i32
      %while3A_703 = arith.constant 0 : i32
      %while3A_704 = arith.subi %add3A_701, %while3A_702 : i32
      %while3A_705 = arith.addi %while3A_702, %while3A_704 : i32
      %while3A_706 = arith.constant 1 : i32
      %while3A_707 = arith.divsi %while3A_704, %while3A_706 : i32
      %while3A_708 = arith.muli %while3A_707, %while3A_706 : i32
      %while3A_709 = arith.addi %while3A_702, %while3A_708 : i32
      %while3A_710 = arith.constant 1 : i32
      %while3A_711 = scf.for %while3A_714 = %while3A_702 to %while3A_709 step %while3A_710 iter_args(%while3A_715 = %while3A_703) -> (i32)  : i32 {
        %dma_wait3A = arith.constant 0 : i32
        %dma_wait3A_716 = tpu.memref_slice %arg22[%dma_wait3A] : memref<1024xf32, #tpu.memory_space<vmem>> -> memref<64xf32, #tpu.memory_space<vmem>>
        %dma_wait3A_717 = arith.constant 0 : i32
        %dma_wait3A_718 = tpu.memref_slice %arg10[%dma_wait3A_717] : memref<3200000xf32, #tpu.memory_space<hbm>> -> memref<64xf32, #tpu.memory_space<hbm>>
        %dma_wait3A_719 = arith.constant 0 : i32
        %dma_wait3A_720 = tpu.memref_slice %arg10[%dma_wait3A_719] : memref<3200000xf32, #tpu.memory_space<hbm>> -> memref<64xf32, #tpu.memory_space<hbm>>
        %dma_wait3A_721 = arith.constant 0 : i32
        %dma_wait3A_722 = tpu.memref_slice %arg22[%dma_wait3A_721] : memref<1024xf32, #tpu.memory_space<vmem>> -> memref<64xf32, #tpu.memory_space<vmem>>
        tpu.wait_dma2 semaphore(%arg25 : memref<!tpu.dma_semaphore, #tpu.memory_space<semaphore_mem>>) src(%dma_wait3A_722 : memref<64xf32, #tpu.memory_space<vmem>>) dst(%dma_wait3A_720 : memref<64xf32, #tpu.memory_space<hbm>>)
        %while3A_723 = arith.constant 0 : i32
        scf.yield %while3A_723 : i32
      }
      %while3A_712 = arith.constant 1 : i32
      %while3A_713 = scf.for %while3A_714 = %while3A_709 to %while3A_705 step %while3A_712 iter_args(%while3A_715 = %while3A_711) -> (i32)  : i32 {
        %dma_wait3A = arith.constant 0 : i32
        %dma_wait3A_716 = tpu.memref_slice %arg22[%dma_wait3A] : memref<1024xf32, #tpu.memory_space<vmem>> -> memref<64xf32, #tpu.memory_space<vmem>>
        %dma_wait3A_717 = arith.constant 0 : i32
        %dma_wait3A_718 = tpu.memref_slice %arg10[%dma_wait3A_717] : memref<3200000xf32, #tpu.memory_space<hbm>> -> memref<64xf32, #tpu.memory_space<hbm>>
        %dma_wait3A_719 = arith.constant 0 : i32
        %dma_wait3A_720 = tpu.memref_slice %arg10[%dma_wait3A_719] : memref<3200000xf32, #tpu.memory_space<hbm>> -> memref<64xf32, #tpu.memory_space<hbm>>
        %dma_wait3A_721 = arith.constant 0 : i32
        %dma_wait3A_722 = tpu.memref_slice %arg22[%dma_wait3A_721] : memref<1024xf32, #tpu.memory_space<vmem>> -> memref<64xf32, #tpu.memory_space<vmem>>
        tpu.wait_dma2 semaphore(%arg25 : memref<!tpu.dma_semaphore, #tpu.memory_space<semaphore_mem>>) src(%dma_wait3A_722 : memref<64xf32, #tpu.memory_space<vmem>>) dst(%dma_wait3A_720 : memref<64xf32, #tpu.memory_space<hbm>>)
        %while3A_723 = arith.constant 0 : i32
        scf.yield %while3A_723 : i32
      }
    } else {
    }
    return
  }
}

</mosaic_0001>

<sc_bundles>
// kernel: kernel.3.cloned.1.call-start
scs
__scs_entry_jumppad:
0x0: {  	(pc) =	sbr.rel $0x88, $3  }
0x1: {  	(tag) =	ssettag $0x0;
	lr =	simm.s32 $0x1  }
0x2: {  	[smem:$0x3F9D] =	sst lr;
	_ =	strace $0xD0000000  }
0x3: {  	_ = 	snop  }
0x4: {  	_ = 	snop  }
0x5: {  	_ = 	snop  }
0x6: {  	_ = 	snop  }
0x7: {  	_ = 	snop  }
__scs_overlays_trampoline_lowered:
0x8: {  	[smem:$0x3FAC] =	sst s0  }
0x9: {  	[smem:$0x3FAD] =	sst s1  }
0xa: {  	[smem:$0x3FAE] =	sst s2  }
0xb: {  	[smem:$0x3FAF] =	sst s3  }
0xc: {  	[smem:$0x3FB0] =	sst s4  }
0xd: {  	[smem:$0x3FB1] =	sst s5  }
0xe: {  	[smem:$0x3FB2] =	sst s6  }
0xf: {  	[smem:$0x3FB3] =	sst s7  }
0x10: {  	[smem:$0x3FB4] =	sst s8  }
0x11: {  	[smem:$0x3FB5] =	sst s9;
	s0 =	simm.s32 @!p0 $0x0  }
0x12: {  	s1 =	sld [smem:$0x3F9B];
	s0 =	simm.s32 @p0 $0x1  }
0x13: {  	[smem:$0x3FB6] =	sst s0;
	s0 =	simm.s32 @!p1 $0x0  }
0x14: {  	s2 =	sld [smem:$0x3F9A];
	s0 =	simm.s32 @p1 $0x1  }
0x15: {  	[smem:$0x3FB7] =	sst s0;
	s0 =	simm.s32 @!p2 $0x0  }
0x16: {  	s3 =	sld [smem:$0x3FDB];
	s0 =	simm.s32 @p2 $0x1  }
0x17: {  	s4 =	simm.s32 $0x1BF5;
	[smem:$0x3FB9] =	sst s0  }
0x18: {  	s0 =	sld [smem:$0x3F9C];
	_ =	swait.ge [sflag:s4], $0x0  }
0x19: {  	s7 =	sld [smem:$0x3F9D]  }
0x1a: {  	s8 =	sadd.s32 $0xFFFFE003, lr  }
0x1b: {  	s9 =	sadd.s32 $0xFFFFFEF7, lr;
	s5 =	simm.s32 $0xFFFFFFFF;
	p2 =	slt.u32 s8, $0xFFFFF086  }
0x1c: {  	p1 =	slt.u32 s9, $0xF7A;
	s5 =	simm.s32 @!p2 $0x0  }
0x1d: {  	s5 =	simm.s32 @p1 $0x1;
	p0 =	seq.s32 s7, s2  }
0x1e: {  	s7 =	smul.u32 @!p0 $0xF7A, s2;
	p2 =	seq.s32 @!p0 s5, $0x0  }
0x1f: {  	s9 =	smul.u32 $0xF7A, s1;
	s8 =	simm.s32 @!p0 $0x1BF5;
	p2 =	por !p2, p0  }
0x20: {  	[sflag:s8] =	ssyncset.s32 @!p0 $0xFFFFF086;
	s6 =	sadd.s32 @!p0 s3, s7;
	s7 =	simm.s32 @!p0 $0x108  }
0x21: {  	s3 =	sadd.s32 s3, s9;
	s6 =	sadd.s32 @!p0 $0x88, s6;
	s7 =	simm.s32 @p2 $0x1082  }
0x22: {  	[simem:s7], [sflag:s8] =	dma.local @!p0 [hbm:s6], $0xF7A  }
0x23: {  	s9 =	sor.u32 $0xD0000000, s2;
	s6 =	simm.s32 $0x108;
	_ =	swait.ge @!p0 [sflag:s8], $0x0  }
0x24: {  	s3 =	sadd.s32 $0x88, s3;
	s6 =	simm.s32 @!p1 $0x1082;
	[sflag:s4] =	ssyncset.s32 $0xFFFFF086  }
0x25: {  	[simem:s6], [sflag:s4] =	dma.local [hbm:s3], $0xF7A  }
0x26: {  	[smem:$0x3F9D] =	sst s1;
	(tag) =	ssettag s2;
	_ =	strace s9  }
0x27: {  	s1 =	sld [smem:$0x3FAD]  }
0x28: {  	s2 =	sld [smem:$0x3FAE]  }
0x29: {  	s4 =	sld [smem:$0x3FB0]  }
0x2a: {  	p0 =	seq.s32 s5, $0x0;
	s5 =	sld [smem:$0x3FB1]  }
0x2b: {  	s6 =	sld [smem:$0x3FB2]  }
0x2c: {  	s7 =	sld [smem:$0x3FB3]  }
0x2d: {  	s3 =	simm.s32 $0x108;
	s8 =	sld [smem:$0x3FB4]  }
0x2e: {  	s3 =	simm.s32 @!p0 $0x1082;
	s9 =	sld [smem:$0x3FB5]  }
0x2f: {  	lr =	sadd.s32 s0, s3;
	s0 =	sld [smem:$0x3FAC]  }
0x30: {  	s3 =	sld [smem:$0x3FAF]  }
0x31: {  	[smem:$0x3FB8] =	sst s10  }
0x32: {  	s10 =	sld [smem:$0x3FB6];
	_ =	sdelay $0x3  }
0x33: {  	p0 =	seq.s32 s10, $0x1;
	s10 =	sld [smem:$0x3FB8];
	_ =	sdelay $0x3  }
0x34: {  	[smem:$0x3FB8] =	sst s10  }
0x35: {  	s10 =	sld [smem:$0x3FB7];
	_ =	sdelay $0x3  }
0x36: {  	p1 =	seq.s32 s10, $0x1;
	s10 =	sld [smem:$0x3FB8];
	_ =	sdelay $0x3  }
0x37: {  	[smem:$0x3FB8] =	sst s10  }
0x38: {  	s10 =	sld [smem:$0x3FB9]  }
0x39: {  	_ = 	snop;
	(pc) =	sbr.ind lr, $3  }
0x3a: {  	_ = 	snop  }
0x3b: {  	_ = 	snop  }
0x3c: {  	p2 =	seq.s32 s10, $0x1;
	s10 =	sld [smem:$0x3FB8]  }
0x3d: {  	_ =	shalt  }
0x3e: {  	_ =	shalt  }
0x3f: {  	_ =	shalt  }
0x40: {  	_ =	shalt  }
0x41: {  	_ =	shalt  }
0x42: {  	_ =	shalt  }
0x43: {  	_ =	shalt  }
0x44: {  	_ =	shalt  }
0x45: {  	_ =	shalt  }
0x46: {  	_ =	shalt  }
0x47: {  	_ =	shalt  }
0x48: {  	_ =	shalt  }
0x49: {  	_ =	shalt  }
0x4a: {  	_ =	shalt  }
0x4b: {  	_ =	shalt  }
0x4c: {  	_ =	shalt  }
0x4d: {  	_ =	shalt  }
0x4e: {  	_ =	shalt  }
0x4f: {  	_ =	shalt  }
0x50: {  	_ =	shalt  }
0x51: {  	_ =	shalt  }
0x52: {  	_ =	shalt  }
0x53: {  	_ =	shalt  }
0x54: {  	_ =	shalt  }
0x55: {  	_ =	shalt  }
0x56: {  	_ =	shalt  }
0x57: {  	_ =	shalt  }
0x58: {  	_ =	shalt  }
0x59: {  	_ =	shalt  }
0x5a: {  	_ =	shalt  }
0x5b: {  	_ =	shalt  }
0x5c: {  	_ =	shalt  }
0x5d: {  	_ =	shalt  }
0x5e: {  	_ =	shalt  }
0x5f: {  	_ =	shalt  }
0x60: {  	_ =	shalt  }
0x61: {  	_ =	shalt  }
0x62: {  	_ =	shalt  }
0x63: {  	_ =	shalt  }
0x64: {  	_ =	shalt  }
0x65: {  	_ =	shalt  }
0x66: {  	_ =	shalt  }
0x67: {  	_ =	shalt  }
0x68: {  	_ =	shalt  }
0x69: {  	_ =	shalt  }
0x6a: {  	_ =	shalt  }
0x6b: {  	_ =	shalt  }
0x6c: {  	_ =	shalt  }
0x6d: {  	_ =	shalt  }
0x6e: {  	_ =	shalt  }
0x6f: {  	_ =	shalt  }
0x70: {  	_ =	shalt  }
0x71: {  	_ =	shalt  }
0x72: {  	_ =	shalt  }
0x73: {  	_ =	shalt  }
0x74: {  	_ =	shalt  }
0x75: {  	_ =	shalt  }
0x76: {  	_ =	shalt  }
0x77: {  	_ =	shalt  }
0x78: {  	_ =	shalt  }
0x79: {  	_ =	shalt  }
0x7a: {  	_ =	shalt  }
0x7b: {  	_ =	shalt  }
0x7c: {  	_ =	shalt  }
0x7d: {  	_ =	shalt  }
0x7e: {  	_ =	shalt  }
0x7f: {  	_ =	shalt  }
0x80: {  	_ =	shalt  }
0x81: {  	_ =	shalt  }
0x82: {  	_ =	shalt  }
0x83: {  	_ =	shalt  }
0x84: {  	_ =	shalt  }
0x85: {  	_ =	shalt  }
0x86: {  	_ =	shalt  }
0x87: {  	_ =	shalt  }
.Lfunc_end0:
.L_simem_size_0:
called_computation_lowered:
.L_overlay_start_0:
0x88: {  	s2 =	sld [smem:$0x3FD9]  }
0x89: {  	s3 =	sld [smem:$0x3FFE];
	_ =	sdelay $0x1  }
0x8a: {  	s1 =	srdreg.scid  }
0x8b: {  	s0 =	sand.u32 $0x1, s1  }
0x8c: {  	s17 =	sshll.u32 s0, $0xA;
	s2 =	sadd.s32 s3, s2  }
0x8d: {  	s2 =	sadd.s32 s2, s17  }
0x8e: {  	[smem:$0x3FC4] =	sst s2  }
0x8f: {  	_ = 	snop  }
0x90: {  	s2 =	sld [smem:$0x3FC8]  }
0x91: {  	s18 =	sld [smem:$0x3FD0];
	(tm) =	ssettm $0x1  }
0x92: {  	s4 =	sld [smem:$0x3FFB];
	_ =	sdelay $0x3  }
0x93: {  	_ =	strace s4  }
0x94: {  	s4 =	sld [smem:$0x3FFC];
	_ =	sdelay $0x3  }
0x95: {  	_ =	strace s4  }
0x96: {  	s4 =	sld [smem:$0x3FFD];
	_ =	sdelay $0x3  }
0x97: {  	_ =	strace s4  }
0x98: {  	_ =	strace $0x8FFFFFFF  }
0x99: {  	s19 =	sld [smem:$0x3FDB];
	_ =	sdelay $0x1  }
0x9a: {  	s5 =	simm.s32 $_scs_section_size  }
0x9b: {  	s6 =	simm.s32 $_size__tile_overlayer_lowered;
	s7 =	simm.s32 $_tile_overlayer_lowered  }
0x9c: {  	s22 =	simm.s32 $0x1BFF;
	s21 =	sshll.u32 s7, $0x1;
	s4 =	sadd.s32 s5, s19  }
0x9d: {  	s8 =	simm.s32 $0x0;
	s20 =	sshll.u32 s6, $0x1;
	s6 =	sadd.s32 s21, s4  }
0x9e: {  	[timem:s8], [sflag:s22] =	dma.local [hbm:s6], s20  }
0x9f: {  	_ =	swait.ge [sflag:s22], s20  }
0xa0: {  	s5 =	ssub.s32 $0x0, s20;
	[sflag:s22] =	ssyncset.done $0x0  }
0xa1: {  	[sflag:s22] =	ssyncadd.s32 s5;
	_ =	sdelay $0x1  }
0xa2: {  	s23 =	simm.s32 $0x1B8B  }
0xa3: {  	_ =	swait.ge [sflag:s23], $0x1  }
0xa4: {  	[sflag:s23] =	ssyncset.done $0x0  }
0xa5: {  	s25 =	simm.s32 $0x1B8E;
	s24 =	sld [smem:$0x3FFE];
	[sflag:s23] =	ssyncadd.s32 $0xFFFFFFFF  }
0xa6: {  	s26 =	simm.s32 $execute0_lowered;
	[smem:$0x3FD2] =	sst s25  }
0xa7: {  	s6 =	sshll.u32 s26, $0x1;
	_ =	strace $0x80000046;
	[dreg:$0x1] =	wrdreg $0xFFFFFFFF  }
0xa8: {  	s28 =	simm.s32 $_size_execute0_lowered;
	s4 =	sadd.s32 s4, s6;
	[dreg:$0x0] =	wrdreg $0x0  }
0xa9: {  	s6 =	sshll.u32 s28, $0x1;
	[dreg:$0x2] =	wrdreg s4  }
0xaa: {  	[dreg:$0x3] =	wrdreg s6  }
0xab: {  	[dreg:$0x4] =	wrdreg $0xC0  }
0xac: {  	_ =	task [dreg:s8], $0x5FFFF  }
0xad: {  	[dreg:$0x1] =	wrdreg $0xFFFFFFFF  }
0xae: {  	[dreg:$0x0] =	wrdreg $0x60  }
0xaf: {  	[dreg:$0x2] =	wrdreg s24  }
0xb0: {  	[dreg:$0x3] =	wrdreg s2  }
0xb1: {  	[dreg:$0x4] =	wrdreg s18  }
0xb2: {  	[dreg:$0x5] =	wrdreg $0x9  }
0xb3: {  	_ =	task.clear_ibuf [dreg:s8], $0x6FFFF;
	_ =	strace $0x90000046  }
0xb4: {  	s29 =	simm.s32 $0x9;
	_ =	strace $0x80000048  }
0xb5: {  	_ =	swait.ge [sflag:s29], $0x1  }
0xb6: {  	[sflag:s29] =	ssyncadd.s32 $0xFFFFFFFF  }
0xb7: {  	_ =	strace $0x90000048  }
0xb8: {  	_ =	sfence  }
0xb9: {  	s30 =	sld [smem:$0x0];
	_ =	sdelay $0x2  }
0xba: {  	s31 =	sshll.u32 s1, $0xD;
	s1 =	sshrl.u32 s1, $0x2  }
0xbb: {  	s3 =	sand.u32 $0x4000, s31;
	s1 =	sadd.s32 s1, s30  }
0xbc: {  	s0 =	sor.u32 s3, s0;
	s1 =	sshll.u32 s1, $0x11  }
0xbd: {  	s0 =	sor.u32 s1, s0  }
0xbe: {  	s0 =	sadd.s32 $0x8F2B, s0  }
0xbf: {  	[sflag:s0] =	ssyncadd.remote.s32 $0x1  }
0xc0: {  	_ =	sfence.sel $0xFFFF  }
0xc1: {  	[dreg:$0x0] =	wrdreg $0xFFFFFFFF;
	(pc) =	sbr.abs _section_cstart, $3  }
0xc2: {  	[dreg:$0x1] =	wrdreg $0xFFFFFFFF  }
0xc3: {  	_ =	task.clear_ibuf [dreg:s8], $0x2FFFF;
	_ =	strace $0x9FFFFFFF  }
0xc4: {  	(tm) =	ssettm $0x7FFFFFFF  }
0xc5: {  	_ =	shalt  }
tec
execute0_lowered:
.L_overlay_start_1:
0x0: {  	(tag) =	ssettag $0x1  }
0x1: {  	s21 =	rddreg [dreg:$0x0]  }
0x2: {  	s2 =	rddreg [dreg:$0x1]  }
0x3: {  	s3 =	rddreg [dreg:$0x2];
	s0 =	srdreg.scid  }
0x4: {  	s5 =	simm.s32 $0x0;
	s4 =	stileid.u32;
	s25 =	simm.s32 $0x111F0  }
0x5: {  	s16 =	simm.s32 $0x3;
	s26 =	simm.s32 $0x11440;
	s18 =	simm.s32 $0x11860  }
0x6: {  	s19 =	simm.s32 $0x1;
	s20 =	simm.s32 $0x11450;
	s28 =	simm.s32 $0x2  }
0x7: {  	s29 =	simm.s32 $0x0;
	s0 =	sand.u32 $0x1, s0;
	[smem:$0x7FF] =	sst s5  }
0x8: {  	s30 =	sadd.s32 $0xF4800, s21;
	s7 =	sadd.s32 $0xC3A00, s21;
	s1 =	sshll.u32 s0, $0x4  }
0x9: {  	s8 =	sadd.s32 $0x92C00, s21;
	s9 =	sadd.s32 $0x61E00, s21;
	s1 =	sor.u32 s4, s1  }
0xa: {  	s10 =	sadd.s32 $0x31000, s21;
	s0 =	ssub.s32 $0x2, s0;
	s31 =	smul.u32 $0xC350, s1  }
0xb: {  	_ =	strace $0x80000047;
	[dreg:$0x4] =	wrdreg s30;
	s12 =	sshrl.u32 s0, $0x1  }
.Ltmp0:
0xc: {  	s0 =	ssub.s32 s0, s12;
	s6 =	sadd.s32 $0xFFFFFFF0, s31;
	(pc) =	sbr.rel .LBB2_1-.Ltmp0, $4  }
0xd: {  	s24 =	smax.u32 s0, $0x1;
	s4 =	sshrl.u32 s31, $0x3;
	s6 =	sshrl.u32 s6, $0x3  }
0xe: {  	[dreg:$0x7] =	wrdreg s24;
	s4 =	sadd.s32 s2, s4;
	s22 =	sadd.s32 s2, s6  }
0xf: {  	s11 =	sadd.s32 $0x200, s21;
	s23 =	sadd.s32 $0x1868, s4;
	[dreg:$0x5] =	wrdreg s22  }
0x10: {  	v22 =	vimm.f32 $0.0e+00;
	v1 =	vimm.s32 $0x0;
	p0 =	seq.s32 s1, $0x0;
	p1 =	seq.s32 s1, $0x1F;
	[dreg:$0x6] =	wrdreg s23  }
.LBB2_34:
0x11: {  	[sflag:s28] =	ssyncadd.s32 $0xFFFFFFC0  }
.LBB2_35:
0x12: {  	s29 =	sadd.s32 $0x1, s29  }
0x13: {  	p2 =	sne.s32 s29, s24  }
.Ltmp1:
0x14: {  	_ = 	snop;
	(pc) =	sbr.rel @!p2 .LBB2_36-.Ltmp1, $1  }
0x15: {  	_ =	sdelay $0x3  }
.LBB2_1:
0x16: {  	[tilespmem:s25], [sflag:$0x3] =	stream.linear.gather [hbm4b:s21+s5], $0x240, $0x38;
	[tilespmem:$0x11C60] =	vst v63  }
0x17: {  	_ =	swait.ge [sflag:s16], $0x240  }
0x18: {  	[sflag:s16] =	ssyncset.done $0x0  }
0x19: {  	v2 =	vimm.s32 @p0 $0xFFFFFFFF;
	[sflag:s16] =	ssyncadd.s32 $0xFFFFFDC0  }
0x1a: {  	s0 =	simm.s32 @!p0 $0x0;
	s1 =	simm.s32 @!p0 $0x11430;
	[tilespmem:$0x11430] =	vst @p0 v2  }
0x1b: {  	[tilespmem:s1], [sflag:$0x3] =	stream.linear.gather @!p0 [hbm4b:s22+s0], $0x10, $0x38;
	[tilespmem:$0x11C60] =	vst v63  }
0x1c: {  	s0 =	simm.s32 @!p0 $0x3  }
0x1d: {  	_ =	swait.ge @!p0 [sflag:s0], $0x10  }
0x1e: {  	[sflag:s0] =	ssyncset.done @!p0 $0x0  }
0x1f: {  	[sflag:s0] =	ssyncadd.s32 @!p0 $0xFFFFFFF0  }
0x20: {  	[tilespmem:s26], [sflag:$0x3] =	stream.linear.gather [hbm4b:s23+s5], $0x10, $0x38;
	[tilespmem:$0x11C60] =	vst v63  }
0x21: {  	_ =	swait.ge [sflag:s16], $0x10  }
0x22: {  	[sflag:s16] =	ssyncset.done $0x0  }
0x23: {  	[sflag:s16] =	ssyncadd.s32 $0xFFFFFFF0  }
0x24: {  	[tilespmem:$0x11860] =	vst v22  }
0x25: {  	[tilespmem:$0x11870] =	vst v22  }
0x26: {  	[tilespmem:$0x11880] =	vst v22  }
0x27: {  	[tilespmem:$0x11890] =	vst v22  }
0x28: {  	[tilespmem:$0x118A0] =	vst v22  }
0x29: {  	[tilespmem:$0x118B0] =	vst v22  }
0x2a: {  	[tilespmem:$0x118C0] =	vst v22  }
0x2b: {  	[tilespmem:$0x118D0] =	vst v22  }
0x2c: {  	[tilespmem:$0x118E0] =	vst v22  }
0x2d: {  	[tilespmem:$0x118F0] =	vst v22  }
0x2e: {  	[tilespmem:$0x11900] =	vst v22  }
0x2f: {  	[tilespmem:$0x11910] =	vst v22  }
0x30: {  	[tilespmem:$0x11920] =	vst v22  }
0x31: {  	[tilespmem:$0x11930] =	vst v22  }
0x32: {  	[tilespmem:$0x11940] =	vst v22  }
0x33: {  	[tilespmem:$0x11950] =	vst v22  }
0x34: {  	[tilespmem:$0x11960] =	vst v22  }
0x35: {  	[tilespmem:$0x11970] =	vst v22  }
0x36: {  	[tilespmem:$0x11980] =	vst v22  }
0x37: {  	[tilespmem:$0x11990] =	vst v22  }
0x38: {  	[tilespmem:$0x119A0] =	vst v22  }
0x39: {  	[tilespmem:$0x119B0] =	vst v22  }
0x3a: {  	[tilespmem:$0x119C0] =	vst v22  }
0x3b: {  	[tilespmem:$0x119D0] =	vst v22  }
0x3c: {  	[tilespmem:$0x119E0] =	vst v22  }
0x3d: {  	[tilespmem:$0x119F0] =	vst v22  }
0x3e: {  	[tilespmem:$0x11A00] =	vst v22  }
0x3f: {  	[tilespmem:$0x11A10] =	vst v22  }
0x40: {  	[tilespmem:$0x11A20] =	vst v22  }
0x41: {  	[tilespmem:$0x11A30] =	vst v22  }
0x42: {  	[tilespmem:$0x11A40] =	vst v22  }
0x43: {  	[tilespmem:$0x11A50] =	vst v22  }
0x44: {  	[tilespmem:$0x11A60] =	vst v22  }
0x45: {  	[tilespmem:$0x11A70] =	vst v22;
	v2 =	vld [tilespmem:$0x11430]  }
0x46: {  	[tilespmem:$0x11A80] =	vst v22;
	v3 =	vld [tilespmem:$0x11440]  }
0x47: {  	[tilespmem:$0x11A90] =	vst v22  }
0x48: {  	[tilespmem:$0x11AA0] =	vst v22  }
0x49: {  	[tilespmem:$0x11AB0] =	vst v22  }
0x4a: {  	[tilespmem:$0x11AC0] =	vst v22;
	(v2sf) =	vpush v2, $0xF  }
0x4b: {  	[tilespmem:$0x11AD0] =	vst v22;
	(v2sf) =	vpush v3, $0xF  }
0x4c: {  	[tilespmem:$0x11AE0] =	vst v22  }
0x4d: {  	[tilespmem:$0x11AF0] =	vst v22  }
0x4e: {  	[tilespmem:$0x11B00] =	vst v22  }
0x4f: {  	[tilespmem:$0x11B10] =	vst v22  }
0x50: {  	[tilespmem:$0x11B20] =	vst v22  }
0x51: {  	[tilespmem:$0x11B30] =	vst v22  }
0x52: {  	[tilespmem:$0x11B40] =	vst v22  }
0x53: {  	[tilespmem:$0x11B50] =	vst v22  }
0x54: {  	[tilespmem:$0x11B60] =	vst v22  }
0x55: {  	[tilespmem:$0x11B70] =	vst v22  }
0x56: {  	[tilespmem:$0x11B80] =	vst v22  }
0x57: {  	[tilespmem:$0x11B90] =	vst v22  }
0x58: {  	[tilespmem:$0x11BA0] =	vst v22  }
0x59: {  	[tilespmem:$0x11BB0] =	vst v22;
	s12 =	spop (v2sf)  }
0x5a: {  	[tilespmem:$0x11BC0] =	vst v22;
	s17 =	spop (v2sf)  }
0x5b: {  	[tilespmem:$0x11BD0] =	vst v22;
	s30 =	sadd.s32 $0x1, s17  }
0x5c: {  	[tilespmem:$0x11BE0] =	vst v22;
	s0 =	sadd.s32 $0x1, s12;
	s30 =	simm.s32 @p1 $0xC350  }
0x5d: {  	[tilespmem:$0x11BF0] =	vst v22;
	s4 =	ssub.s32 s30, s0  }
0x5e: {  	[tilespmem:$0x11C00] =	vst v22;
	p2 =	slt.s32 s4, $0x10  }
.Ltmp2:
0x5f: {  	[tilespmem:$0x11C10] =	vst v22;
	(pc) =	sbr.rel @p2 .LBB2_5-.Ltmp2, $4  }
0x60: {  	[tilespmem:$0x11C20] =	vst v22;
	s31 =	sshra.s32 s4, $0x1F  }
0x61: {  	[tilespmem:$0x11C30] =	vst v22;
	s1 =	sshrl.u32 s31, $0x1C  }
0x62: {  	[tilespmem:$0x11C40] =	vst v22;
	s1 =	sadd.s32 s1, s4  }
0x63: {  	[tilespmem:$0x11C50] =	vst v22;
	s6 =	sshra.s32 s1, $0x4  }
0x64: {  	p2 =	seq.s32 s6, $0x1  }
.Ltmp3:
0x65: {  	_ = 	snop;
	(pc) =	sbr.rel @p2 .LBB2_4-.Ltmp3, $4  }
0x66: {  	_ = 	snop  }
0x67: {  	s14 =	sshll.u32 s0, $0x6  }
0x68: {  	s15 =	sshrl.u32 s14, $0x3  }
0x69: {  	s13 =	sadd.s32 $0xFFFFFFFF, s6;
	s14 =	sadd.s32 $0x400, s14;
	s15 =	sadd.s32 s3, s15  }
.LBB2_3:
0x6a: {  	[hbm4b:s15+s5] =	stream.linear.scatter [tilespmem:s18], [sflag:$0x1], $0x400, $0x38;
	[tilespmem:$0x11C60] =	vst v63  }
0x6b: {  	p2 =	seq.s32 s13, $0x1  }
.Ltmp4:
0x6c: {  	s13 =	sadd.s32 $0xFFFFFFFF, s13;
	(pc) =	sbr.rel @!p2 .LBB2_3-.Ltmp4, $3  }
0x6d: {  	_ =	sdelay $0x1  }
0x6e: {  	s15 =	sshrl.u32 s14, $0x3  }
0x6f: {  	s14 =	sadd.s32 $0x400, s14;
	s15 =	sadd.s32 s3, s15  }
.LBB2_4:
0x70: {  	[hbm4b:s15+s5] =	stream.linear.scatter [tilespmem:s18], [sflag:$0x1], $0x400, $0x38;
	[tilespmem:$0x11C60] =	vst v63  }
.LBB2_5:
0x71: {  	s13 =	sand.u32 $0xFFFFFFF0, s1  }
0x72: {  	s1 =	ssub.s32 s4, s13  }
0x73: {  	p2 =	slt.s32 s1, $0x1  }
.Ltmp5:
0x74: {  	_ = 	snop;
	(pc) =	sbr.rel @p2 .LBB2_9-.Ltmp5, $1  }
0x75: {  	_ =	sdelay $0x3  }
0x76: {  	p2 =	sgt.s32 s1, $0x1  }
.Ltmp6:
0x77: {  	s12 =	sadd.s32 s13, s12;
	(pc) =	sbr.rel @!p2 .LBB2_8-.Ltmp6, $4  }
0x78: {  	s12 =	sshll.u32 s12, $0x3  }
0x79: {  	s31 =	sadd.s32 $0x8, s12  }
0x7a: {  	s14 =	sand.u32 $0x1FFFFFF8, s31  }
0x7b: {  	s12 =	simm.s32 $0x1;
	s13 =	sadd.s32 $0x8, s31;
	s14 =	sadd.s32 s3, s14  }
.LBB2_7:
0x7c: {  	[hbm4b:s14+s5] =	stream.linear.scatter [tilespmem:s18], [sflag:$0x1], $0x40, $0x38;
	[tilespmem:$0x11C60] =	vst v63  }
0x7d: {  	s12 =	sadd.s32 $0x1, s12  }
0x7e: {  	p2 =	slt.s32 s12, s1  }
.Ltmp7:
0x7f: {  	(pc) =	sbr.rel @p2 .LBB2_7-.Ltmp7, $3  }
0x80: {  	_ =	sdelay $0x1  }
0x81: {  	s14 =	sand.u32 $0x1FFFFFF8, s13  }
0x82: {  	s13 =	sadd.s32 $0x8, s13;
	s14 =	sadd.s32 s3, s14  }
.LBB2_8:
0x83: {  	[hbm4b:s14+s5] =	stream.linear.scatter [tilespmem:s18], [sflag:$0x1], $0x40, $0x38;
	[tilespmem:$0x11C60] =	vst v63  }
.LBB2_9:
0x84: {  	p2 =	sgt.s32 s4, $0xF  }
.Ltmp8:
0x85: {  	_ = 	snop;
	(pc) =	sbr.rel @!p2 .LBB2_10-.Ltmp8, $1  }
0x86: {  	_ =	sdelay $0x3  }
0x87: {  	p2 =	seq.s32 s6, $0x1  }
.Ltmp9:
0x88: {  	_ = 	snop;
	(pc) =	sbr.rel @p2 .LBB2_22-.Ltmp9, $3  }
0x89: {  	_ =	sdelay $0x1  }
0x8a: {  	_ =	swait.ge [sflag:s19], $0x400  }
0x8b: {  	s4 =	sadd.s32 $0xFFFFFFFF, s6;
	[sflag:s19] =	ssyncset.done $0x0  }
.LBB2_21:
0x8c: {  	p2 =	seq.s32 s4, $0x1;
	s4 =	sadd.s32 $0xFFFFFFFF, s4;
	[sflag:s19] =	ssyncadd.s32 $0xFFFFFC00  }
.Ltmp10:
0x8d: {  	(pc) =	sbr.rel @!p2 .LBB2_21-.Ltmp10, $3  }
0x8e: {  	_ =	sdelay $0x1  }
0x8f: {  	_ =	swait.ge [sflag:s19], $0x400  }
0x90: {  	[sflag:s19] =	ssyncset.done $0x0  }
.LBB2_22:
0x91: {  	[sflag:s19] =	ssyncadd.s32 $0xFFFFFC00  }
.LBB2_10:
0x92: {  	p2 =	sgt.s32 s1, $0x0  }
.Ltmp11:
0x93: {  	_ = 	snop;
	(pc) =	sbr.rel @!p2 .LBB2_14-.Ltmp11, $2  }
0x94: {  	_ =	sdelay $0x2  }
0x95: {  	s4 =	simm.s32 $0x0  }
0x96: {  	s4 =	sadd.s32 $0x1, s4  }
0x97: {  	p2 =	slt.s32 s4, s1  }
.Ltmp12:
0x98: {  	_ = 	snop;
	(pc) =	sbr.rel @!p2 .LBB2_13-.Ltmp12, $3  }
0x99: {  	_ =	sdelay $0x1  }
0x9a: {  	_ =	swait.ge [sflag:s19], $0x40  }
0x9b: {  	[sflag:s19] =	ssyncset.done $0x0  }
.LBB2_12:
0x9c: {  	s4 =	sadd.s32 $0x1, s4  }
0x9d: {  	[sflag:s19] =	ssyncadd.s32 $0xFFFFFFC0;
	p2 =	slt.s32 s4, s1  }
.Ltmp13:
0x9e: {  	(pc) =	sbr.rel @p2 .LBB2_12-.Ltmp13, $3  }
0x9f: {  	_ =	sdelay $0x1  }
0xa0: {  	_ =	swait.ge [sflag:s19], $0x40  }
0xa1: {  	[sflag:s19] =	ssyncset.done $0x0  }
.LBB2_13:
0xa2: {  	[sflag:s19] =	ssyncadd.s32 $0xFFFFFFC0  }
.LBB2_14:
0xa3: {  	s1 =	simm.s32 $0x186A0  }
0xa4: {  	s1 =	sand.u32 $0x1FFFFFFE, s1  }
0xa5: {  	s1 =	sadd.s32 s2, s1  }
0xa6: {  	[tilespmem:s20], [sflag:$0x3] =	stream.linear.gather [hbm4b:s1+s5], $0x10, $0x38;
	[tilespmem:$0x11C60] =	vst v63  }
0xa7: {  	_ =	swait.ge [sflag:s16], $0x10  }
0xa8: {  	[sflag:s16] =	ssyncset.done $0x0  }
0xa9: {  	[sflag:s16] =	ssyncadd.s32 $0xFFFFFFF0  }
0xaa: {  	v2 =	vld [tilespmem:$0x11450];
	_ =	sdelay $0x4  }
0xab: {  	(v2sf) =	vpush v2, $0x0;
	_ =	sdelay $0xd  }
0xac: {  	s4 =	simm.s32 $0x186A0  }
0xad: {  	s14 =	simm.s32 $0xC350;
	s13 =	simm.s32 $0xC351;
	s6 =	spop (v2sf)  }
0xae: {  	s12 =	simm.s32 $0x0;
	p3 =	por $0x1, $0x1;
	p2 =	slt.s32 s6, s0  }
0xaf: {  	p4 =	sge.s32 s6, s0;
	s12 =	smov.u32 @p2 s13;
	s13 =	simm.s32 $0x186A0  }
0xb0: {  	s1 =	simm.s32 $0x0;
	s6 =	simm.s32 $0x10;
	s13 =	smov.u32 @p4 s14  }
.LBB2_15:
0xb1: {  	p2 =	sne.s32 s6, $0x1;
	s1 =	smov.u32 @p3 s12;
	s4 =	smov.u32 @p3 s13  }
0xb2: {  	s6 =	sadd.s32 $0xFFFFFFFF, s6;
	s12 =	sadd.s32 s1, s4  }
0xb3: {  	s13 =	sshrl.u32 s12, $0x1F  }
0xb4: {  	s12 =	sadd.s32 s13, s12  }
0xb5: {  	s13 =	sand.u32 $0x1FFFFFFE, s12  }
0xb6: {  	s13 =	sadd.s32 s2, s13  }
0xb7: {  	[tilespmem:s20], [sflag:$0x3] =	stream.linear.gather [hbm4b:s13+s5], $0x10, $0x38;
	[tilespmem:$0x11C60] =	vst v63  }
0xb8: {  	_ =	swait.ge [sflag:s16], $0x10  }
0xb9: {  	[sflag:s16] =	ssyncset.done $0x0  }
0xba: {  	[sflag:s16] =	ssyncadd.s32 $0xFFFFFFF0  }
0xbb: {  	v2 =	vld [tilespmem:$0x11450];
	_ =	sdelay $0x4  }
0xbc: {  	(v2sf) =	vpush v2, $0x0;
	_ =	sdelay $0xd  }
.Ltmp14:
0xbd: {  	s14 =	sshra.s32 s12, $0x1;
	(pc) =	sbr.rel @p2 .LBB2_15-.Ltmp14, $4  }
0xbe: {  	s13 =	sadd.s32 $0x1, s14;
	s12 =	spop (v2sf)  }
0xbf: {  	p4 =	sge.s32 s12, s0;
	p5 =	slt.s32 s12, s0;
	s12 =	smov.u32 s1  }
0xc0: {  	s12 =	smov.u32 @p5 s13;
	s13 =	smov.u32 s4  }
0xc1: {  	p3 =	slt.s32 s1, s4;
	s13 =	smov.u32 @p4 s14  }
0xc2: {  	s1 =	smov.u32 @p3 s12  }
0xc3: {  	p2 =	sgt.s32 s1, $0x1;
	s4 =	smov.u32 s1  }
0xc4: {  	s4 =	simm.s32 @!p2 $0x1  }
0xc5: {  	s4 =	sshll.u32 s4, $0x4  }
0xc6: {  	s4 =	sadd.s32 $0xFFFFFFF0, s4  }
0xc7: {  	s6 =	sshrl.u32 s4, $0x3  }
0xc8: {  	s12 =	simm.s32 $0x0;
	s6 =	sadd.s32 s2, s6  }
0xc9: {  	[tilespmem:s20], [sflag:$0x3] =	stream.linear.gather [hbm4b:s6+s12], $0x10, $0x38;
	[tilespmem:$0x11C60] =	vst v63  }
0xca: {  	s31 =	simm.s32 $0x186A0;
	_ =	swait.ge [sflag:s16], $0x10  }
0xcb: {  	s6 =	sand.u32 $0x1FFFFFFE, s31;
	[sflag:s16] =	ssyncset.done $0x0  }
0xcc: {  	s6 =	sadd.s32 s2, s6;
	[sflag:s16] =	ssyncadd.s32 $0xFFFFFFF0  }
0xcd: {  	v2 =	vld [tilespmem:$0x11450];
	[tilespmem:s20], [sflag:$0x3] =	stream.linear.gather [hbm4b:s6+s5], $0x10, $0x38  }
0xce: {  	_ =	swait.ge [sflag:s16], $0x10  }
0xcf: {  	[sflag:s16] =	ssyncset.done $0x0  }
0xd0: {  	[sflag:s16] =	ssyncadd.s32 $0xFFFFFFF0  }
0xd1: {  	v3 =	vld [tilespmem:$0x11450];
	_ =	sdelay $0x4  }
0xd2: {  	(v2sf) =	vpush v3, $0x0;
	_ =	sdelay $0xd  }
0xd3: {  	s15 =	simm.s32 $0xC350;
	s17 =	simm.s32 $0xC351;
	s13 =	simm.s32 $0x0  }
0xd4: {  	p3 =	por $0x1, $0x1;
	s6 =	simm.s32 $0x186A0;
	s14 =	spop (v2sf)  }
0xd5: {  	vm0 =	vlt.s32 v2, s0;
	p2 =	slt.s32 s14, s30;
	p4 =	sge.s32 s14, s30;
	s14 =	simm.s32 $0x186A0  }
0xd6: {  	s0 =	simm.s32 $0x10;
	v2 =	vmpcnt.ones.xlane vm0;
	s13 =	smov.u32 @p2 s17;
	s14 =	smov.u32 @p4 s15  }
.LBB2_17:
0xd7: {  	p2 =	sne.s32 s0, $0x1;
	s12 =	smov.u32 @p3 s13;
	s6 =	smov.u32 @p3 s14  }
0xd8: {  	s0 =	sadd.s32 $0xFFFFFFFF, s0;
	s13 =	sadd.s32 s12, s6  }
0xd9: {  	s14 =	sshrl.u32 s13, $0x1F  }
0xda: {  	s13 =	sadd.s32 s14, s13  }
0xdb: {  	s14 =	sand.u32 $0x1FFFFFFE, s13  }
0xdc: {  	s14 =	sadd.s32 s2, s14  }
0xdd: {  	[tilespmem:s20], [sflag:$0x3] =	stream.linear.gather [hbm4b:s14+s5], $0x10, $0x38;
	[tilespmem:$0x11C60] =	vst v63  }
0xde: {  	_ =	swait.ge [sflag:s16], $0x10  }
0xdf: {  	[sflag:s16] =	ssyncset.done $0x0  }
0xe0: {  	[sflag:s16] =	ssyncadd.s32 $0xFFFFFFF0  }
0xe1: {  	v3 =	vld [tilespmem:$0x11450];
	_ =	sdelay $0x4  }
0xe2: {  	(v2sf) =	vpush v3, $0x0;
	_ =	sdelay $0xd  }
.Ltmp15:
0xe3: {  	s15 =	sshra.s32 s13, $0x1;
	(pc) =	sbr.rel @p2 .LBB2_17-.Ltmp15, $4  }
0xe4: {  	s14 =	sadd.s32 $0x1, s15;
	s13 =	spop (v2sf)  }
0xe5: {  	p4 =	sge.s32 s13, s30;
	p5 =	slt.s32 s13, s30;
	s13 =	smov.u32 s12  }
0xe6: {  	s13 =	smov.u32 @p5 s14;
	s14 =	smov.u32 s6  }
0xe7: {  	p3 =	slt.s32 s12, s6;
	s14 =	smov.u32 @p4 s15  }
0xe8: {  	(v2sf) =	vpush v2, $0x0;
	_ =	sdelay $0x6  }
0xe9: {  	s12 =	smov.u32 @p3 s13  }
0xea: {  	p2 =	sgt.s32 s12, $0x1;
	s0 =	smov.u32 s12  }
0xeb: {  	s0 =	simm.s32 @!p2 $0x1  }
0xec: {  	s0 =	sshll.u32 s0, $0x4  }
0xed: {  	s6 =	sadd.s32 $0xFFFFFFF0, s0  }
0xee: {  	s0 =	sshrl.u32 s6, $0x3  }
0xef: {  	s14 =	sadd.s32 s2, s0;
	s0 =	simm.s32 $0x0  }
0xf0: {  	[tilespmem:s20], [sflag:$0x3] =	stream.linear.gather [hbm4b:s14+s0], $0x10, $0x38;
	[tilespmem:$0x11C60] =	vst v63  }
0xf1: {  	s15 =	spop (v2sf)  }
0xf2: {  	_ =	swait.ge [sflag:s16], $0x10  }
0xf3: {  	[sflag:s16] =	ssyncset.done $0x0  }
0xf4: {  	[sflag:s16] =	ssyncadd.s32 $0xFFFFFFF0  }
0xf5: {  	v2 =	vld [tilespmem:$0x11450];
	_ =	sdelay $0x4  }
0xf6: {  	vm0 =	vlt.s32 v2, s30  }
0xf7: {  	v2 =	vmpcnt.ones.xlane vm0;
	_ =	sdelay $0x1  }
0xf8: {  	(v2sf) =	vpush v2, $0x0;
	_ =	sdelay $0xc  }
0xf9: {  	v0 =	vld [tilespmem:$0x112F0]  }
0xfa: {  	v4 =	vld [tilespmem:$0x11300]  }
0xfb: {  	p3 =	seq.s32 s12, $0x0;
	v23 =	vld [tilespmem:$0x11310];
	s17 =	spop (v2sf)  }
0xfc: {  	p2 =	seq.s32 s1, $0x0;
	v24 =	vld [tilespmem:$0x11320];
	s30 =	sadd.s32 s4, s15;
	s31 =	sadd.s32 s6, s17  }
0xfd: {  	v9 =	vld [tilespmem:$0x11340];
	s30 =	simm.s32 @p2 $0x0;
	s31 =	simm.s32 @p3 $0x0  }
0xfe: {  	v27 =	vld [tilespmem:$0x11350];
	s1 =	ssub.s32 s31, s30  }
0xff: {  	v28 =	vld [tilespmem:$0x11360];
	p2 =	slt.s32 s1, $0xFFFFB201  }
.Ltmp16:
0x100: {  	v3 =	vld [tilespmem:$0x11370];
	(pc) =	sbr.rel @p2 .LBB2_19-.Ltmp16, $4  }
0x101: {  	v8 =	vld [tilespmem:$0x11380]  }
0x102: {  	v12 =	vld [tilespmem:$0x11390]  }
0x103: {  	v45 =	vld [tilespmem:$0x113A0]  }
0x104: {  	v2 =	vld [tilespmem:$0x11330]  }
0x105: {  	v14 =	vld [tilespmem:$0x111F0]  }
0x106: {  	v15 =	vld [tilespmem:$0x11200]  }
0x107: {  	v16 =	vld [tilespmem:$0x11210]  }
0x108: {  	v17 =	vld [tilespmem:$0x11220]  }
0x109: {  	v18 =	vld [tilespmem:$0x11230]  }
0x10a: {  	v19 =	vld [tilespmem:$0x11240]  }
0x10b: {  	v20 =	vld [tilespmem:$0x11250]  }
0x10c: {  	v21 =	vld [tilespmem:$0x11260]  }
0x10d: {  	v39 =	vld [tilespmem:$0x113B0]  }
0x10e: {  	v40 =	vld [tilespmem:$0x113C0]  }
0x10f: {  	v41 =	vld [tilespmem:$0x113D0]  }
0x110: {  	v42 =	vld [tilespmem:$0x113E0]  }
0x111: {  	v43 =	vld [tilespmem:$0x113F0];
	v14 =	vadd.f32 v0, v14  }
0x112: {  	v44 =	vld [tilespmem:$0x11400];
	v15 =	vadd.f32 v4, v15  }
0x113: {  	v22 =	vadd.f32 v39, v14;
	v14 =	vadd.f32 v23, v16;
	v16 =	vld [tilespmem:$0x11410]  }
0x114: {  	[tilespmem:$0x1FFF0] =	vst v23;
	v30 =	vmul.f32 $2.000000030e-01, v40;
	v23 =	vadd.f32 v40, v15;
	v15 =	vadd.f32 v24, v17;
	v17 =	vld [tilespmem:$0x11420]  }
0x115: {  	v5 =	vmovc v24;
	v31 =	vmul.f32 $2.000000030e-01, v41;
	v24 =	vadd.f32 v41, v14;
	v14 =	vadd.f32 v2, v18;
	v18 =	vld [tilespmem:$0x11270]  }
0x116: {  	v33 =	vmul.f32 $2.000000030e-01, v42;
	v25 =	vadd.f32 v42, v15;
	v15 =	vadd.f32 v9, v19;
	v19 =	vld [tilespmem:$0x11280]  }
0x117: {  	v34 =	vmul.f32 $2.000000030e-01, v43;
	v26 =	vadd.f32 v43, v14;
	v14 =	vadd.f32 v27, v20;
	v20 =	vld [tilespmem:$0x11290]  }
0x118: {  	v10 =	vmovc v9;
	v36 =	vmul.f32 $2.000000030e-01, v44;
	v9 =	vmovc v27;
	v27 =	vadd.f32 v44, v15;
	v15 =	vadd.f32 v28, v21;
	v21 =	vld [tilespmem:$0x112A0]  }
0x119: {  	v11 =	vmovc v28;
	v28 =	vmul.f32 $2.000000030e-01, v39;
	v37 =	vmul.f32 $2.000000030e-01, v16;
	v29 =	vadd.f32 v16, v14  }
0x11a: {  	s0 =	smulhi.u32 $0xD20D20D3, s1;
	v32 =	vadd.f32 v17, v15;
	v14 =	vmul.f32 $-1.000000010e-01, v39;
	v15 =	vmul.f32 $3.990000150e+01, v43  }
0x11b: {  	s4 =	sshra.s32 s1, $0x1F;
	v16 =	vmul.f32 $3.990000150e+01, v16;
	v43 =	vmul.f32 $2.000000030e-01, v17  }
0x11c: {  	s4 =	smul.u32 $0xD20D20D3, s4;
	v35 =	vadd.f32 v3, v18;
	v38 =	vadd.f32 v8, v19;
	v18 =	vmul.f32 $-1.000000010e-01, v40  }
0x11d: {  	s0 =	ssub.s32 s0, s1;
	v19 =	vmul.f32 $3.990000150e+01, v44;
	v39 =	vadd.f32 v12, v20;
	v40 =	vadd.f32 v45, v21  }
.Ltmp17:
0x11e: {  	s0 =	sadd.s32 s4, s0;
	v20 =	vmul.f32 $-1.000000010e-01, v41;
	v41 =	vadd.f32 v15, v14;
	v14 =	vmul.f32 $-1.000000010e-01, v42;
	(pc) =	sbr.rel .LBB2_24-.Ltmp17, $4  }
0x11f: {  	v46 =	vld [tilespmem:$0x112C0];
	s0 =	sadd.s32 s1, s0;
	v15 =	vmul.f32 $3.990000150e+01, v17;
	v44 =	vadd.f32 v19, v18;
	v19 =	vimm.f32 $1.000000000e+00  }
0x120: {  	[dreg:$0x8] =	wrdreg s29;
	v48 =	vld [tilespmem:$0x112D0];
	v7 =	vmovc v8;
	s1 =	sshrl.u32 s0, $0x1F;
	s0 =	sshra.s32 s0, $0xD;
	v17 =	vimm.f32 $0.0e+00;
	v18 =	vimm.f32 $0.0e+00;
	v21 =	vimm.f32 $0.0e+00  }
0x121: {  	[tilespmem:$0x1FFD0] =	vst v0;
	v49 =	vld [tilespmem:$0x112E0];
	s26 =	simm.s32 $0xFFFFFFFF;
	[dreg:$0x9] =	wrdreg s30;
	s0 =	sadd.s32 s1, s0;
	v8 =	vmovc v12;
	v12 =	vmovc v45;
	v45 =	vadd.f32 v16, v20;
	v47 =	vadd.f32 v15, v14;
	v14 =	vimm.f32 $0.0e+00  }
0x122: {  	[tilespmem:$0x1FFE0] =	vst v4;
	v6 =	vmovc v3;
	v13 =	vmovc v2;
	s1 =	simm.s32 $0x0;
	s4 =	sadd.s32 $0x1, s0;
	s0 =	simm.s32 $0x0;
	v42 =	vld [tilespmem:$0x112B0];
	v15 =	vimm.f32 $0.0e+00;
	v16 =	vimm.f32 $0.0e+00;
	v20 =	vimm.f32 $0.0e+00  }
.LBB2_29:
0x123: {  	p2 =	sgt.s32 s12, $0x0  }
0x124: {  	s12 =	simm.s32 @!p2 $0x0;
	p2 =	sne.s32 s1, s4  }
.Ltmp18:
0x125: {  	_ = 	snop;
	(pc) =	sbr.rel @!p2 .LBB2_30-.Ltmp18, $3  }
0x126: {  	_ =	sdelay $0x1  }
0x127: {  	s6 =	sadd.s32 $0x1, s1  }
0x128: {  	s1 =	smov.u32 s6;
	s30 =	sadd.s32 s30, s12  }
.LBB2_24:
0x129: {  	s6 =	sshra.s32 s30, $0x1F  }
0x12a: {  	s6 =	sshrl.u32 s6, $0x1C  }
0x12b: {  	s6 =	sadd.s32 s6, s30  }
0x12c: {  	s6 =	sand.u32 $0xFFFFFFF0, s6  }
0x12d: {  	p2 =	slt.s32 s6, $0x1842F0  }
0x12e: {  	s6 =	simm.s32 @!p2 $0x1842F0  }
0x12f: {  	s13 =	rddreg [dreg:$0x4];
	s12 =	sshrl.u32 s6, $0x3  }
0x130: {  	s13 =	sadd.s32 s13, s12  }
0x131: {  	[tilespmem:s5], [sflag:$0x3] =	stream.linear.gather [hbm4b:s13+s5], $0x2710, $0x38;
	[tilespmem:$0x11C60] =	vst v63  }
0x132: {  	_ =	swait.ge [sflag:s16], $0x2710  }
0x133: {  	[sflag:s16] =	ssyncset.done $0x0  }
0x134: {  	s14 =	simm.s32 $0x2720;
	s29 =	sadd.s32 s7, s12;
	[sflag:s16] =	ssyncadd.s32 $0xFFFFD8F0  }
0x135: {  	[tilespmem:s14], [sflag:$0x3] =	stream.linear.gather [hbm4b:s29+s5], $0x2710, $0x38;
	[tilespmem:$0x11C60] =	vst v63  }
0x136: {  	_ =	swait.ge [sflag:s16], $0x2710  }
0x137: {  	[sflag:s16] =	ssyncset.done $0x0  }
0x138: {  	s15 =	simm.s32 $0x4E40;
	s14 =	sadd.s32 s8, s12;
	[sflag:s16] =	ssyncadd.s32 $0xFFFFD8F0  }
0x139: {  	[tilespmem:s15], [sflag:$0x3] =	stream.linear.gather [hbm4b:s14+s5], $0x2710, $0x38;
	[tilespmem:$0x11C60] =	vst v63  }
0x13a: {  	_ =	swait.ge [sflag:s16], $0x2710  }
0x13b: {  	[sflag:s16] =	ssyncset.done $0x0  }
0x13c: {  	s21 =	simm.s32 $0x7560;
	s17 =	sadd.s32 s9, s12;
	[sflag:s16] =	ssyncadd.s32 $0xFFFFD8F0  }
0x13d: {  	[tilespmem:s21], [sflag:$0x3] =	stream.linear.gather [hbm4b:s17+s5], $0x2710, $0x38;
	[tilespmem:$0x11C60] =	vst v63  }
0x13e: {  	_ =	swait.ge [sflag:s16], $0x2710  }
0x13f: {  	[sflag:s16] =	ssyncset.done $0x0  }
0x140: {  	s23 =	simm.s32 $0x9C80;
	s22 =	sadd.s32 s10, s12;
	[sflag:s16] =	ssyncadd.s32 $0xFFFFD8F0  }
0x141: {  	[tilespmem:s23], [sflag:$0x3] =	stream.linear.gather [hbm4b:s22+s5], $0x2710, $0x38;
	[tilespmem:$0x11C60] =	vst v63  }
0x142: {  	_ =	swait.ge [sflag:s16], $0x2710  }
0x143: {  	[sflag:s16] =	ssyncset.done $0x0  }
0x144: {  	s25 =	simm.s32 $0xC3A0;
	s24 =	sadd.s32 s11, s12;
	[sflag:s16] =	ssyncadd.s32 $0xFFFFD8F0  }
0x145: {  	[tilespmem:s25], [sflag:$0x3] =	stream.linear.gather [hbm4b:s24+s5], $0x2710, $0x38;
	[tilespmem:$0x11C60] =	vst v63  }
0x146: {  	_ =	swait.ge [sflag:s16], $0x2710  }
0x147: {  	[sflag:s16] =	ssyncset.done $0x0  }
0x148: {  	s12 =	sadd.s32 s2, s12;
	s29 =	simm.s32 $0xEAC0;
	[sflag:s16] =	ssyncadd.s32 $0xFFFFD8F0  }
0x149: {  	[tilespmem:s29], [sflag:$0x3] =	stream.linear.gather [hbm4b:s12+s5], $0x2710, $0x38;
	[tilespmem:$0x11C60] =	vst v63  }
0x14a: {  	s12 =	sadd.s32 $0x2710, s6  }
0x14b: {  	s14 =	smov.u32 s31;
	p2 =	slt.s32 s12, s31  }
0x14c: {  	s14 =	smov.u32 @p2 s12  }
0x14d: {  	s12 =	ssub.s32 s14, s30  }
0x14e: {  	p2 =	slt.s32 s12, $0x1  }
.Ltmp19:
0x14f: {  	_ = 	snop;
	(pc) =	sbr.rel @p2 .LBB2_29-.Ltmp19, $4  }
0x150: {  	_ = 	snop  }
0x151: {  	_ =	swait.ge [sflag:s16], $0x2710  }
0x152: {  	[sflag:s16] =	ssyncset.done $0x0  }
0x153: {  	[sflag:s16] =	ssyncadd.s32 $0xFFFFD8F0  }
.Ltmp20:
0x154: {  	s6 =	sshll.u32 s6, $0x2;
	(pc) =	sbr.rel .LBB2_26-.Ltmp20, $4  }
0x155: {  	s14 =	ssub.s32 s30, s14;
	s25 =	sshll.u32 s30, $0x2;
	s6 =	ssub.s32 $0x0, s6  }
0x156: {  	s15 =	smov.u32 s26;
	s13 =	sshra.s32 s6, $0x2;
	s6 =	sshra.s32 s25, $0x2  }
0x157: {  	s29 =	sadd.s32 $0xEAC0, s13;
	s21 =	sadd.s32 $0x2720, s13;
	s22 =	sadd.s32 $0x4E40, s13  }
0x158: {  	s23 =	sadd.s32 $0x7560, s13;
	s24 =	sadd.s32 $0x9C80, s13;
	s25 =	sadd.s32 $0xC3A0, s13;
	v50 =	vmov s6  }
.LBB2_28:
0x159: {  	v0 =	vperm.xlane v51, v1;
	v51 =	vperm.xlane v53, v1  }
0x15a: {  	v59 =	vperm.xlane v55, v1;
	v60 =	vperm.xlane v56, v1  }
0x15b: {  	v52 =	vperm.xlane v52, v1;
	v54 =	vperm.xlane v54, v1  }
0x15c: {  	v53 =	vcvt.s32.f32 v59;
	v55 =	vcvt.s32.f32 v60  }
0x15d: {  	v56 =	vmul.f32 v0, v22;
	v57 =	vmul.f32 v51, v26  }
0x15e: {  	v58 =	vmul.f32 v52, v35;
	v61 =	vmul.f32 v52, v38  }
0x15f: {  	v63 =	vmul.f32 v51, v29;
	v2 =	vmul.f32 v54, v48  }
0x160: {  	v59 =	vmul.f32 v54, v42;
	v60 =	vmul.f32 v55, v28  }
0x161: {  	v3 =	vmul.f32 v0, v25;
	v56 =	vadd.f32 v56, v41;
	v57 =	vadd.f32 v58, v57  }
0x162: {  	v20 =	vadd.f32 v0, v20;
	v58 =	vsub.f32 v59, v60;
	v59 =	vmul.f32 v53, v34  }
0x163: {  	v60 =	vmul.f32 v0, v23;
	v56 =	vadd.f32 v57, v56;
	v57 =	vmul.f32 v51, v27  }
0x164: {  	v62 =	vmul.f32 v55, v30;
	v58 =	vsub.f32 v58, v59;
	v59 =	vmul.f32 v54, v46  }
0x165: {  	v4 =	vmul.f32 v52, v40;
	v60 =	vadd.f32 v60, v44;
	v57 =	vadd.f32 v61, v57  }
0x166: {  	v21 =	vadd.f32 v51, v21;
	v61 =	vmul.f32 v53, v36;
	v59 =	vsub.f32 v59, v62  }
0x167: {  	v18 =	vadd.f32 v52, v18;
	v57 =	vadd.f32 v57, v60;
	v60 =	vmul.f32 v52, v39  }
0x168: {  	v62 =	vmul.f32 v0, v24;
	v59 =	vsub.f32 v59, v61;
	v61 =	vmul.f32 v55, v31  }
0x169: {  	v54 =	vmul.f32 v54, v49;
	v60 =	vadd.f32 v60, v63;
	v63 =	vmul.f32 v51, v32  }
0x16a: {  	v55 =	vmul.f32 v55, v33;
	v2 =	vsub.f32 v2, v61;
	v61 =	vadd.f32 v62, v45  }
0x16b: {  	v3 =	vadd.f32 v3, v47;
	v4 =	vadd.f32 v4, v63;
	v62 =	vmul.f32 v53, v37  }
0x16c: {  	v54 =	vsub.f32 v54, v55;
	v53 =	vmul.f32 v53, v43;
	v61 =	vadd.f32 v60, v61  }
0x16d: {  	s6 =	simm.s32 $0x1;
	s14 =	sadd.s32 $0x1, s14;
	v2 =	vsub.f32 v2, v62;
	v3 =	vadd.f32 v4, v3  }
0x16e: {  	s6 =	simm.s32 @!p3 $0x0;
	p3 =	seq.s32 s14, $0x0;
	v20 =	vpsel p2, v0, v20;
	v4 =	vsub.f32 v54, v53;
	v62 =	vadd.f32 v58, v56  }
.Ltmp21:
0x16f: {  	v21 =	vpsel p2, v51, v21;
	v63 =	vadd.f32 v59, v57;
	v2 =	vadd.f32 v2, v61;
	(pc) =	sbr.rel @p3 .LBB2_29-.Ltmp21, $4  }
0x170: {  	v3 =	vadd.f32 v4, v3;
	v4 =	vadd.f32 $1.000000000e+00, v19;
	v0 =	vmax.f32 v17, v62  }
0x171: {  	s29 =	sadd.s32 $0x1, s29;
	s13 =	sadd.s32 $0x1, s13;
	s21 =	sadd.s32 $0x1, s21;
	v18 =	vpsel p2, v52, v18;
	v17 =	vpsel p2, v62, v0;
	v0 =	vmax.f32 v16, v63  }
0x172: {  	s22 =	sadd.s32 $0x1, s22;
	s23 =	sadd.s32 $0x1, s23;
	s24 =	sadd.s32 $0x1, s24;
	v19 =	vpsel p2, $0x3F800000, v4;
	v4 =	vmax.f32 v15, v2;
	v14 =	vmax.f32 v14, v3  }
0x173: {  	s25 =	sadd.s32 $0x1, s25;
	s15 =	smov.u32 s26;
	s0 =	sadd.s32 s6, s0;
	v16 =	vpsel p2, v63, v0;
	v15 =	vpsel p2, v2, v4;
	v14 =	vpsel p2, v3, v14  }
.LBB2_26:
0x174: {  	_ =	sdelay $0x3  }
0x175: {  	v51 =	vld.idx.msk [tilespmem:v50+s29+$0x0 ss:$0x1], $0xffff;
	_ =	sdelay $0x4  }
0x176: {  	(v2sf) =	vpush v51, $0x0;
	_ =	sdelay $0xe  }
0x177: {  	s26 =	spop (v2sf)  }
0x178: {  	v53 =	vld.idx.msk [tilespmem:v50+s21+$0x0 ss:$0x1], $0xffff;
	p3 =	sgt.s32 s15, $0xFFFFFFFF;
	p2 =	sne.s32 s26, s15  }
0x179: {  	v52 =	vld.idx.msk [tilespmem:v50+s22+$0x0 ss:$0x1], $0xffff;
	p3 =	por !p3, !p2  }
0x17a: {  	v55 =	vld.idx.msk [tilespmem:v50+s24+$0x0 ss:$0x1], $0xffff;
	p3 =	por !p3, !p3  }
.Ltmp22:
0x17b: {  	v51 =	vld.idx.msk [tilespmem:v50+s13+$0x0 ss:$0x1], $0xffff;
	(pc) =	sbr.rel @!p3 .LBB2_28-.Ltmp22, $2  }
0x17c: {  	v56 =	vld.idx.msk [tilespmem:v50+s25+$0x0 ss:$0x1], $0xffff  }
0x17d: {  	v54 =	vld.idx.msk [tilespmem:v50+s23+$0x0 ss:$0x1], $0xffff;
	_ =	sdelay $0x2  }
0x17e: {  	s6 =	sshra.s32 s0, $0x1F  }
0x17f: {  	s6 =	sshrl.u32 s6, $0x1C  }
0x180: {  	s6 =	sadd.s32 s6, s0  }
0x181: {  	s6 =	sand.u32 $0xFFFFFFF0, s6  }
0x182: {  	p4 =	slt.s32 s0, $0x1;
	s17 =	ssub.s32 s0, s6  }
0x183: {  	p5 =	sne.s32 @!p4 s17, $0x0  }
0x184: {  	p4 =	por p5, p4  }
0x185: {  	s6 =	simm.s32 @!p4 $0x2  }
0x186: {  	_ =	swait.ge @!p4 [sflag:s6], $0x40  }
0x187: {  	[sflag:s6] =	ssyncset.done @!p4 $0x0  }
0x188: {  	[sflag:s6] =	ssyncadd.s32 @!p4 $0xFFFFFFC0  }
0x189: {  	_ =	swait.ge @!p4 [sflag:s6], $0x40  }
0x18a: {  	[sflag:s6] =	ssyncset.done @!p4 $0x0  }
0x18b: {  	[sflag:s6] =	ssyncadd.s32 @!p4 $0xFFFFFFC0  }
0x18c: {  	_ =	swait.ge @!p4 [sflag:s6], $0x40  }
0x18d: {  	[sflag:s6] =	ssyncset.done @!p4 $0x0  }
0x18e: {  	[sflag:s6] =	ssyncadd.s32 @!p4 $0xFFFFFFC0  }
0x18f: {  	_ =	swait.ge @!p4 [sflag:s6], $0x40  }
0x190: {  	[sflag:s6] =	ssyncset.done @!p4 $0x0  }
0x191: {  	[sflag:s6] =	ssyncadd.s32 @!p4 $0xFFFFFFC0  }
0x192: {  	_ =	swait.ge @!p4 [sflag:s6], $0x40  }
0x193: {  	[sflag:s6] =	ssyncset.done @!p4 $0x0  }
0x194: {  	[sflag:s6] =	ssyncadd.s32 @!p4 $0xFFFFFFC0  }
0x195: {  	_ =	swait.ge @!p4 [sflag:s6], $0x40  }
0x196: {  	[sflag:s6] =	ssyncset.done @!p4 $0x0  }
0x197: {  	[sflag:s6] =	ssyncadd.s32 @!p4 $0xFFFFFFC0  }
0x198: {  	_ =	swait.ge @!p4 [sflag:s6], $0x40  }
0x199: {  	[sflag:s6] =	ssyncset.done @!p4 $0x0  }
0x19a: {  	[sflag:s6] =	ssyncadd.s32 @!p4 $0xFFFFFFC0  }
0x19b: {  	_ =	swait.ge @!p4 [sflag:s6], $0x40  }
0x19c: {  	[sflag:s6] =	ssyncset.done @!p4 $0x0  }
0x19d: {  	[sflag:s6] =	ssyncadd.s32 @!p4 $0xFFFFFFC0  }
0x19e: {  	_ =	swait.ge @!p4 [sflag:s6], $0x40  }
0x19f: {  	[sflag:s6] =	ssyncset.done @!p4 $0x0  }
0x1a0: {  	[sflag:s6] =	ssyncadd.s32 @!p4 $0xFFFFFFC0  }
0x1a1: {  	_ =	swait.ge @!p4 [sflag:s6], $0x40  }
0x1a2: {  	[sflag:s6] =	ssyncset.done @!p4 $0x0  }
0x1a3: {  	[sflag:s6] =	ssyncadd.s32 @!p4 $0xFFFFFFC0  }
0x1a4: {  	_ =	swait.ge @!p4 [sflag:s6], $0x40  }
0x1a5: {  	[sflag:s6] =	ssyncset.done @!p4 $0x0  }
0x1a6: {  	[sflag:s6] =	ssyncadd.s32 @!p4 $0xFFFFFFC0  }
0x1a7: {  	_ =	swait.ge @!p4 [sflag:s6], $0x40  }
0x1a8: {  	[sflag:s6] =	ssyncset.done @!p4 $0x0  }
0x1a9: {  	[sflag:s6] =	ssyncadd.s32 @!p4 $0xFFFFFFC0  }
0x1aa: {  	_ =	swait.ge @!p4 [sflag:s6], $0x40  }
0x1ab: {  	[sflag:s6] =	ssyncset.done @!p4 $0x0  }
0x1ac: {  	[sflag:s6] =	ssyncadd.s32 @!p4 $0xFFFFFFC0  }
0x1ad: {  	_ =	swait.ge @!p4 [sflag:s6], $0x40  }
0x1ae: {  	[sflag:s6] =	ssyncset.done @!p4 $0x0  }
0x1af: {  	[sflag:s6] =	ssyncadd.s32 @!p4 $0xFFFFFFC0  }
0x1b0: {  	_ =	swait.ge @!p4 [sflag:s6], $0x40  }
0x1b1: {  	[sflag:s6] =	ssyncset.done @!p4 $0x0  }
0x1b2: {  	[sflag:s6] =	ssyncadd.s32 @!p4 $0xFFFFFFC0  }
0x1b3: {  	_ =	swait.ge @!p4 [sflag:s6], $0x40  }
0x1b4: {  	v0 =	vld [tilespmem:$0x1FFD0];
	_ =	sdelay $0x4  }
0x1b5: {  	v57 =	vmul.f32 v20, v0;
	v0 =	vld [tilespmem:$0x1FFE0];
	_ =	sdelay $0x3  }
0x1b6: {  	(erf) = vrcp.f32 v19  }
0x1b7: {  	v60 =	vmul.f32 v20, v0;
	v0 =	vld [tilespmem:$0x1FFF0];
	_ =	sdelay $0x2  }
0x1b8: {  	v58 =	vmul.f32 v21, v13;
	v59 =	vmul.f32 v18, v6  }
0x1b9: {  	v61 =	vmul.f32 v21, v10;
	v62 =	vmul.f32 v18, v7  }
0x1ba: {  	v63 =	vmul.f32 v21, v9;
	v57 =	vadd.f32 v58, v57;
	v58 =	vmul.f32 v20, v0  }
0x1bb: {  	v60 =	vadd.f32 v61, v60;
	v61 =	vmul.f32 v20, v5;
	v0 =	vmul.f32 v21, v11  }
0x1bc: {  	v57 =	vadd.f32 v59, v57;
	v59 =	vmul.f32 v18, v8;
	v58 =	vadd.f32 v63, v58  }
0x1bd: {  	v60 =	vadd.f32 v62, v60;
	v62 =	vpop (erf);
	v0 =	vadd.f32 v0, v61;
	v61 =	vmul.f32 v18, v12  }
0x1be: {  	v57 =	vmul.f32 v57, v62;
	v58 =	vadd.f32 v59, v58  }
0x1bf: {  	v0 =	vadd.f32 v61, v0;
	v61 =	vmul.f32 v60, v62  }
0x1c0: {  	v57 =	vsub.f32 v17, v57;
	v58 =	vmul.f32 v58, v62  }
0x1c1: {  	s17 =	sshll.u32 s17, $0x8;
	[sflag:s6] =	ssyncset.done @!p4 $0x0;
	v0 =	vmul.f32 v0, v62;
	v59 =	vsub.f32 v16, v61  }
0x1c2: {  	[sflag:s6] =	ssyncadd.s32 @!p4 $0xFFFFFFC0;
	s6 =	sshra.s32 s17, $0x2;
	v57 =	vmax.f32 v57, $0.0e+00;
	v58 =	vsub.f32 v15, v58  }
.Ltmp23:
0x1c3: {  	[tilespmem:s6+$0x11460] =	vst v57;
	v62 =	vmax.f32 v59, $0.0e+00;
	v0 =	vsub.f32 v14, v0;
	(pc) =	sbr.rel .LBB2_28-.Ltmp23, $4  }
0x1c4: {  	s15 =	sshll.u32 s15, $0x3;
	[tilespmem:s6+$0x11470] =	vst v62;
	v63 =	vmax.f32 v58, $0.0e+00  }
0x1c5: {  	s15 =	sand.u32 $0x1FFFFFF8, s15;
	v0 =	vmax.f32 v0, $0.0e+00;
	[tilespmem:s6+$0x11480] =	vst v63  }
0x1c6: {  	s15 =	sadd.s32 s3, s15;
	s17 =	sadd.s32 $0x11460, s6;
	[tilespmem:s6+$0x11490] =	vst v0  }
0x1c7: {  	[hbm4b:s15+s5] =	stream.linear.scatter [tilespmem:s17], [sflag:$0x2], $0x40, $0x38;
	[tilespmem:$0x11C60] =	vst v63  }
.LBB2_19:
.Ltmp24:
0x1c8: {  	(pc) =	sbr.rel .LBB2_31-.Ltmp24, $4  }
0x1c9: {  	_ = 	snop  }
0x1ca: {  	v20 =	vimm.f32 $0.0e+00;
	v19 =	vimm.f32 $1.000000000e+00  }
0x1cb: {  	v21 =	vimm.f32 $0.0e+00;
	v18 =	vimm.f32 $0.0e+00;
	v17 =	vimm.f32 $0.0e+00  }
0x1cc: {  	s1 =	simm.s32 $0x1FFFFFF8;
	v16 =	vimm.f32 $0.0e+00;
	v15 =	vimm.f32 $0.0e+00;
	v14 =	vimm.f32 $0.0e+00  }
.LBB2_30:
0x1cd: {  	s21 =	rddreg [dreg:$0x0]  }
0x1ce: {  	s22 =	rddreg [dreg:$0x5]  }
0x1cf: {  	s23 =	rddreg [dreg:$0x6]  }
0x1d0: {  	s24 =	rddreg [dreg:$0x7];
	v23 =	vld [tilespmem:$0x1FFF0]  }
0x1d1: {  	s1 =	sshll.u32 s26, $0x3;
	s25 =	simm.s32 $0x111F0;
	v22 =	vimm.f32 $0.0e+00;
	s29 =	rddreg [dreg:$0x8];
	v24 =	vmovc v5;
	v4 =	vld [tilespmem:$0x1FFE0];
	v27 =	vmovc v9;
	v9 =	vmov v10;
	v28 =	vmov v11  }
0x1d2: {  	s26 =	simm.s32 $0x11440;
	v0 =	vld [tilespmem:$0x1FFD0];
	v45 =	vmovc v12;
	v2 =	vmovc v13;
	v12 =	vmov v8;
	v8 =	vmov v7;
	v3 =	vmov v6;
	s30 =	rddreg [dreg:$0x9];
	s1 =	sand.u32 $0x1FFFFFF8, s1  }
.LBB2_31:
0x1d3: {  	p2 =	sle.s32 s31, s30  }
0x1d4: {  	s4 =	sshra.s32 @!p2 s0, $0x1F  }
0x1d5: {  	s4 =	sshrl.u32 @!p2 s4, $0x1C  }
0x1d6: {  	s4 =	sadd.s32 @!p2 s4, s0  }
0x1d7: {  	p3 =	slt.s32 @!p2 s0, $0x1;
	s4 =	sand.u32 @!p2 $0xFFFFFFF0, s4  }
0x1d8: {  	p4 =	por p3, p2;
	s0 =	ssub.s32 @!p2 s0, s4  }
0x1d9: {  	p4 =	sne.s32 @!p4 s0, $0x0  }
0x1da: {  	p3 =	por @!p2 p4, p3  }
0x1db: {  	p3 =	por p3, p2  }
0x1dc: {  	s4 =	simm.s32 @!p3 $0x2  }
0x1dd: {  	_ =	swait.ge @!p3 [sflag:s4], $0x40  }
0x1de: {  	[sflag:s4] =	ssyncset.done @!p3 $0x0  }
0x1df: {  	[sflag:s4] =	ssyncadd.s32 @!p3 $0xFFFFFFC0  }
0x1e0: {  	_ =	swait.ge @!p3 [sflag:s4], $0x40  }
0x1e1: {  	[sflag:s4] =	ssyncset.done @!p3 $0x0  }
0x1e2: {  	[sflag:s4] =	ssyncadd.s32 @!p3 $0xFFFFFFC0  }
0x1e3: {  	_ =	swait.ge @!p3 [sflag:s4], $0x40  }
0x1e4: {  	[sflag:s4] =	ssyncset.done @!p3 $0x0  }
0x1e5: {  	[sflag:s4] =	ssyncadd.s32 @!p3 $0xFFFFFFC0  }
0x1e6: {  	_ =	swait.ge @!p3 [sflag:s4], $0x40  }
0x1e7: {  	[sflag:s4] =	ssyncset.done @!p3 $0x0  }
0x1e8: {  	[sflag:s4] =	ssyncadd.s32 @!p3 $0xFFFFFFC0  }
0x1e9: {  	_ =	swait.ge @!p3 [sflag:s4], $0x40  }
0x1ea: {  	[sflag:s4] =	ssyncset.done @!p3 $0x0  }
0x1eb: {  	[sflag:s4] =	ssyncadd.s32 @!p3 $0xFFFFFFC0  }
0x1ec: {  	_ =	swait.ge @!p3 [sflag:s4], $0x40  }
0x1ed: {  	[sflag:s4] =	ssyncset.done @!p3 $0x0  }
0x1ee: {  	[sflag:s4] =	ssyncadd.s32 @!p3 $0xFFFFFFC0  }
0x1ef: {  	_ =	swait.ge @!p3 [sflag:s4], $0x40  }
0x1f0: {  	[sflag:s4] =	ssyncset.done @!p3 $0x0  }
0x1f1: {  	[sflag:s4] =	ssyncadd.s32 @!p3 $0xFFFFFFC0  }
0x1f2: {  	_ =	swait.ge @!p3 [sflag:s4], $0x40  }
0x1f3: {  	[sflag:s4] =	ssyncset.done @!p3 $0x0  }
0x1f4: {  	[sflag:s4] =	ssyncadd.s32 @!p3 $0xFFFFFFC0  }
0x1f5: {  	_ =	swait.ge @!p3 [sflag:s4], $0x40  }
0x1f6: {  	[sflag:s4] =	ssyncset.done @!p3 $0x0  }
0x1f7: {  	[sflag:s4] =	ssyncadd.s32 @!p3 $0xFFFFFFC0  }
0x1f8: {  	_ =	swait.ge @!p3 [sflag:s4], $0x40  }
0x1f9: {  	[sflag:s4] =	ssyncset.done @!p3 $0x0  }
0x1fa: {  	[sflag:s4] =	ssyncadd.s32 @!p3 $0xFFFFFFC0  }
0x1fb: {  	_ =	swait.ge @!p3 [sflag:s4], $0x40  }
0x1fc: {  	[sflag:s4] =	ssyncset.done @!p3 $0x0  }
0x1fd: {  	[sflag:s4] =	ssyncadd.s32 @!p3 $0xFFFFFFC0  }
0x1fe: {  	_ =	swait.ge @!p3 [sflag:s4], $0x40  }
0x1ff: {  	[sflag:s4] =	ssyncset.done @!p3 $0x0  }
0x200: {  	[sflag:s4] =	ssyncadd.s32 @!p3 $0xFFFFFFC0  }
0x201: {  	_ =	swait.ge @!p3 [sflag:s4], $0x40  }
0x202: {  	[sflag:s4] =	ssyncset.done @!p3 $0x0  }
0x203: {  	[sflag:s4] =	ssyncadd.s32 @!p3 $0xFFFFFFC0  }
0x204: {  	_ =	swait.ge @!p3 [sflag:s4], $0x40  }
0x205: {  	[sflag:s4] =	ssyncset.done @!p3 $0x0  }
0x206: {  	[sflag:s4] =	ssyncadd.s32 @!p3 $0xFFFFFFC0  }
0x207: {  	_ =	swait.ge @!p3 [sflag:s4], $0x40  }
0x208: {  	[sflag:s4] =	ssyncset.done @!p3 $0x0  }
0x209: {  	[sflag:s4] =	ssyncadd.s32 @!p3 $0xFFFFFFC0  }
0x20a: {  	_ =	swait.ge @!p3 [sflag:s4], $0x40  }
0x20b: {  	(erf) = vrcp.f32 @!p2 v19;
	_ =	sdelay $0x2  }
0x20c: {  	v2 =	vmul.f32 @!p2 v21, v2;
	v3 =	vmul.f32 @!p2 v18, v3  }
0x20d: {  	v5 =	vmul.f32 @!p2 v21, v9;
	v0 =	vmul.f32 @!p2 v20, v0  }
0x20e: {  	v6 =	vmul.f32 @!p2 v21, v27;
	v4 =	vmul.f32 @!p2 v20, v4  }
0x20f: {  	v7 =	vmul.f32 @!p2 v18, v8;
	v0 =	vadd.f32 @!p2 v2, v0;
	v2 =	vmul.f32 @!p2 v20, v23  }
0x210: {  	v8 =	vmul.f32 @!p2 v21, v28;
	v4 =	vadd.f32 @!p2 v5, v4;
	v5 =	vmul.f32 @!p2 v20, v24  }
0x211: {  	v0 =	vadd.f32 @!p2 v3, v0;
	v2 =	vadd.f32 @!p2 v6, v2;
	v3 =	vmul.f32 @!p2 v18, v12  }
0x212: {  	v4 =	vadd.f32 @!p2 v7, v4;
	v5 =	vadd.f32 @!p2 v8, v5;
	v7 =	vmul.f32 @!p2 v18, v45;
	v6 =	vpop @!p2 (erf)  }
0x213: {  	v2 =	vadd.f32 @!p2 v3, v2;
	v0 =	vmul.f32 @!p2 v0, v6  }
0x214: {  	v3 =	vmul.f32 @!p2 v4, v6;
	v4 =	vadd.f32 @!p2 v7, v5  }
0x215: {  	v2 =	vmul.f32 @!p2 v2, v6;
	v0 =	vsub.f32 @!p2 v17, v0  }
0x216: {  	s6 =	sshll.u32 @!p2 s0, $0x8;
	[sflag:s4] =	ssyncset.done @!p3 $0x0;
	v3 =	vsub.f32 @!p2 v16, v3;
	v4 =	vmul.f32 @!p2 v4, v6  }
0x217: {  	[sflag:s4] =	ssyncadd.s32 @!p3 $0xFFFFFFC0;
	s4 =	sshra.s32 @!p2 s6, $0x2;
	v2 =	vsub.f32 @!p2 v15, v2;
	v0 =	vmax.f32 @!p2 v0, $0.0e+00  }
0x218: {  	[tilespmem:s4+$0x11460] =	vst @!p2 v0;
	v0 =	vmax.f32 @!p2 v3, $0.0e+00;
	v3 =	vsub.f32 @!p2 v14, v4  }
0x219: {  	[tilespmem:s4+$0x11470] =	vst @!p2 v0;
	v0 =	vmax.f32 @!p2 v2, $0.0e+00  }
0x21a: {  	s1 =	sadd.s32 @!p2 s3, s1;
	[tilespmem:s4+$0x11480] =	vst @!p2 v0;
	v0 =	vmax.f32 @!p2 v3, $0.0e+00  }
0x21b: {  	p3 =	slt.s32 @!p2 s0, $0x0;
	s6 =	sadd.s32 @!p2 $0x11460, s4;
	[tilespmem:s4+$0x11490] =	vst @!p2 v0;
	s4 =	simm.s32 @!p2 $0x0  }
0x21c: {  	[hbm4b:s1+s4] =	stream.linear.scatter @!p2 [tilespmem:s6], [sflag:$0x2], $0x40, $0x38;
	[tilespmem:$0x11C60] =	vst v63  }
0x21d: {  	p2 =	por p2, p3  }
.Ltmp25:
0x21e: {  	_ = 	snop;
	(pc) =	sbr.rel @p2 .LBB2_35-.Ltmp25, $1  }
0x21f: {  	_ =	sdelay $0x3  }
0x220: {  	s0 =	sadd.s32 $0x1, s0  }
0x221: {  	p2 =	sne.s32 s0, $0x1  }
.Ltmp26:
0x222: {  	_ = 	snop;
	(pc) =	sbr.rel @!p2 .LBB2_34-.Ltmp26, $3  }
0x223: {  	_ =	sdelay $0x1  }
0x224: {  	_ =	swait.ge [sflag:s28], $0x40  }
0x225: {  	s0 =	sadd.s32 $0xFFFFFFFF, s0;
	[sflag:s28] =	ssyncset.done $0x0  }
.LBB2_33:
0x226: {  	p2 =	sne.s32 s0, $0x1;
	s0 =	sadd.s32 $0xFFFFFFFF, s0;
	[sflag:s28] =	ssyncadd.s32 $0xFFFFFFC0  }
.Ltmp27:
0x227: {  	(pc) =	sbr.rel @p2 .LBB2_33-.Ltmp27, $3  }
0x228: {  	_ =	sdelay $0x1  }
0x229: {  	_ =	swait.ge [sflag:s28], $0x40  }
0x22a: {  	[sflag:s28] =	ssyncset.done $0x0  }
.Ltmp28:
0x22b: {  	_ = 	snop;
	(pc) =	sbr.rel .LBB2_34-.Ltmp28, $1  }
0x22c: {  	_ =	sdelay $0x3  }
.LBB2_36:
0x22d: {  	_ =	sfence.sel $0x180000  }
0x22e: {  	[bflag:$0x0] =	sbarrier.arrive $0xFFFF  }
0x22f: {  	_ =	strace $0x90000047  }
0x230: {  	s0 =	stileid.u32;
	[bflag:$0x2] =	sbarrier.arrive $0xFFFF  }
0x231: {  	p0 =	sne.s32 s0, $0x0;
	s0 =	rddreg [dreg:$0x3]  }
0x232: {  	s0 =	sadd.s32 @!p0 $0x100000, s0  }
0x233: {  	[sflag:s0] =	ssyncadd.tile.s32 @!p0 $0x1;
	_ =	shalt  }
.Lfunc_end2:
_tile_overlayer_lowered:
.L_overlay_start_2:
0x234: {  	(tag) =	ssettag $0x2  }
0x235: {  	s0 =	rddreg [dreg:$0x0];
	s2 =	stileid.u32  }
0x236: {  	s1 =	rddreg [dreg:$0x1];
	p0 =	sne.s32 s2, $0x0  }
0x237: {  	s3 =	rddreg [dreg:$0x2];
	[bflag:$0x3] =	sbarrier.arrive $0xFFFF;
	s2 =	simm.s32 @!p0 $0x1C03  }
0x238: {  	[timem:s3], [sflag:s2] =	dma.local @!p0 [hbm:s0], s1  }
0x239: {  	s0 =	simm.s32 @!p0 $0x3  }
0x23a: {  	_ =	swait.ge @!p0 [sflag:s0], s1  }
0x23b: {  	s1 =	ssub.s32 @!p0 $0x0, s1;
	[sflag:s0] =	ssyncset.done @!p0 $0x0  }
0x23c: {  	[sflag:s0] =	ssyncadd.s32 @!p0 s1  }
0x23d: {  	[bflag:$0x3] =	sbarrier.arrive $0xFFFF  }
0x23e: {  	_ =	shalt  }

</sc_bundles>
